<compile_context>
chip_gen: v7x
topology: tpu7x:2x2x1
jax: 0.10.2.dev20260603
libtpu: 0.0.44.dev20260713+nightly
codegen_flags: <defaults>
</compile_context>

<pallas_src>
import functools
import math

import jax
import jax.numpy as jnp
from jax import lax
from jax.experimental import pallas as pl
from jax.experimental.pallas import tpu as pltpu
from jax.experimental.pallas import tpu_sc as plsc

_NC = 2
_NS = 16
_LANES = 16
_NW = _NC * _NS

_NBUF = 4


@functools.lru_cache(maxsize=None)
def _build(b_sz, l_sz, v, d, scale):
    assert b_sz % (_NW * _NBUF) == 0 and d % _LANES == 0 and l_sz % 8 == 0
    rows_w = b_sz // _NW
    per_w = rows_w * l_sz
    mesh = plsc.VectorSubcoreMesh(core_axis_name="c", subcore_axis_name="s")

    @functools.partial(
        pl.kernel,
        out_type=jax.ShapeDtypeStruct((b_sz, l_sz, d), jnp.float32),
        mesh=mesh,
        scratch_types=[
            pltpu.VMEM((rows_w, l_sz), jnp.int32),
            [pltpu.VMEM((l_sz, d), jnp.float32) for _ in range(_NBUF)],
            [pltpu.SemaphoreType.DMA for _ in range(_NBUF)],
            [pltpu.SemaphoreType.DMA for _ in range(_NBUF)],
        ],
        compiler_params=pltpu.CompilerParams(
            use_tc_tiling_on_sc=False, needs_layout_passes=False
        ),
    )
    def emb(table_hbm, idx_hbm, out_hbm, idx_v, rows, gsem, osem):
        wid = lax.axis_index("s") * _NC + lax.axis_index("c")
        row0 = wid * rows_w

        pltpu.sync_copy(idx_hbm.at[pl.ds(row0, rows_w)], idx_v)

        def start_gather(step, b):
            pltpu.async_copy(
                table_hbm.at[idx_v.at[step]],
                rows[b],
                gsem[b],
            )

        for b in range(_NBUF):
            start_gather(b, b)

        @pl.loop(0, rows_w, step=_NBUF)
        def _(r0):
            for b in range(_NBUF):
                step = r0 + b
                pltpu.make_async_copy(
                    table_hbm.at[pl.ds(0, l_sz)], rows[b], gsem[b]
                ).wait()

                @pl.loop(0, l_sz, unroll=8)
                def _(i):
                    for j in range(d // _LANES):
                        sl = pl.ds(j * _LANES, _LANES)
                        rows[b][i, sl] = rows[b][i, sl] * scale

                out_slice = out_hbm.at[row0 + step]
                pltpu.async_copy(rows[b], out_slice, osem[b])

                @pl.when(step + _NBUF < rows_w)
                def _():
                    pltpu.make_async_copy(rows[b], out_slice, osem[b]).wait()
                    start_gather(step + _NBUF, b)

        for b in range(_NBUF):
            pltpu.make_async_copy(rows[b], out_hbm.at[0], osem[b]).wait()

    return emb


def kernel(x, table):
    b_sz, l_sz = x.shape
    v, d = table.shape
    return _build(b_sz, l_sz, v, d, math.sqrt(d))(table, x.astype(jnp.int32))

# --- scband reference (transcript-rebuilt; emitter-appended) ---
"""Pipeline reference for scband-input-embedding-21904333209613 (READ-ONLY COPY).

The authoritative reference and input builder live on the scoring server;
editing this copy changes nothing except your own understanding.
"""

import jax, jax.numpy as jnp
import numpy as np

VOCAB = 1000000
D_MODEL = 64
B = 4096
L = 200

def setup_inputs(seed: int = 0) -> dict:
    key = jax.random.key(seed)
    k1, k2 = jax.random.split(key)
    x = jax.random.randint(k1, (B, L), 0, VOCAB, dtype=jnp.int64 if jax.config.jax_enable_x64 else jnp.int32)
    table = jax.random.normal(k2, (VOCAB, D_MODEL), dtype=jnp.float32) * 0.02
    return {"x": x, "table": table}

def reference(x, table):
    # Embedding lookup followed by scaling by sqrt(d_model), as in the torch module
    emb = jnp.take(table, x, axis=0)  # [B, L, D_MODEL]
    return emb * jnp.sqrt(jnp.asarray(D_MODEL, dtype=emb.dtype))

if __name__ == "__main__":
    import jax
    _d = setup_inputs()
    print(jax.jit(kernel)(*tuple(_d.values())))

</pallas_src>

<mosaic_0001>
#map = affine_map<(d0, d1) -> (0, 0)>
#map1 = affine_map<(d0, d1) -> (0, 0, 0)>
module attributes {stable_mosaic.version = 14 : i64} {
  func.func @emb(%arg0: i32, %arg1: i32, %arg2: memref<1000000x64xf32, #tpu.memory_space<hbm>>, %arg3: memref<4096x200xi32, #tpu.memory_space<hbm>>, %arg4: memref<4096x200x64xf32, #tpu.memory_space<hbm>>, %arg5: memref<128x200xi32, #tpu.memory_space<vmem>>, %arg6: memref<200x64xf32, #tpu.memory_space<vmem>>, %arg7: memref<200x64xf32, #tpu.memory_space<vmem>>, %arg8: memref<200x64xf32, #tpu.memory_space<vmem>>, %arg9: memref<200x64xf32, #tpu.memory_space<vmem>>, %arg10: memref<!tpu.dma_semaphore, #tpu.memory_space<semaphore_mem>>, %arg11: memref<!tpu.dma_semaphore, #tpu.memory_space<semaphore_mem>>, %arg12: memref<!tpu.dma_semaphore, #tpu.memory_space<semaphore_mem>>, %arg13: memref<!tpu.dma_semaphore, #tpu.memory_space<semaphore_mem>>, %arg14: memref<!tpu.dma_semaphore, #tpu.memory_space<semaphore_mem>>, %arg15: memref<!tpu.dma_semaphore, #tpu.memory_space<semaphore_mem>>, %arg16: memref<!tpu.dma_semaphore, #tpu.memory_space<semaphore_mem>>, %arg17: memref<!tpu.dma_semaphore, #tpu.memory_space<semaphore_mem>>) attributes {dimension_semantics = [#tpu.dimension_semantics<core_parallel>, #tpu.dimension_semantics<subcore_parallel>], iteration_bounds = array<i64: 2, 16>, scalar_prefetch = 0 : i64, scratch_operands = 13 : i64, tpu.core_type = #tpu.core_type<sc_vector_subcore>, window_params = [{transform_indices = #map}, {transform_indices = #map}, {transform_indices = #map1}]} {
    %mul3A = arith.constant 2 : i32
    %mul3A_0 = arith.muli %arg1, %mul3A : i32
    %add3A = arith.addi %mul3A_0, %arg0 : i32
    %mul3A_1 = arith.constant 128 : i32
    %mul3A_2 = arith.muli %add3A, %mul3A_1 : i32
    "tpu.region"() ({
      %run_scoped3A = tpu.sem_alloc : memref<!tpu.dma_semaphore, #tpu.memory_space<semaphore_mem>>
      %dma_start3A_69 = arith.constant 0 : i32
      %dma_start3A_70 = tpu.memref_slice %arg3[%mul3A_2, %dma_start3A_69] : memref<4096x200xi32, #tpu.memory_space<hbm>> -> memref<128x200xi32, #tpu.memory_space<hbm>>
      %dma_start3A_71 = arith.constant 0 : i32
      %dma_start3A_72 = tpu.memref_slice %arg3[%mul3A_2, %dma_start3A_71] : memref<4096x200xi32, #tpu.memory_space<hbm>> -> memref<128x200xi32, #tpu.memory_space<hbm>>
      tpu.enqueue_dma source(%dma_start3A_72 : memref<128x200xi32, #tpu.memory_space<hbm>>) target(%arg5 : memref<128x200xi32, #tpu.memory_space<vmem>>) target_semaphore(%run_scoped3A : memref<!tpu.dma_semaphore, #tpu.memory_space<semaphore_mem>>)
      %dma_wait3A_73 = arith.constant 0 : i32
      %dma_wait3A_74 = tpu.memref_slice %arg3[%mul3A_2, %dma_wait3A_73] : memref<4096x200xi32, #tpu.memory_space<hbm>> -> memref<128x200xi32, #tpu.memory_space<hbm>>
      %dma_wait3A_75 = arith.constant 0 : i32
      %dma_wait3A_76 = tpu.memref_slice %arg3[%mul3A_2, %dma_wait3A_75] : memref<4096x200xi32, #tpu.memory_space<hbm>> -> memref<128x200xi32, #tpu.memory_space<hbm>>
      tpu.wait_dma2 semaphore(%run_scoped3A : memref<!tpu.dma_semaphore, #tpu.memory_space<semaphore_mem>>) src(%dma_wait3A_76 : memref<128x200xi32, #tpu.memory_space<hbm>>) dst(%arg5 : memref<128x200xi32, #tpu.memory_space<vmem>>)
      tpu.yield
    }) : () -> ()
    %dma_start3A = arith.constant 0 : i32
    %dma_start3A_3 = arith.constant 0 : i32
    %dma_start3A_4 = tpu.memref_slice %arg5[%dma_start3A, %dma_start3A_3] : memref<128x200xi32, #tpu.memory_space<vmem>> -> memref<1x200xi32, #tpu.memory_space<vmem>>
    %dma_start3A_5 = tpu.memref_squeeze %dma_start3A_4 : memref<1x200xi32, #tpu.memory_space<vmem>> -> memref<200xi32, #tpu.memory_space<vmem>>
    %dma_start3A_6 = arith.constant 0 : i32
    %dma_start3A_7 = arith.constant 0 : i32
    %dma_start3A_8 = tpu.memref_slice %arg2[%dma_start3A_6, %dma_start3A_7] : memref<1000000x64xf32, #tpu.memory_space<hbm>> -> memref<1000000x64xf32, #tpu.memory_space<hbm>>
    tpu.enqueue_indirect_dma source(%dma_start3A_8 : memref<1000000x64xf32, #tpu.memory_space<hbm>>) target(%arg6 : memref<200x64xf32, #tpu.memory_space<vmem>>) offsets(%dma_start3A_5 : memref<200xi32, #tpu.memory_space<vmem>>) semaphore(%arg10 : memref<!tpu.dma_semaphore, #tpu.memory_space<semaphore_mem>>)
    %dma_start3A_9 = arith.constant 1 : i32
    %dma_start3A_10 = arith.constant 0 : i32
    %dma_start3A_11 = tpu.memref_slice %arg5[%dma_start3A_9, %dma_start3A_10] : memref<128x200xi32, #tpu.memory_space<vmem>> -> memref<1x200xi32, #tpu.memory_space<vmem>>
    %dma_start3A_12 = tpu.memref_squeeze %dma_start3A_11 : memref<1x200xi32, #tpu.memory_space<vmem>> -> memref<200xi32, #tpu.memory_space<vmem>>
    %dma_start3A_13 = arith.constant 0 : i32
    %dma_start3A_14 = arith.constant 0 : i32
    %dma_start3A_15 = tpu.memref_slice %arg2[%dma_start3A_13, %dma_start3A_14] : memref<1000000x64xf32, #tpu.memory_space<hbm>> -> memref<1000000x64xf32, #tpu.memory_space<hbm>>
    tpu.enqueue_indirect_dma source(%dma_start3A_15 : memref<1000000x64xf32, #tpu.memory_space<hbm>>) target(%arg7 : memref<200x64xf32, #tpu.memory_space<vmem>>) offsets(%dma_start3A_12 : memref<200xi32, #tpu.memory_space<vmem>>) semaphore(%arg11 : memref<!tpu.dma_semaphore, #tpu.memory_space<semaphore_mem>>)
    %dma_start3A_16 = arith.constant 2 : i32
    %dma_start3A_17 = arith.constant 0 : i32
    %dma_start3A_18 = tpu.memref_slice %arg5[%dma_start3A_16, %dma_start3A_17] : memref<128x200xi32, #tpu.memory_space<vmem>> -> memref<1x200xi32, #tpu.memory_space<vmem>>
    %dma_start3A_19 = tpu.memref_squeeze %dma_start3A_18 : memref<1x200xi32, #tpu.memory_space<vmem>> -> memref<200xi32, #tpu.memory_space<vmem>>
    %dma_start3A_20 = arith.constant 0 : i32
    %dma_start3A_21 = arith.constant 0 : i32
    %dma_start3A_22 = tpu.memref_slice %arg2[%dma_start3A_20, %dma_start3A_21] : memref<1000000x64xf32, #tpu.memory_space<hbm>> -> memref<1000000x64xf32, #tpu.memory_space<hbm>>
    tpu.enqueue_indirect_dma source(%dma_start3A_22 : memref<1000000x64xf32, #tpu.memory_space<hbm>>) target(%arg8 : memref<200x64xf32, #tpu.memory_space<vmem>>) offsets(%dma_start3A_19 : memref<200xi32, #tpu.memory_space<vmem>>) semaphore(%arg12 : memref<!tpu.dma_semaphore, #tpu.memory_space<semaphore_mem>>)
    %dma_start3A_23 = arith.constant 3 : i32
    %dma_start3A_24 = arith.constant 0 : i32
    %dma_start3A_25 = tpu.memref_slice %arg5[%dma_start3A_23, %dma_start3A_24] : memref<128x200xi32, #tpu.memory_space<vmem>> -> memref<1x200xi32, #tpu.memory_space<vmem>>
    %dma_start3A_26 = tpu.memref_squeeze %dma_start3A_25 : memref<1x200xi32, #tpu.memory_space<vmem>> -> memref<200xi32, #tpu.memory_space<vmem>>
    %dma_start3A_27 = arith.constant 0 : i32
    %dma_start3A_28 = arith.constant 0 : i32
    %dma_start3A_29 = tpu.memref_slice %arg2[%dma_start3A_27, %dma_start3A_28] : memref<1000000x64xf32, #tpu.memory_space<hbm>> -> memref<1000000x64xf32, #tpu.memory_space<hbm>>
    tpu.enqueue_indirect_dma source(%dma_start3A_29 : memref<1000000x64xf32, #tpu.memory_space<hbm>>) target(%arg9 : memref<200x64xf32, #tpu.memory_space<vmem>>) offsets(%dma_start3A_26 : memref<200xi32, #tpu.memory_space<vmem>>) semaphore(%arg13 : memref<!tpu.dma_semaphore, #tpu.memory_space<semaphore_mem>>)
    %scan3A = arith.constant 0 : i32
    %scan3A_30 = arith.constant 32 : i32
    %scan3A_31 = arith.addi %scan3A, %scan3A_30 : i32
    %scan3A_32 = arith.constant 1 : i32
    scf.for %scan3A_69 = %scan3A to %scan3A_31 step %scan3A_32  : i32 {
      %mul3A_70 = arith.constant 4 : i32
      %mul3A_71 = arith.muli %scan3A_69, %mul3A_70 : i32
      %add3A_72 = arith.constant 0 : i32
      %add3A_73 = arith.addi %add3A_72, %mul3A_71 : i32
      %add3A_74 = arith.constant 0 : i32
      %add3A_75 = arith.addi %add3A_73, %add3A_74 : i32
      %dma_wait3A_76 = arith.constant 0 : i32
      %dma_wait3A_77 = arith.constant 0 : i32
      %dma_wait3A_78 = tpu.memref_slice %arg2[%dma_wait3A_76, %dma_wait3A_77] : memref<1000000x64xf32, #tpu.memory_space<hbm>> -> memref<200x64xf32, #tpu.memory_space<hbm>>
      %dma_wait3A_79 = arith.constant 0 : i32
      %dma_wait3A_80 = arith.constant 0 : i32
      %dma_wait3A_81 = tpu.memref_slice %arg2[%dma_wait3A_79, %dma_wait3A_80] : memref<1000000x64xf32, #tpu.memory_space<hbm>> -> memref<200x64xf32, #tpu.memory_space<hbm>>
      tpu.wait_dma2 semaphore(%arg10 : memref<!tpu.dma_semaphore, #tpu.memory_space<semaphore_mem>>) src(%dma_wait3A_81 : memref<200x64xf32, #tpu.memory_space<hbm>>) dst(%arg6 : memref<200x64xf32, #tpu.memory_space<vmem>>)
      %scan3A_82 = arith.constant 0 : i32
      %scan3A_83 = arith.constant 200 : i32
      %scan3A_84 = arith.addi %scan3A_82, %scan3A_83 : i32
      %scan3A_85 = arith.constant 8 : i32
      scf.for %scan3A_187 = %scan3A_82 to %scan3A_84 step %scan3A_85  : i32 {
        %mul3A_188 = arith.constant 1 : i32
        %mul3A_189 = arith.muli %scan3A_187, %mul3A_188 : i32
        %add3A_190 = arith.constant 0 : i32
        %add3A_191 = arith.addi %add3A_190, %mul3A_189 : i32
        %get3A = arith.index_cast %add3A_191 : i32 to index
        %get3A_192 = arith.constant 0 : index
        %get3A_193 = tpu.vector_load %arg6[%get3A, %get3A_192] {strides = array<i32>} : memref<200x64xf32, #tpu.memory_space<vmem>>, vector<16xf32>,
        %mul3A_194 = arith.constant 8.000000e+00 : f32
        %mul3A_195 = vector.broadcast %mul3A_194 : f32 to vector<16xf32>
        %mul3A_196 = arith.mulf %get3A_193, %mul3A_195 : vector<16xf32>
        %swap3A = arith.index_cast %add3A_191 : i32 to index
        %swap3A_197 = arith.constant 0 : index
        %swap3A_198 = tpu.vector_load %arg6[%swap3A, %swap3A_197] {strides = array<i32>} : memref<200x64xf32, #tpu.memory_space<vmem>>, vector<16xf32>,
        tpu.vector_store %arg6[%swap3A, %swap3A_197], %mul3A_196 {strides = array<i32>} : memref<200x64xf32, #tpu.memory_space<vmem>>, vector<16xf32>,
        %get3A_199 = arith.index_cast %add3A_191 : i32 to index
        %get3A_200 = arith.constant 16 : index
        %get3A_201 = tpu.vector_load %arg6[%get3A_199, %get3A_200] {strides = array<i32>} : memref<200x64xf32, #tpu.memory_space<vmem>>, vector<16xf32>,
        %mul3A_202 = arith.constant 8.000000e+00 : f32
        %mul3A_203 = vector.broadcast %mul3A_202 : f32 to vector<16xf32>
        %mul3A_204 = arith.mulf %get3A_201, %mul3A_203 : vector<16xf32>
        %swap3A_205 = arith.index_cast %add3A_191 : i32 to index
        %swap3A_206 = arith.constant 16 : index
        %swap3A_207 = tpu.vector_load %arg6[%swap3A_205, %swap3A_206] {strides = array<i32>} : memref<200x64xf32, #tpu.memory_space<vmem>>, vector<16xf32>,
        tpu.vector_store %arg6[%swap3A_205, %swap3A_206], %mul3A_204 {strides = array<i32>} : memref<200x64xf32, #tpu.memory_space<vmem>>, vector<16xf32>,
        %get3A_208 = arith.index_cast %add3A_191 : i32 to index
        %get3A_209 = arith.constant 32 : index
        %get3A_210 = tpu.vector_load %arg6[%get3A_208, %get3A_209] {strides = array<i32>} : memref<200x64xf32, #tpu.memory_space<vmem>>, vector<16xf32>,
        %mul3A_211 = arith.constant 8.000000e+00 : f32
        %mul3A_212 = vector.broadcast %mul3A_211 : f32 to vector<16xf32>
        %mul3A_213 = arith.mulf %get3A_210, %mul3A_212 : vector<16xf32>
        %swap3A_214 = arith.index_cast %add3A_191 : i32 to index
        %swap3A_215 = arith.constant 32 : index
        %swap3A_216 = tpu.vector_load %arg6[%swap3A_214, %swap3A_215] {strides = array<i32>} : memref<200x64xf32, #tpu.memory_space<vmem>>, vector<16xf32>,
        tpu.vector_store %arg6[%swap3A_214, %swap3A_215], %mul3A_213 {strides = array<i32>} : memref<200x64xf32, #tpu.memory_space<vmem>>, vector<16xf32>,
        %get3A_217 = arith.index_cast %add3A_191 : i32 to index
        %get3A_218 = arith.constant 48 : index
        %get3A_219 = tpu.vector_load %arg6[%get3A_217, %get3A_218] {strides = array<i32>} : memref<200x64xf32, #tpu.memory_space<vmem>>, vector<16xf32>,
        %mul3A_220 = arith.constant 8.000000e+00 : f32
        %mul3A_221 = vector.broadcast %mul3A_220 : f32 to vector<16xf32>
        %mul3A_222 = arith.mulf %get3A_219, %mul3A_221 : vector<16xf32>
        %swap3A_223 = arith.index_cast %add3A_191 : i32 to index
        %swap3A_224 = arith.constant 48 : index
        %swap3A_225 = tpu.vector_load %arg6[%swap3A_223, %swap3A_224] {strides = array<i32>} : memref<200x64xf32, #tpu.memory_space<vmem>>, vector<16xf32>,
        tpu.vector_store %arg6[%swap3A_223, %swap3A_224], %mul3A_222 {strides = array<i32>} : memref<200x64xf32, #tpu.memory_space<vmem>>, vector<16xf32>,
        %scan3A_226 = arith.constant 1 : i32
        %scan3A_227 = arith.addi %scan3A_187, %scan3A_226 : i32
        %mul3A_228 = arith.constant 1 : i32
        %mul3A_229 = arith.muli %scan3A_227, %mul3A_228 : i32
        %add3A_230 = arith.constant 0 : i32
        %add3A_231 = arith.addi %add3A_230, %mul3A_229 : i32
        %get3A_232 = arith.index_cast %add3A_231 : i32 to index
        %get3A_233 = arith.constant 0 : index
        %get3A_234 = tpu.vector_load %arg6[%get3A_232, %get3A_233] {strides = array<i32>} : memref<200x64xf32, #tpu.memory_space<vmem>>, vector<16xf32>,
        %mul3A_235 = arith.constant 8.000000e+00 : f32
        %mul3A_236 = vector.broadcast %mul3A_235 : f32 to vector<16xf32>
        %mul3A_237 = arith.mulf %get3A_234, %mul3A_236 : vector<16xf32>
        %swap3A_238 = arith.index_cast %add3A_231 : i32 to index
        %swap3A_239 = arith.constant 0 : index
        %swap3A_240 = tpu.vector_load %arg6[%swap3A_238, %swap3A_239] {strides = array<i32>} : memref<200x64xf32, #tpu.memory_space<vmem>>, vector<16xf32>,
        tpu.vector_store %arg6[%swap3A_238, %swap3A_239], %mul3A_237 {strides = array<i32>} : memref<200x64xf32, #tpu.memory_space<vmem>>, vector<16xf32>,
        %get3A_241 = arith.index_cast %add3A_231 : i32 to index
        %get3A_242 = arith.constant 16 : index
        %get3A_243 = tpu.vector_load %arg6[%get3A_241, %get3A_242] {strides = array<i32>} : memref<200x64xf32, #tpu.memory_space<vmem>>, vector<16xf32>,
        %mul3A_244 = arith.constant 8.000000e+00 : f32
        %mul3A_245 = vector.broadcast %mul3A_244 : f32 to vector<16xf32>
        %mul3A_246 = arith.mulf %get3A_243, %mul3A_245 : vector<16xf32>
        %swap3A_247 = arith.index_cast %add3A_231 : i32 to index
        %swap3A_248 = arith.constant 16 : index
        %swap3A_249 = tpu.vector_load %arg6[%swap3A_247, %swap3A_248] {strides = array<i32>} : memref<200x64xf32, #tpu.memory_space<vmem>>, vector<16xf32>,
        tpu.vector_store %arg6[%swap3A_247, %swap3A_248], %mul3A_246 {strides = array<i32>} : memref<200x64xf32, #tpu.memory_space<vmem>>, vector<16xf32>,
        %get3A_250 = arith.index_cast %add3A_231 : i32 to index
        %get3A_251 = arith.constant 32 : index
        %get3A_252 = tpu.vector_load %arg6[%get3A_250, %get3A_251] {strides = array<i32>} : memref<200x64xf32, #tpu.memory_space<vmem>>, vector<16xf32>,
        %mul3A_253 = arith.constant 8.000000e+00 : f32
        %mul3A_254 = vector.broadcast %mul3A_253 : f32 to vector<16xf32>
        %mul3A_255 = arith.mulf %get3A_252, %mul3A_254 : vector<16xf32>
        %swap3A_256 = arith.index_cast %add3A_231 : i32 to index
        %swap3A_257 = arith.constant 32 : index
        %swap3A_258 = tpu.vector_load %arg6[%swap3A_256, %swap3A_257] {strides = array<i32>} : memref<200x64xf32, #tpu.memory_space<vmem>>, vector<16xf32>,
        tpu.vector_store %arg6[%swap3A_256, %swap3A_257], %mul3A_255 {strides = array<i32>} : memref<200x64xf32, #tpu.memory_space<vmem>>, vector<16xf32>,
        %get3A_259 = arith.index_cast %add3A_231 : i32 to index
        %get3A_260 = arith.constant 48 : index
        %get3A_261 = tpu.vector_load %arg6[%get3A_259, %get3A_260] {strides = array<i32>} : memref<200x64xf32, #tpu.memory_space<vmem>>, vector<16xf32>,
        %mul3A_262 = arith.constant 8.000000e+00 : f32
        %mul3A_263 = vector.broadcast %mul3A_262 : f32 to vector<16xf32>
        %mul3A_264 = arith.mulf %get3A_261, %mul3A_263 : vector<16xf32>
        %swap3A_265 = arith.index_cast %add3A_231 : i32 to index
        %swap3A_266 = arith.constant 48 : index
        %swap3A_267 = tpu.vector_load %arg6[%swap3A_265, %swap3A_266] {strides = array<i32>} : memref<200x64xf32, #tpu.memory_space<vmem>>, vector<16xf32>,
        tpu.vector_store %arg6[%swap3A_265, %swap3A_266], %mul3A_264 {strides = array<i32>} : memref<200x64xf32, #tpu.memory_space<vmem>>, vector<16xf32>,
        %scan3A_268 = arith.constant 2 : i32
        %scan3A_269 = arith.addi %scan3A_187, %scan3A_268 : i32
        %mul3A_270 = arith.constant 1 : i32
        %mul3A_271 = arith.muli %scan3A_269, %mul3A_270 : i32
        %add3A_272 = arith.constant 0 : i32
        %add3A_273 = arith.addi %add3A_272, %mul3A_271 : i32
        %get3A_274 = arith.index_cast %add3A_273 : i32 to index
        %get3A_275 = arith.constant 0 : index
        %get3A_276 = tpu.vector_load %arg6[%get3A_274, %get3A_275] {strides = array<i32>} : memref<200x64xf32, #tpu.memory_space<vmem>>, vector<16xf32>,
        %mul3A_277 = arith.constant 8.000000e+00 : f32
        %mul3A_278 = vector.broadcast %mul3A_277 : f32 to vector<16xf32>
        %mul3A_279 = arith.mulf %get3A_276, %mul3A_278 : vector<16xf32>
        %swap3A_280 = arith.index_cast %add3A_273 : i32 to index
        %swap3A_281 = arith.constant 0 : index
        %swap3A_282 = tpu.vector_load %arg6[%swap3A_280, %swap3A_281] {strides = array<i32>} : memref<200x64xf32, #tpu.memory_space<vmem>>, vector<16xf32>,
        tpu.vector_store %arg6[%swap3A_280, %swap3A_281], %mul3A_279 {strides = array<i32>} : memref<200x64xf32, #tpu.memory_space<vmem>>, vector<16xf32>,
        %get3A_283 = arith.index_cast %add3A_273 : i32 to index
        %get3A_284 = arith.constant 16 : index
        %get3A_285 = tpu.vector_load %arg6[%get3A_283, %get3A_284] {strides = array<i32>} : memref<200x64xf32, #tpu.memory_space<vmem>>, vector<16xf32>,
        %mul3A_286 = arith.constant 8.000000e+00 : f32
        %mul3A_287 = vector.broadcast %mul3A_286 : f32 to vector<16xf32>
        %mul3A_288 = arith.mulf %get3A_285, %mul3A_287 : vector<16xf32>
        %swap3A_289 = arith.index_cast %add3A_273 : i32 to index
        %swap3A_290 = arith.constant 16 : index
        %swap3A_291 = tpu.vector_load %arg6[%swap3A_289, %swap3A_290] {strides = array<i32>} : memref<200x64xf32, #tpu.memory_space<vmem>>, vector<16xf32>,
        tpu.vector_store %arg6[%swap3A_289, %swap3A_290], %mul3A_288 {strides = array<i32>} : memref<200x64xf32, #tpu.memory_space<vmem>>, vector<16xf32>,
        %get3A_292 = arith.index_cast %add3A_273 : i32 to index
        %get3A_293 = arith.constant 32 : index
        %get3A_294 = tpu.vector_load %arg6[%get3A_292, %get3A_293] {strides = array<i32>} : memref<200x64xf32, #tpu.memory_space<vmem>>, vector<16xf32>,
        %mul3A_295 = arith.constant 8.000000e+00 : f32
        %mul3A_296 = vector.broadcast %mul3A_295 : f32 to vector<16xf32>
        %mul3A_297 = arith.mulf %get3A_294, %mul3A_296 : vector<16xf32>
        %swap3A_298 = arith.index_cast %add3A_273 : i32 to index
        %swap3A_299 = arith.constant 32 : index
        %swap3A_300 = tpu.vector_load %arg6[%swap3A_298, %swap3A_299] {strides = array<i32>} : memref<200x64xf32, #tpu.memory_space<vmem>>, vector<16xf32>,
        tpu.vector_store %arg6[%swap3A_298, %swap3A_299], %mul3A_297 {strides = array<i32>} : memref<200x64xf32, #tpu.memory_space<vmem>>, vector<16xf32>,
        %get3A_301 = arith.index_cast %add3A_273 : i32 to index
        %get3A_302 = arith.constant 48 : index
        %get3A_303 = tpu.vector_load %arg6[%get3A_301, %get3A_302] {strides = array<i32>} : memref<200x64xf32, #tpu.memory_space<vmem>>, vector<16xf32>,
        %mul3A_304 = arith.constant 8.000000e+00 : f32
        %mul3A_305 = vector.broadcast %mul3A_304 : f32 to vector<16xf32>
        %mul3A_306 = arith.mulf %get3A_303, %mul3A_305 : vector<16xf32>
        %swap3A_307 = arith.index_cast %add3A_273 : i32 to index
        %swap3A_308 = arith.constant 48 : index
        %swap3A_309 = tpu.vector_load %arg6[%swap3A_307, %swap3A_308] {strides = array<i32>} : memref<200x64xf32, #tpu.memory_space<vmem>>, vector<16xf32>,
        tpu.vector_store %arg6[%swap3A_307, %swap3A_308], %mul3A_306 {strides = array<i32>} : memref<200x64xf32, #tpu.memory_space<vmem>>, vector<16xf32>,
        %scan3A_310 = arith.constant 3 : i32
        %scan3A_311 = arith.addi %scan3A_187, %scan3A_310 : i32
        %mul3A_312 = arith.constant 1 : i32
        %mul3A_313 = arith.muli %scan3A_311, %mul3A_312 : i32
        %add3A_314 = arith.constant 0 : i32
        %add3A_315 = arith.addi %add3A_314, %mul3A_313 : i32
        %get3A_316 = arith.index_cast %add3A_315 : i32 to index
        %get3A_317 = arith.constant 0 : index
        %get3A_318 = tpu.vector_load %arg6[%get3A_316, %get3A_317] {strides = array<i32>} : memref<200x64xf32, #tpu.memory_space<vmem>>, vector<16xf32>,
        %mul3A_319 = arith.constant 8.000000e+00 : f32
        %mul3A_320 = vector.broadcast %mul3A_319 : f32 to vector<16xf32>
        %mul3A_321 = arith.mulf %get3A_318, %mul3A_320 : vector<16xf32>
        %swap3A_322 = arith.index_cast %add3A_315 : i32 to index
        %swap3A_323 = arith.constant 0 : index
        %swap3A_324 = tpu.vector_load %arg6[%swap3A_322, %swap3A_323] {strides = array<i32>} : memref<200x64xf32, #tpu.memory_space<vmem>>, vector<16xf32>,
        tpu.vector_store %arg6[%swap3A_322, %swap3A_323], %mul3A_321 {strides = array<i32>} : memref<200x64xf32, #tpu.memory_space<vmem>>, vector<16xf32>,
        %get3A_325 = arith.index_cast %add3A_315 : i32 to index
        %get3A_326 = arith.constant 16 : index
        %get3A_327 = tpu.vector_load %arg6[%get3A_325, %get3A_326] {strides = array<i32>} : memref<200x64xf32, #tpu.memory_space<vmem>>, vector<16xf32>,
        %mul3A_328 = arith.constant 8.000000e+00 : f32
        %mul3A_329 = vector.broadcast %mul3A_328 : f32 to vector<16xf32>
        %mul3A_330 = arith.mulf %get3A_327, %mul3A_329 : vector<16xf32>
        %swap3A_331 = arith.index_cast %add3A_315 : i32 to index
        %swap3A_332 = arith.constant 16 : index
        %swap3A_333 = tpu.vector_load %arg6[%swap3A_331, %swap3A_332] {strides = array<i32>} : memref<200x64xf32, #tpu.memory_space<vmem>>, vector<16xf32>,
        tpu.vector_store %arg6[%swap3A_331, %swap3A_332], %mul3A_330 {strides = array<i32>} : memref<200x64xf32, #tpu.memory_space<vmem>>, vector<16xf32>,
        %get3A_334 = arith.index_cast %add3A_315 : i32 to index
        %get3A_335 = arith.constant 32 : index
        %get3A_336 = tpu.vector_load %arg6[%get3A_334, %get3A_335] {strides = array<i32>} : memref<200x64xf32, #tpu.memory_space<vmem>>, vector<16xf32>,
        %mul3A_337 = arith.constant 8.000000e+00 : f32
        %mul3A_338 = vector.broadcast %mul3A_337 : f32 to vector<16xf32>
        %mul3A_339 = arith.mulf %get3A_336, %mul3A_338 : vector<16xf32>
        %swap3A_340 = arith.index_cast %add3A_315 : i32 to index
        %swap3A_341 = arith.constant 32 : index
        %swap3A_342 = tpu.vector_load %arg6[%swap3A_340, %swap3A_341] {strides = array<i32>} : memref<200x64xf32, #tpu.memory_space<vmem>>, vector<16xf32>,
        tpu.vector_store %arg6[%swap3A_340, %swap3A_341], %mul3A_339 {strides = array<i32>} : memref<200x64xf32, #tpu.memory_space<vmem>>, vector<16xf32>,
        %get3A_343 = arith.index_cast %add3A_315 : i32 to index
        %get3A_344 = arith.constant 48 : index
        %get3A_345 = tpu.vector_load %arg6[%get3A_343, %get3A_344] {strides = array<i32>} : memref<200x64xf32, #tpu.memory_space<vmem>>, vector<16xf32>,
        %mul3A_346 = arith.constant 8.000000e+00 : f32
        %mul3A_347 = vector.broadcast %mul3A_346 : f32 to vector<16xf32>
        %mul3A_348 = arith.mulf %get3A_345, %mul3A_347 : vector<16xf32>
        %swap3A_349 = arith.index_cast %add3A_315 : i32 to index
        %swap3A_350 = arith.constant 48 : index
        %swap3A_351 = tpu.vector_load %arg6[%swap3A_349, %swap3A_350] {strides = array<i32>} : memref<200x64xf32, #tpu.memory_space<vmem>>, vector<16xf32>,
        tpu.vector_store %arg6[%swap3A_349, %swap3A_350], %mul3A_348 {strides = array<i32>} : memref<200x64xf32, #tpu.memory_space<vmem>>, vector<16xf32>,
        %scan3A_352 = arith.constant 4 : i32
        %scan3A_353 = arith.addi %scan3A_187, %scan3A_352 : i32
        %mul3A_354 = arith.constant 1 : i32
        %mul3A_355 = arith.muli %scan3A_353, %mul3A_354 : i32
        %add3A_356 = arith.constant 0 : i32
        %add3A_357 = arith.addi %add3A_356, %mul3A_355 : i32
        %get3A_358 = arith.index_cast %add3A_357 : i32 to index
        %get3A_359 = arith.constant 0 : index
        %get3A_360 = tpu.vector_load %arg6[%get3A_358, %get3A_359] {strides = array<i32>} : memref<200x64xf32, #tpu.memory_space<vmem>>, vector<16xf32>,
        %mul3A_361 = arith.constant 8.000000e+00 : f32
        %mul3A_362 = vector.broadcast %mul3A_361 : f32 to vector<16xf32>
        %mul3A_363 = arith.mulf %get3A_360, %mul3A_362 : vector<16xf32>
        %swap3A_364 = arith.index_cast %add3A_357 : i32 to index
        %swap3A_365 = arith.constant 0 : index
        %swap3A_366 = tpu.vector_load %arg6[%swap3A_364, %swap3A_365] {strides = array<i32>} : memref<200x64xf32, #tpu.memory_space<vmem>>, vector<16xf32>,
        tpu.vector_store %arg6[%swap3A_364, %swap3A_365], %mul3A_363 {strides = array<i32>} : memref<200x64xf32, #tpu.memory_space<vmem>>, vector<16xf32>,
        %get3A_367 = arith.index_cast %add3A_357 : i32 to index
        %get3A_368 = arith.constant 16 : index
        %get3A_369 = tpu.vector_load %arg6[%get3A_367, %get3A_368] {strides = array<i32>} : memref<200x64xf32, #tpu.memory_space<vmem>>, vector<16xf32>,
        %mul3A_370 = arith.constant 8.000000e+00 : f32
        %mul3A_371 = vector.broadcast %mul3A_370 : f32 to vector<16xf32>
        %mul3A_372 = arith.mulf %get3A_369, %mul3A_371 : vector<16xf32>
        %swap3A_373 = arith.index_cast %add3A_357 : i32 to index
        %swap3A_374 = arith.constant 16 : index
        %swap3A_375 = tpu.vector_load %arg6[%swap3A_373, %swap3A_374] {strides = array<i32>} : memref<200x64xf32, #tpu.memory_space<vmem>>, vector<16xf32>,
        tpu.vector_store %arg6[%swap3A_373, %swap3A_374], %mul3A_372 {strides = array<i32>} : memref<200x64xf32, #tpu.memory_space<vmem>>, vector<16xf32>,
        %get3A_376 = arith.index_cast %add3A_357 : i32 to index
        %get3A_377 = arith.constant 32 : index
        %get3A_378 = tpu.vector_load %arg6[%get3A_376, %get3A_377] {strides = array<i32>} : memref<200x64xf32, #tpu.memory_space<vmem>>, vector<16xf32>,
        %mul3A_379 = arith.constant 8.000000e+00 : f32
        %mul3A_380 = vector.broadcast %mul3A_379 : f32 to vector<16xf32>
        %mul3A_381 = arith.mulf %get3A_378, %mul3A_380 : vector<16xf32>
        %swap3A_382 = arith.index_cast %add3A_357 : i32 to index
        %swap3A_383 = arith.constant 32 : index
        %swap3A_384 = tpu.vector_load %arg6[%swap3A_382, %swap3A_383] {strides = array<i32>} : memref<200x64xf32, #tpu.memory_space<vmem>>, vector<16xf32>,
        tpu.vector_store %arg6[%swap3A_382, %swap3A_383], %mul3A_381 {strides = array<i32>} : memref<200x64xf32, #tpu.memory_space<vmem>>, vector<16xf32>,
        %get3A_385 = arith.index_cast %add3A_357 : i32 to index
        %get3A_386 = arith.constant 48 : index
        %get3A_387 = tpu.vector_load %arg6[%get3A_385, %get3A_386] {strides = array<i32>} : memref<200x64xf32, #tpu.memory_space<vmem>>, vector<16xf32>,
        %mul3A_388 = arith.constant 8.000000e+00 : f32
        %mul3A_389 = vector.broadcast %mul3A_388 : f32 to vector<16xf32>
        %mul3A_390 = arith.mulf %get3A_387, %mul3A_389 : vector<16xf32>
        %swap3A_391 = arith.index_cast %add3A_357 : i32 to index
        %swap3A_392 = arith.constant 48 : index
        %swap3A_393 = tpu.vector_load %arg6[%swap3A_391, %swap3A_392] {strides = array<i32>} : memref<200x64xf32, #tpu.memory_space<vmem>>, vector<16xf32>,
        tpu.vector_store %arg6[%swap3A_391, %swap3A_392], %mul3A_390 {strides = array<i32>} : memref<200x64xf32, #tpu.memory_space<vmem>>, vector<16xf32>,
        %scan3A_394 = arith.constant 5 : i32
        %scan3A_395 = arith.addi %scan3A_187, %scan3A_394 : i32
        %mul3A_396 = arith.constant 1 : i32
        %mul3A_397 = arith.muli %scan3A_395, %mul3A_396 : i32
        %add3A_398 = arith.constant 0 : i32
        %add3A_399 = arith.addi %add3A_398, %mul3A_397 : i32
        %get3A_400 = arith.index_cast %add3A_399 : i32 to index
        %get3A_401 = arith.constant 0 : index
        %get3A_402 = tpu.vector_load %arg6[%get3A_400, %get3A_401] {strides = array<i32>} : memref<200x64xf32, #tpu.memory_space<vmem>>, vector<16xf32>,
        %mul3A_403 = arith.constant 8.000000e+00 : f32
        %mul3A_404 = vector.broadcast %mul3A_403 : f32 to vector<16xf32>
        %mul3A_405 = arith.mulf %get3A_402, %mul3A_404 : vector<16xf32>
        %swap3A_406 = arith.index_cast %add3A_399 : i32 to index
        %swap3A_407 = arith.constant 0 : index
        %swap3A_408 = tpu.vector_load %arg6[%swap3A_406, %swap3A_407] {strides = array<i32>} : memref<200x64xf32, #tpu.memory_space<vmem>>, vector<16xf32>,
        tpu.vector_store %arg6[%swap3A_406, %swap3A_407], %mul3A_405 {strides = array<i32>} : memref<200x64xf32, #tpu.memory_space<vmem>>, vector<16xf32>,
        %get3A_409 = arith.index_cast %add3A_399 : i32 to index
        %get3A_410 = arith.constant 16 : index
        %get3A_411 = tpu.vector_load %arg6[%get3A_409, %get3A_410] {strides = array<i32>} : memref<200x64xf32, #tpu.memory_space<vmem>>, vector<16xf32>,
        %mul3A_412 = arith.constant 8.000000e+00 : f32
        %mul3A_413 = vector.broadcast %mul3A_412 : f32 to vector<16xf32>
        %mul3A_414 = arith.mulf %get3A_411, %mul3A_413 : vector<16xf32>
        %swap3A_415 = arith.index_cast %add3A_399 : i32 to index
        %swap3A_416 = arith.constant 16 : index
        %swap3A_417 = tpu.vector_load %arg6[%swap3A_415, %swap3A_416] {strides = array<i32>} : memref<200x64xf32, #tpu.memory_space<vmem>>, vector<16xf32>,
        tpu.vector_store %arg6[%swap3A_415, %swap3A_416], %mul3A_414 {strides = array<i32>} : memref<200x64xf32, #tpu.memory_space<vmem>>, vector<16xf32>,
        %get3A_418 = arith.index_cast %add3A_399 : i32 to index
        %get3A_419 = arith.constant 32 : index
        %get3A_420 = tpu.vector_load %arg6[%get3A_418, %get3A_419] {strides = array<i32>} : memref<200x64xf32, #tpu.memory_space<vmem>>, vector<16xf32>,
        %mul3A_421 = arith.constant 8.000000e+00 : f32
        %mul3A_422 = vector.broadcast %mul3A_421 : f32 to vector<16xf32>
        %mul3A_423 = arith.mulf %get3A_420, %mul3A_422 : vector<16xf32>
        %swap3A_424 = arith.index_cast %add3A_399 : i32 to index
        %swap3A_425 = arith.constant 32 : index
        %swap3A_426 = tpu.vector_load %arg6[%swap3A_424, %swap3A_425] {strides = array<i32>} : memref<200x64xf32, #tpu.memory_space<vmem>>, vector<16xf32>,
        tpu.vector_store %arg6[%swap3A_424, %swap3A_425], %mul3A_423 {strides = array<i32>} : memref<200x64xf32, #tpu.memory_space<vmem>>, vector<16xf32>,
        %get3A_427 = arith.index_cast %add3A_399 : i32 to index
        %get3A_428 = arith.constant 48 : index
        %get3A_429 = tpu.vector_load %arg6[%get3A_427, %get3A_428] {strides = array<i32>} : memref<200x64xf32, #tpu.memory_space<vmem>>, vector<16xf32>,
        %mul3A_430 = arith.constant 8.000000e+00 : f32
        %mul3A_431 = vector.broadcast %mul3A_430 : f32 to vector<16xf32>
        %mul3A_432 = arith.mulf %get3A_429, %mul3A_431 : vector<16xf32>
        %swap3A_433 = arith.index_cast %add3A_399 : i32 to index
        %swap3A_434 = arith.constant 48 : index
        %swap3A_435 = tpu.vector_load %arg6[%swap3A_433, %swap3A_434] {strides = array<i32>} : memref<200x64xf32, #tpu.memory_space<vmem>>, vector<16xf32>,
        tpu.vector_store %arg6[%swap3A_433, %swap3A_434], %mul3A_432 {strides = array<i32>} : memref<200x64xf32, #tpu.memory_space<vmem>>, vector<16xf32>,
        %scan3A_436 = arith.constant 6 : i32
        %scan3A_437 = arith.addi %scan3A_187, %scan3A_436 : i32
        %mul3A_438 = arith.constant 1 : i32
        %mul3A_439 = arith.muli %scan3A_437, %mul3A_438 : i32
        %add3A_440 = arith.constant 0 : i32
        %add3A_441 = arith.addi %add3A_440, %mul3A_439 : i32
        %get3A_442 = arith.index_cast %add3A_441 : i32 to index
        %get3A_443 = arith.constant 0 : index
        %get3A_444 = tpu.vector_load %arg6[%get3A_442, %get3A_443] {strides = array<i32>} : memref<200x64xf32, #tpu.memory_space<vmem>>, vector<16xf32>,
        %mul3A_445 = arith.constant 8.000000e+00 : f32
        %mul3A_446 = vector.broadcast %mul3A_445 : f32 to vector<16xf32>
        %mul3A_447 = arith.mulf %get3A_444, %mul3A_446 : vector<16xf32>
        %swap3A_448 = arith.index_cast %add3A_441 : i32 to index
        %swap3A_449 = arith.constant 0 : index
        %swap3A_450 = tpu.vector_load %arg6[%swap3A_448, %swap3A_449] {strides = array<i32>} : memref<200x64xf32, #tpu.memory_space<vmem>>, vector<16xf32>,
        tpu.vector_store %arg6[%swap3A_448, %swap3A_449], %mul3A_447 {strides = array<i32>} : memref<200x64xf32, #tpu.memory_space<vmem>>, vector<16xf32>,
        %get3A_451 = arith.index_cast %add3A_441 : i32 to index
        %get3A_452 = arith.constant 16 : index
        %get3A_453 = tpu.vector_load %arg6[%get3A_451, %get3A_452] {strides = array<i32>} : memref<200x64xf32, #tpu.memory_space<vmem>>, vector<16xf32>,
        %mul3A_454 = arith.constant 8.000000e+00 : f32
        %mul3A_455 = vector.broadcast %mul3A_454 : f32 to vector<16xf32>
        %mul3A_456 = arith.mulf %get3A_453, %mul3A_455 : vector<16xf32>
        %swap3A_457 = arith.index_cast %add3A_441 : i32 to index
        %swap3A_458 = arith.constant 16 : index
        %swap3A_459 = tpu.vector_load %arg6[%swap3A_457, %swap3A_458] {strides = array<i32>} : memref<200x64xf32, #tpu.memory_space<vmem>>, vector<16xf32>,
        tpu.vector_store %arg6[%swap3A_457, %swap3A_458], %mul3A_456 {strides = array<i32>} : memref<200x64xf32, #tpu.memory_space<vmem>>, vector<16xf32>,
        %get3A_460 = arith.index_cast %add3A_441 : i32 to index
        %get3A_461 = arith.constant 32 : index
        %get3A_462 = tpu.vector_load %arg6[%get3A_460, %get3A_461] {strides = array<i32>} : memref<200x64xf32, #tpu.memory_space<vmem>>, vector<16xf32>,
        %mul3A_463 = arith.constant 8.000000e+00 : f32
        %mul3A_464 = vector.broadcast %mul3A_463 : f32 to vector<16xf32>
        %mul3A_465 = arith.mulf %get3A_462, %mul3A_464 : vector<16xf32>
        %swap3A_466 = arith.index_cast %add3A_441 : i32 to index
        %swap3A_467 = arith.constant 32 : index
        %swap3A_468 = tpu.vector_load %arg6[%swap3A_466, %swap3A_467] {strides = array<i32>} : memref<200x64xf32, #tpu.memory_space<vmem>>, vector<16xf32>,
        tpu.vector_store %arg6[%swap3A_466, %swap3A_467], %mul3A_465 {strides = array<i32>} : memref<200x64xf32, #tpu.memory_space<vmem>>, vector<16xf32>,
        %get3A_469 = arith.index_cast %add3A_441 : i32 to index
        %get3A_470 = arith.constant 48 : index
        %get3A_471 = tpu.vector_load %arg6[%get3A_469, %get3A_470] {strides = array<i32>} : memref<200x64xf32, #tpu.memory_space<vmem>>, vector<16xf32>,
        %mul3A_472 = arith.constant 8.000000e+00 : f32
        %mul3A_473 = vector.broadcast %mul3A_472 : f32 to vector<16xf32>
        %mul3A_474 = arith.mulf %get3A_471, %mul3A_473 : vector<16xf32>
        %swap3A_475 = arith.index_cast %add3A_441 : i32 to index
        %swap3A_476 = arith.constant 48 : index
        %swap3A_477 = tpu.vector_load %arg6[%swap3A_475, %swap3A_476] {strides = array<i32>} : memref<200x64xf32, #tpu.memory_space<vmem>>, vector<16xf32>,
        tpu.vector_store %arg6[%swap3A_475, %swap3A_476], %mul3A_474 {strides = array<i32>} : memref<200x64xf32, #tpu.memory_space<vmem>>, vector<16xf32>,
        %scan3A_478 = arith.constant 7 : i32
        %scan3A_479 = arith.addi %scan3A_187, %scan3A_478 : i32
        %mul3A_480 = arith.constant 1 : i32
        %mul3A_481 = arith.muli %scan3A_479, %mul3A_480 : i32
        %add3A_482 = arith.constant 0 : i32
        %add3A_483 = arith.addi %add3A_482, %mul3A_481 : i32
        %get3A_484 = arith.index_cast %add3A_483 : i32 to index
        %get3A_485 = arith.constant 0 : index
        %get3A_486 = tpu.vector_load %arg6[%get3A_484, %get3A_485] {strides = array<i32>} : memref<200x64xf32, #tpu.memory_space<vmem>>, vector<16xf32>,
        %mul3A_487 = arith.constant 8.000000e+00 : f32
        %mul3A_488 = vector.broadcast %mul3A_487 : f32 to vector<16xf32>
        %mul3A_489 = arith.mulf %get3A_486, %mul3A_488 : vector<16xf32>
        %swap3A_490 = arith.index_cast %add3A_483 : i32 to index
        %swap3A_491 = arith.constant 0 : index
        %swap3A_492 = tpu.vector_load %arg6[%swap3A_490, %swap3A_491] {strides = array<i32>} : memref<200x64xf32, #tpu.memory_space<vmem>>, vector<16xf32>,
        tpu.vector_store %arg6[%swap3A_490, %swap3A_491], %mul3A_489 {strides = array<i32>} : memref<200x64xf32, #tpu.memory_space<vmem>>, vector<16xf32>,
        %get3A_493 = arith.index_cast %add3A_483 : i32 to index
        %get3A_494 = arith.constant 16 : index
        %get3A_495 = tpu.vector_load %arg6[%get3A_493, %get3A_494] {strides = array<i32>} : memref<200x64xf32, #tpu.memory_space<vmem>>, vector<16xf32>,
        %mul3A_496 = arith.constant 8.000000e+00 : f32
        %mul3A_497 = vector.broadcast %mul3A_496 : f32 to vector<16xf32>
        %mul3A_498 = arith.mulf %get3A_495, %mul3A_497 : vector<16xf32>
        %swap3A_499 = arith.index_cast %add3A_483 : i32 to index
        %swap3A_500 = arith.constant 16 : index
        %swap3A_501 = tpu.vector_load %arg6[%swap3A_499, %swap3A_500] {strides = array<i32>} : memref<200x64xf32, #tpu.memory_space<vmem>>, vector<16xf32>,
        tpu.vector_store %arg6[%swap3A_499, %swap3A_500], %mul3A_498 {strides = array<i32>} : memref<200x64xf32, #tpu.memory_space<vmem>>, vector<16xf32>,
        %get3A_502 = arith.index_cast %add3A_483 : i32 to index
        %get3A_503 = arith.constant 32 : index
        %get3A_504 = tpu.vector_load %arg6[%get3A_502, %get3A_503] {strides = array<i32>} : memref<200x64xf32, #tpu.memory_space<vmem>>, vector<16xf32>,
        %mul3A_505 = arith.constant 8.000000e+00 : f32
        %mul3A_506 = vector.broadcast %mul3A_505 : f32 to vector<16xf32>
        %mul3A_507 = arith.mulf %get3A_504, %mul3A_506 : vector<16xf32>
        %swap3A_508 = arith.index_cast %add3A_483 : i32 to index
        %swap3A_509 = arith.constant 32 : index
        %swap3A_510 = tpu.vector_load %arg6[%swap3A_508, %swap3A_509] {strides = array<i32>} : memref<200x64xf32, #tpu.memory_space<vmem>>, vector<16xf32>,
        tpu.vector_store %arg6[%swap3A_508, %swap3A_509], %mul3A_507 {strides = array<i32>} : memref<200x64xf32, #tpu.memory_space<vmem>>, vector<16xf32>,
        %get3A_511 = arith.index_cast %add3A_483 : i32 to index
        %get3A_512 = arith.constant 48 : index
        %get3A_513 = tpu.vector_load %arg6[%get3A_511, %get3A_512] {strides = array<i32>} : memref<200x64xf32, #tpu.memory_space<vmem>>, vector<16xf32>,
        %mul3A_514 = arith.constant 8.000000e+00 : f32
        %mul3A_515 = vector.broadcast %mul3A_514 : f32 to vector<16xf32>
        %mul3A_516 = arith.mulf %get3A_513, %mul3A_515 : vector<16xf32>
        %swap3A_517 = arith.index_cast %add3A_483 : i32 to index
        %swap3A_518 = arith.constant 48 : index
        %swap3A_519 = tpu.vector_load %arg6[%swap3A_517, %swap3A_518] {strides = array<i32>} : memref<200x64xf32, #tpu.memory_space<vmem>>, vector<16xf32>,
        tpu.vector_store %arg6[%swap3A_517, %swap3A_518], %mul3A_516 {strides = array<i32>} : memref<200x64xf32, #tpu.memory_space<vmem>>, vector<16xf32>,
      }
      %scan3A_86 = arith.constant 200 : i32
      %add3A_87 = arith.addi %mul3A_2, %add3A_75 : i32
      %dma_start3A_88 = arith.constant 0 : i32
      %dma_start3A_89 = arith.constant 0 : i32
      %dma_start3A_90 = tpu.memref_slice %arg4[%add3A_87, %dma_start3A_88, %dma_start3A_89] : memref<4096x200x64xf32, #tpu.memory_space<hbm>> -> memref<1x200x64xf32, #tpu.memory_space<hbm>>
      %dma_start3A_91 = tpu.memref_squeeze %dma_start3A_90 : memref<1x200x64xf32, #tpu.memory_space<hbm>> -> memref<200x64xf32, #tpu.memory_space<hbm>>
      %dma_start3A_92 = arith.constant 0 : i32
      %dma_start3A_93 = arith.constant 0 : i32
      %dma_start3A_94 = tpu.memref_slice %arg4[%add3A_87, %dma_start3A_92, %dma_start3A_93] : memref<4096x200x64xf32, #tpu.memory_space<hbm>> -> memref<1x200x64xf32, #tpu.memory_space<hbm>>
      %dma_start3A_95 = tpu.memref_squeeze %dma_start3A_94 : memref<1x200x64xf32, #tpu.memory_space<hbm>> -> memref<200x64xf32, #tpu.memory_space<hbm>>
      tpu.enqueue_dma source(%arg6 : memref<200x64xf32, #tpu.memory_space<vmem>>) target(%dma_start3A_95 : memref<200x64xf32, #tpu.memory_space<hbm>>) target_semaphore(%arg14 : memref<!tpu.dma_semaphore, #tpu.memory_space<semaphore_mem>>)
      %add3A_96 = arith.constant 4 : i32
      %add3A_97 = arith.addi %add3A_75, %add3A_96 : i32
      %lt3A = arith.constant 128 : i32
      %lt3A_98 = arith.cmpi slt, %add3A_97, %lt3A : i32
      %convert_element_type3A = arith.extui %lt3A_98 : i1 to i32
      %cond3A = arith.constant 0 : i32
      %cond3A_99 = arith.cmpi ne, %convert_element_type3A, %cond3A : i32
      scf.if %cond3A_99 {
        %dma_wait3A_187 = arith.constant 0 : i32
        %dma_wait3A_188 = arith.constant 0 : i32
        %dma_wait3A_189 = tpu.memref_slice %arg4[%add3A_87, %dma_wait3A_187, %dma_wait3A_188] : memref<4096x200x64xf32, #tpu.memory_space<hbm>> -> memref<1x200x64xf32, #tpu.memory_space<hbm>>
        %dma_wait3A_190 = tpu.memref_squeeze %dma_wait3A_189 : memref<1x200x64xf32, #tpu.memory_space<hbm>> -> memref<200x64xf32, #tpu.memory_space<hbm>>
        %dma_wait3A_191 = arith.constant 0 : i32
        %dma_wait3A_192 = arith.constant 0 : i32
        %dma_wait3A_193 = tpu.memref_slice %arg4[%add3A_87, %dma_wait3A_191, %dma_wait3A_192] : memref<4096x200x64xf32, #tpu.memory_space<hbm>> -> memref<1x200x64xf32, #tpu.memory_space<hbm>>
        %dma_wait3A_194 = tpu.memref_squeeze %dma_wait3A_193 : memref<1x200x64xf32, #tpu.memory_space<hbm>> -> memref<200x64xf32, #tpu.memory_space<hbm>>
        tpu.wait_dma2 semaphore(%arg14 : memref<!tpu.dma_semaphore, #tpu.memory_space<semaphore_mem>>) src(%arg6 : memref<200x64xf32, #tpu.memory_space<vmem>>) dst(%dma_wait3A_194 : memref<200x64xf32, #tpu.memory_space<hbm>>)
        %add3A_195 = arith.constant 4 : i32
        %add3A_196 = arith.addi %add3A_75, %add3A_195 : i32
        %dma_start3A_197 = arith.constant 0 : i32
        %dma_start3A_198 = tpu.memref_slice %arg5[%add3A_196, %dma_start3A_197] : memref<128x200xi32, #tpu.memory_space<vmem>> -> memref<1x200xi32, #tpu.memory_space<vmem>>
        %dma_start3A_199 = tpu.memref_squeeze %dma_start3A_198 : memref<1x200xi32, #tpu.memory_space<vmem>> -> memref<200xi32, #tpu.memory_space<vmem>>
        %dma_start3A_200 = arith.constant 0 : i32
        %dma_start3A_201 = arith.constant 0 : i32
        %dma_start3A_202 = tpu.memref_slice %arg2[%dma_start3A_200, %dma_start3A_201] : memref<1000000x64xf32, #tpu.memory_space<hbm>> -> memref<1000000x64xf32, #tpu.memory_space<hbm>>
        tpu.enqueue_indirect_dma source(%dma_start3A_202 : memref<1000000x64xf32, #tpu.memory_space<hbm>>) target(%arg6 : memref<200x64xf32, #tpu.memory_space<vmem>>) offsets(%dma_start3A_199 : memref<200xi32, #tpu.memory_space<vmem>>) semaphore(%arg10 : memref<!tpu.dma_semaphore, #tpu.memory_space<semaphore_mem>>)
      } else {
      }
      %add3A_100 = arith.constant 1 : i32
      %add3A_101 = arith.addi %add3A_73, %add3A_100 : i32
      %dma_wait3A_102 = arith.constant 0 : i32
      %dma_wait3A_103 = arith.constant 0 : i32
      %dma_wait3A_104 = tpu.memref_slice %arg2[%dma_wait3A_102, %dma_wait3A_103] : memref<1000000x64xf32, #tpu.memory_space<hbm>> -> memref<200x64xf32, #tpu.memory_space<hbm>>
      %dma_wait3A_105 = arith.constant 0 : i32
      %dma_wait3A_106 = arith.constant 0 : i32
      %dma_wait3A_107 = tpu.memref_slice %arg2[%dma_wait3A_105, %dma_wait3A_106] : memref<1000000x64xf32, #tpu.memory_space<hbm>> -> memref<200x64xf32, #tpu.memory_space<hbm>>
      tpu.wait_dma2 semaphore(%arg11 : memref<!tpu.dma_semaphore, #tpu.memory_space<semaphore_mem>>) src(%dma_wait3A_107 : memref<200x64xf32, #tpu.memory_space<hbm>>) dst(%arg7 : memref<200x64xf32, #tpu.memory_space<vmem>>)
      %scan3A_108 = arith.constant 0 : i32
      %scan3A_109 = arith.constant 200 : i32
      %scan3A_110 = arith.addi %scan3A_108, %scan3A_109 : i32
      %scan3A_111 = arith.constant 8 : i32
      scf.for %scan3A_187 = %scan3A_108 to %scan3A_110 step %scan3A_111  : i32 {
        %mul3A_188 = arith.constant 1 : i32
        %mul3A_189 = arith.muli %scan3A_187, %mul3A_188 : i32
        %add3A_190 = arith.constant 0 : i32
        %add3A_191 = arith.addi %add3A_190, %mul3A_189 : i32
        %get3A = arith.index_cast %add3A_191 : i32 to index
        %get3A_192 = arith.constant 0 : index
        %get3A_193 = tpu.vector_load %arg7[%get3A, %get3A_192] {strides = array<i32>} : memref<200x64xf32, #tpu.memory_space<vmem>>, vector<16xf32>,
        %mul3A_194 = arith.constant 8.000000e+00 : f32
        %mul3A_195 = vector.broadcast %mul3A_194 : f32 to vector<16xf32>
        %mul3A_196 = arith.mulf %get3A_193, %mul3A_195 : vector<16xf32>
        %swap3A = arith.index_cast %add3A_191 : i32 to index
        %swap3A_197 = arith.constant 0 : index
        %swap3A_198 = tpu.vector_load %arg7[%swap3A, %swap3A_197] {strides = array<i32>} : memref<200x64xf32, #tpu.memory_space<vmem>>, vector<16xf32>,
        tpu.vector_store %arg7[%swap3A, %swap3A_197], %mul3A_196 {strides = array<i32>} : memref<200x64xf32, #tpu.memory_space<vmem>>, vector<16xf32>,
        %get3A_199 = arith.index_cast %add3A_191 : i32 to index
        %get3A_200 = arith.constant 16 : index
        %get3A_201 = tpu.vector_load %arg7[%get3A_199, %get3A_200] {strides = array<i32>} : memref<200x64xf32, #tpu.memory_space<vmem>>, vector<16xf32>,
        %mul3A_202 = arith.constant 8.000000e+00 : f32
        %mul3A_203 = vector.broadcast %mul3A_202 : f32 to vector<16xf32>
        %mul3A_204 = arith.mulf %get3A_201, %mul3A_203 : vector<16xf32>
        %swap3A_205 = arith.index_cast %add3A_191 : i32 to index
        %swap3A_206 = arith.constant 16 : index
        %swap3A_207 = tpu.vector_load %arg7[%swap3A_205, %swap3A_206] {strides = array<i32>} : memref<200x64xf32, #tpu.memory_space<vmem>>, vector<16xf32>,
        tpu.vector_store %arg7[%swap3A_205, %swap3A_206], %mul3A_204 {strides = array<i32>} : memref<200x64xf32, #tpu.memory_space<vmem>>, vector<16xf32>,
        %get3A_208 = arith.index_cast %add3A_191 : i32 to index
        %get3A_209 = arith.constant 32 : index
        %get3A_210 = tpu.vector_load %arg7[%get3A_208, %get3A_209] {strides = array<i32>} : memref<200x64xf32, #tpu.memory_space<vmem>>, vector<16xf32>,
        %mul3A_211 = arith.constant 8.000000e+00 : f32
        %mul3A_212 = vector.broadcast %mul3A_211 : f32 to vector<16xf32>
        %mul3A_213 = arith.mulf %get3A_210, %mul3A_212 : vector<16xf32>
        %swap3A_214 = arith.index_cast %add3A_191 : i32 to index
        %swap3A_215 = arith.constant 32 : index
        %swap3A_216 = tpu.vector_load %arg7[%swap3A_214, %swap3A_215] {strides = array<i32>} : memref<200x64xf32, #tpu.memory_space<vmem>>, vector<16xf32>,
        tpu.vector_store %arg7[%swap3A_214, %swap3A_215], %mul3A_213 {strides = array<i32>} : memref<200x64xf32, #tpu.memory_space<vmem>>, vector<16xf32>,
        %get3A_217 = arith.index_cast %add3A_191 : i32 to index
        %get3A_218 = arith.constant 48 : index
        %get3A_219 = tpu.vector_load %arg7[%get3A_217, %get3A_218] {strides = array<i32>} : memref<200x64xf32, #tpu.memory_space<vmem>>, vector<16xf32>,
        %mul3A_220 = arith.constant 8.000000e+00 : f32
        %mul3A_221 = vector.broadcast %mul3A_220 : f32 to vector<16xf32>
        %mul3A_222 = arith.mulf %get3A_219, %mul3A_221 : vector<16xf32>
        %swap3A_223 = arith.index_cast %add3A_191 : i32 to index
        %swap3A_224 = arith.constant 48 : index
        %swap3A_225 = tpu.vector_load %arg7[%swap3A_223, %swap3A_224] {strides = array<i32>} : memref<200x64xf32, #tpu.memory_space<vmem>>, vector<16xf32>,
        tpu.vector_store %arg7[%swap3A_223, %swap3A_224], %mul3A_222 {strides = array<i32>} : memref<200x64xf32, #tpu.memory_space<vmem>>, vector<16xf32>,
        %scan3A_226 = arith.constant 1 : i32
        %scan3A_227 = arith.addi %scan3A_187, %scan3A_226 : i32
        %mul3A_228 = arith.constant 1 : i32
        %mul3A_229 = arith.muli %scan3A_227, %mul3A_228 : i32
        %add3A_230 = arith.constant 0 : i32
        %add3A_231 = arith.addi %add3A_230, %mul3A_229 : i32
        %get3A_232 = arith.index_cast %add3A_231 : i32 to index
        %get3A_233 = arith.constant 0 : index
        %get3A_234 = tpu.vector_load %arg7[%get3A_232, %get3A_233] {strides = array<i32>} : memref<200x64xf32, #tpu.memory_space<vmem>>, vector<16xf32>,
        %mul3A_235 = arith.constant 8.000000e+00 : f32
        %mul3A_236 = vector.broadcast %mul3A_235 : f32 to vector<16xf32>
        %mul3A_237 = arith.mulf %get3A_234, %mul3A_236 : vector<16xf32>
        %swap3A_238 = arith.index_cast %add3A_231 : i32 to index
        %swap3A_239 = arith.constant 0 : index
        %swap3A_240 = tpu.vector_load %arg7[%swap3A_238, %swap3A_239] {strides = array<i32>} : memref<200x64xf32, #tpu.memory_space<vmem>>, vector<16xf32>,
        tpu.vector_store %arg7[%swap3A_238, %swap3A_239], %mul3A_237 {strides = array<i32>} : memref<200x64xf32, #tpu.memory_space<vmem>>, vector<16xf32>,
        %get3A_241 = arith.index_cast %add3A_231 : i32 to index
        %get3A_242 = arith.constant 16 : index
        %get3A_243 = tpu.vector_load %arg7[%get3A_241, %get3A_242] {strides = array<i32>} : memref<200x64xf32, #tpu.memory_space<vmem>>, vector<16xf32>,
        %mul3A_244 = arith.constant 8.000000e+00 : f32
        %mul3A_245 = vector.broadcast %mul3A_244 : f32 to vector<16xf32>
        %mul3A_246 = arith.mulf %get3A_243, %mul3A_245 : vector<16xf32>
        %swap3A_247 = arith.index_cast %add3A_231 : i32 to index
        %swap3A_248 = arith.constant 16 : index
        %swap3A_249 = tpu.vector_load %arg7[%swap3A_247, %swap3A_248] {strides = array<i32>} : memref<200x64xf32, #tpu.memory_space<vmem>>, vector<16xf32>,
        tpu.vector_store %arg7[%swap3A_247, %swap3A_248], %mul3A_246 {strides = array<i32>} : memref<200x64xf32, #tpu.memory_space<vmem>>, vector<16xf32>,
        %get3A_250 = arith.index_cast %add3A_231 : i32 to index
        %get3A_251 = arith.constant 32 : index
        %get3A_252 = tpu.vector_load %arg7[%get3A_250, %get3A_251] {strides = array<i32>} : memref<200x64xf32, #tpu.memory_space<vmem>>, vector<16xf32>,
        %mul3A_253 = arith.constant 8.000000e+00 : f32
        %mul3A_254 = vector.broadcast %mul3A_253 : f32 to vector<16xf32>
        %mul3A_255 = arith.mulf %get3A_252, %mul3A_254 : vector<16xf32>
        %swap3A_256 = arith.index_cast %add3A_231 : i32 to index
        %swap3A_257 = arith.constant 32 : index
        %swap3A_258 = tpu.vector_load %arg7[%swap3A_256, %swap3A_257] {strides = array<i32>} : memref<200x64xf32, #tpu.memory_space<vmem>>, vector<16xf32>,
        tpu.vector_store %arg7[%swap3A_256, %swap3A_257], %mul3A_255 {strides = array<i32>} : memref<200x64xf32, #tpu.memory_space<vmem>>, vector<16xf32>,
        %get3A_259 = arith.index_cast %add3A_231 : i32 to index
        %get3A_260 = arith.constant 48 : index
        %get3A_261 = tpu.vector_load %arg7[%get3A_259, %get3A_260] {strides = array<i32>} : memref<200x64xf32, #tpu.memory_space<vmem>>, vector<16xf32>,
        %mul3A_262 = arith.constant 8.000000e+00 : f32
        %mul3A_263 = vector.broadcast %mul3A_262 : f32 to vector<16xf32>
        %mul3A_264 = arith.mulf %get3A_261, %mul3A_263 : vector<16xf32>
        %swap3A_265 = arith.index_cast %add3A_231 : i32 to index
        %swap3A_266 = arith.constant 48 : index
        %swap3A_267 = tpu.vector_load %arg7[%swap3A_265, %swap3A_266] {strides = array<i32>} : memref<200x64xf32, #tpu.memory_space<vmem>>, vector<16xf32>,
        tpu.vector_store %arg7[%swap3A_265, %swap3A_266], %mul3A_264 {strides = array<i32>} : memref<200x64xf32, #tpu.memory_space<vmem>>, vector<16xf32>,
        %scan3A_268 = arith.constant 2 : i32
        %scan3A_269 = arith.addi %scan3A_187, %scan3A_268 : i32
        %mul3A_270 = arith.constant 1 : i32
        %mul3A_271 = arith.muli %scan3A_269, %mul3A_270 : i32
        %add3A_272 = arith.constant 0 : i32
        %add3A_273 = arith.addi %add3A_272, %mul3A_271 : i32
        %get3A_274 = arith.index_cast %add3A_273 : i32 to index
        %get3A_275 = arith.constant 0 : index
        %get3A_276 = tpu.vector_load %arg7[%get3A_274, %get3A_275] {strides = array<i32>} : memref<200x64xf32, #tpu.memory_space<vmem>>, vector<16xf32>,
        %mul3A_277 = arith.constant 8.000000e+00 : f32
        %mul3A_278 = vector.broadcast %mul3A_277 : f32 to vector<16xf32>
        %mul3A_279 = arith.mulf %get3A_276, %mul3A_278 : vector<16xf32>
        %swap3A_280 = arith.index_cast %add3A_273 : i32 to index
        %swap3A_281 = arith.constant 0 : index
        %swap3A_282 = tpu.vector_load %arg7[%swap3A_280, %swap3A_281] {strides = array<i32>} : memref<200x64xf32, #tpu.memory_space<vmem>>, vector<16xf32>,
        tpu.vector_store %arg7[%swap3A_280, %swap3A_281], %mul3A_279 {strides = array<i32>} : memref<200x64xf32, #tpu.memory_space<vmem>>, vector<16xf32>,
        %get3A_283 = arith.index_cast %add3A_273 : i32 to index
        %get3A_284 = arith.constant 16 : index
        %get3A_285 = tpu.vector_load %arg7[%get3A_283, %get3A_284] {strides = array<i32>} : memref<200x64xf32, #tpu.memory_space<vmem>>, vector<16xf32>,
        %mul3A_286 = arith.constant 8.000000e+00 : f32
        %mul3A_287 = vector.broadcast %mul3A_286 : f32 to vector<16xf32>
        %mul3A_288 = arith.mulf %get3A_285, %mul3A_287 : vector<16xf32>
        %swap3A_289 = arith.index_cast %add3A_273 : i32 to index
        %swap3A_290 = arith.constant 16 : index
        %swap3A_291 = tpu.vector_load %arg7[%swap3A_289, %swap3A_290] {strides = array<i32>} : memref<200x64xf32, #tpu.memory_space<vmem>>, vector<16xf32>,
        tpu.vector_store %arg7[%swap3A_289, %swap3A_290], %mul3A_288 {strides = array<i32>} : memref<200x64xf32, #tpu.memory_space<vmem>>, vector<16xf32>,
        %get3A_292 = arith.index_cast %add3A_273 : i32 to index
        %get3A_293 = arith.constant 32 : index
        %get3A_294 = tpu.vector_load %arg7[%get3A_292, %get3A_293] {strides = array<i32>} : memref<200x64xf32, #tpu.memory_space<vmem>>, vector<16xf32>,
        %mul3A_295 = arith.constant 8.000000e+00 : f32
        %mul3A_296 = vector.broadcast %mul3A_295 : f32 to vector<16xf32>
        %mul3A_297 = arith.mulf %get3A_294, %mul3A_296 : vector<16xf32>
        %swap3A_298 = arith.index_cast %add3A_273 : i32 to index
        %swap3A_299 = arith.constant 32 : index
        %swap3A_300 = tpu.vector_load %arg7[%swap3A_298, %swap3A_299] {strides = array<i32>} : memref<200x64xf32, #tpu.memory_space<vmem>>, vector<16xf32>,
        tpu.vector_store %arg7[%swap3A_298, %swap3A_299], %mul3A_297 {strides = array<i32>} : memref<200x64xf32, #tpu.memory_space<vmem>>, vector<16xf32>,
        %get3A_301 = arith.index_cast %add3A_273 : i32 to index
        %get3A_302 = arith.constant 48 : index
        %get3A_303 = tpu.vector_load %arg7[%get3A_301, %get3A_302] {strides = array<i32>} : memref<200x64xf32, #tpu.memory_space<vmem>>, vector<16xf32>,
        %mul3A_304 = arith.constant 8.000000e+00 : f32
        %mul3A_305 = vector.broadcast %mul3A_304 : f32 to vector<16xf32>
        %mul3A_306 = arith.mulf %get3A_303, %mul3A_305 : vector<16xf32>
        %swap3A_307 = arith.index_cast %add3A_273 : i32 to index
        %swap3A_308 = arith.constant 48 : index
        %swap3A_309 = tpu.vector_load %arg7[%swap3A_307, %swap3A_308] {strides = array<i32>} : memref<200x64xf32, #tpu.memory_space<vmem>>, vector<16xf32>,
        tpu.vector_store %arg7[%swap3A_307, %swap3A_308], %mul3A_306 {strides = array<i32>} : memref<200x64xf32, #tpu.memory_space<vmem>>, vector<16xf32>,
        %scan3A_310 = arith.constant 3 : i32
        %scan3A_311 = arith.addi %scan3A_187, %scan3A_310 : i32
        %mul3A_312 = arith.constant 1 : i32
        %mul3A_313 = arith.muli %scan3A_311, %mul3A_312 : i32
        %add3A_314 = arith.constant 0 : i32
        %add3A_315 = arith.addi %add3A_314, %mul3A_313 : i32
        %get3A_316 = arith.index_cast %add3A_315 : i32 to index
        %get3A_317 = arith.constant 0 : index
        %get3A_318 = tpu.vector_load %arg7[%get3A_316, %get3A_317] {strides = array<i32>} : memref<200x64xf32, #tpu.memory_space<vmem>>, vector<16xf32>,
        %mul3A_319 = arith.constant 8.000000e+00 : f32
        %mul3A_320 = vector.broadcast %mul3A_319 : f32 to vector<16xf32>
        %mul3A_321 = arith.mulf %get3A_318, %mul3A_320 : vector<16xf32>
        %swap3A_322 = arith.index_cast %add3A_315 : i32 to index
        %swap3A_323 = arith.constant 0 : index
        %swap3A_324 = tpu.vector_load %arg7[%swap3A_322, %swap3A_323] {strides = array<i32>} : memref<200x64xf32, #tpu.memory_space<vmem>>, vector<16xf32>,
        tpu.vector_store %arg7[%swap3A_322, %swap3A_323], %mul3A_321 {strides = array<i32>} : memref<200x64xf32, #tpu.memory_space<vmem>>, vector<16xf32>,
        %get3A_325 = arith.index_cast %add3A_315 : i32 to index
        %get3A_326 = arith.constant 16 : index
        %get3A_327 = tpu.vector_load %arg7[%get3A_325, %get3A_326] {strides = array<i32>} : memref<200x64xf32, #tpu.memory_space<vmem>>, vector<16xf32>,
        %mul3A_328 = arith.constant 8.000000e+00 : f32
        %mul3A_329 = vector.broadcast %mul3A_328 : f32 to vector<16xf32>
        %mul3A_330 = arith.mulf %get3A_327, %mul3A_329 : vector<16xf32>
        %swap3A_331 = arith.index_cast %add3A_315 : i32 to index
        %swap3A_332 = arith.constant 16 : index
        %swap3A_333 = tpu.vector_load %arg7[%swap3A_331, %swap3A_332] {strides = array<i32>} : memref<200x64xf32, #tpu.memory_space<vmem>>, vector<16xf32>,
        tpu.vector_store %arg7[%swap3A_331, %swap3A_332], %mul3A_330 {strides = array<i32>} : memref<200x64xf32, #tpu.memory_space<vmem>>, vector<16xf32>,
        %get3A_334 = arith.index_cast %add3A_315 : i32 to index
        %get3A_335 = arith.constant 32 : index
        %get3A_336 = tpu.vector_load %arg7[%get3A_334, %get3A_335] {strides = array<i32>} : memref<200x64xf32, #tpu.memory_space<vmem>>, vector<16xf32>,
        %mul3A_337 = arith.constant 8.000000e+00 : f32
        %mul3A_338 = vector.broadcast %mul3A_337 : f32 to vector<16xf32>
        %mul3A_339 = arith.mulf %get3A_336, %mul3A_338 : vector<16xf32>
        %swap3A_340 = arith.index_cast %add3A_315 : i32 to index
        %swap3A_341 = arith.constant 32 : index
        %swap3A_342 = tpu.vector_load %arg7[%swap3A_340, %swap3A_341] {strides = array<i32>} : memref<200x64xf32, #tpu.memory_space<vmem>>, vector<16xf32>,
        tpu.vector_store %arg7[%swap3A_340, %swap3A_341], %mul3A_339 {strides = array<i32>} : memref<200x64xf32, #tpu.memory_space<vmem>>, vector<16xf32>,
        %get3A_343 = arith.index_cast %add3A_315 : i32 to index
        %get3A_344 = arith.constant 48 : index
        %get3A_345 = tpu.vector_load %arg7[%get3A_343, %get3A_344] {strides = array<i32>} : memref<200x64xf32, #tpu.memory_space<vmem>>, vector<16xf32>,
        %mul3A_346 = arith.constant 8.000000e+00 : f32
        %mul3A_347 = vector.broadcast %mul3A_346 : f32 to vector<16xf32>
        %mul3A_348 = arith.mulf %get3A_345, %mul3A_347 : vector<16xf32>
        %swap3A_349 = arith.index_cast %add3A_315 : i32 to index
        %swap3A_350 = arith.constant 48 : index
        %swap3A_351 = tpu.vector_load %arg7[%swap3A_349, %swap3A_350] {strides = array<i32>} : memref<200x64xf32, #tpu.memory_space<vmem>>, vector<16xf32>,
        tpu.vector_store %arg7[%swap3A_349, %swap3A_350], %mul3A_348 {strides = array<i32>} : memref<200x64xf32, #tpu.memory_space<vmem>>, vector<16xf32>,
        %scan3A_352 = arith.constant 4 : i32
        %scan3A_353 = arith.addi %scan3A_187, %scan3A_352 : i32
        %mul3A_354 = arith.constant 1 : i32
        %mul3A_355 = arith.muli %scan3A_353, %mul3A_354 : i32
        %add3A_356 = arith.constant 0 : i32
        %add3A_357 = arith.addi %add3A_356, %mul3A_355 : i32
        %get3A_358 = arith.index_cast %add3A_357 : i32 to index
        %get3A_359 = arith.constant 0 : index
        %get3A_360 = tpu.vector_load %arg7[%get3A_358, %get3A_359] {strides = array<i32>} : memref<200x64xf32, #tpu.memory_space<vmem>>, vector<16xf32>,
        %mul3A_361 = arith.constant 8.000000e+00 : f32
        %mul3A_362 = vector.broadcast %mul3A_361 : f32 to vector<16xf32>
        %mul3A_363 = arith.mulf %get3A_360, %mul3A_362 : vector<16xf32>
        %swap3A_364 = arith.index_cast %add3A_357 : i32 to index
        %swap3A_365 = arith.constant 0 : index
        %swap3A_366 = tpu.vector_load %arg7[%swap3A_364, %swap3A_365] {strides = array<i32>} : memref<200x64xf32, #tpu.memory_space<vmem>>, vector<16xf32>,
        tpu.vector_store %arg7[%swap3A_364, %swap3A_365], %mul3A_363 {strides = array<i32>} : memref<200x64xf32, #tpu.memory_space<vmem>>, vector<16xf32>,
        %get3A_367 = arith.index_cast %add3A_357 : i32 to index
        %get3A_368 = arith.constant 16 : index
        %get3A_369 = tpu.vector_load %arg7[%get3A_367, %get3A_368] {strides = array<i32>} : memref<200x64xf32, #tpu.memory_space<vmem>>, vector<16xf32>,
        %mul3A_370 = arith.constant 8.000000e+00 : f32
        %mul3A_371 = vector.broadcast %mul3A_370 : f32 to vector<16xf32>
        %mul3A_372 = arith.mulf %get3A_369, %mul3A_371 : vector<16xf32>
        %swap3A_373 = arith.index_cast %add3A_357 : i32 to index
        %swap3A_374 = arith.constant 16 : index
        %swap3A_375 = tpu.vector_load %arg7[%swap3A_373, %swap3A_374] {strides = array<i32>} : memref<200x64xf32, #tpu.memory_space<vmem>>, vector<16xf32>,
        tpu.vector_store %arg7[%swap3A_373, %swap3A_374], %mul3A_372 {strides = array<i32>} : memref<200x64xf32, #tpu.memory_space<vmem>>, vector<16xf32>,
        %get3A_376 = arith.index_cast %add3A_357 : i32 to index
        %get3A_377 = arith.constant 32 : index
        %get3A_378 = tpu.vector_load %arg7[%get3A_376, %get3A_377] {strides = array<i32>} : memref<200x64xf32, #tpu.memory_space<vmem>>, vector<16xf32>,
        %mul3A_379 = arith.constant 8.000000e+00 : f32
        %mul3A_380 = vector.broadcast %mul3A_379 : f32 to vector<16xf32>
        %mul3A_381 = arith.mulf %get3A_378, %mul3A_380 : vector<16xf32>
        %swap3A_382 = arith.index_cast %add3A_357 : i32 to index
        %swap3A_383 = arith.constant 32 : index
        %swap3A_384 = tpu.vector_load %arg7[%swap3A_382, %swap3A_383] {strides = array<i32>} : memref<200x64xf32, #tpu.memory_space<vmem>>, vector<16xf32>,
        tpu.vector_store %arg7[%swap3A_382, %swap3A_383], %mul3A_381 {strides = array<i32>} : memref<200x64xf32, #tpu.memory_space<vmem>>, vector<16xf32>,
        %get3A_385 = arith.index_cast %add3A_357 : i32 to index
        %get3A_386 = arith.constant 48 : index
        %get3A_387 = tpu.vector_load %arg7[%get3A_385, %get3A_386] {strides = array<i32>} : memref<200x64xf32, #tpu.memory_space<vmem>>, vector<16xf32>,
        %mul3A_388 = arith.constant 8.000000e+00 : f32
        %mul3A_389 = vector.broadcast %mul3A_388 : f32 to vector<16xf32>
        %mul3A_390 = arith.mulf %get3A_387, %mul3A_389 : vector<16xf32>
        %swap3A_391 = arith.index_cast %add3A_357 : i32 to index
        %swap3A_392 = arith.constant 48 : index
        %swap3A_393 = tpu.vector_load %arg7[%swap3A_391, %swap3A_392] {strides = array<i32>} : memref<200x64xf32, #tpu.memory_space<vmem>>, vector<16xf32>,
        tpu.vector_store %arg7[%swap3A_391, %swap3A_392], %mul3A_390 {strides = array<i32>} : memref<200x64xf32, #tpu.memory_space<vmem>>, vector<16xf32>,
        %scan3A_394 = arith.constant 5 : i32
        %scan3A_395 = arith.addi %scan3A_187, %scan3A_394 : i32
        %mul3A_396 = arith.constant 1 : i32
        %mul3A_397 = arith.muli %scan3A_395, %mul3A_396 : i32
        %add3A_398 = arith.constant 0 : i32
        %add3A_399 = arith.addi %add3A_398, %mul3A_397 : i32
        %get3A_400 = arith.index_cast %add3A_399 : i32 to index
        %get3A_401 = arith.constant 0 : index
        %get3A_402 = tpu.vector_load %arg7[%get3A_400, %get3A_401] {strides = array<i32>} : memref<200x64xf32, #tpu.memory_space<vmem>>, vector<16xf32>,
        %mul3A_403 = arith.constant 8.000000e+00 : f32
        %mul3A_404 = vector.broadcast %mul3A_403 : f32 to vector<16xf32>
        %mul3A_405 = arith.mulf %get3A_402, %mul3A_404 : vector<16xf32>
        %swap3A_406 = arith.index_cast %add3A_399 : i32 to index
        %swap3A_407 = arith.constant 0 : index
        %swap3A_408 = tpu.vector_load %arg7[%swap3A_406, %swap3A_407] {strides = array<i32>} : memref<200x64xf32, #tpu.memory_space<vmem>>, vector<16xf32>,
        tpu.vector_store %arg7[%swap3A_406, %swap3A_407], %mul3A_405 {strides = array<i32>} : memref<200x64xf32, #tpu.memory_space<vmem>>, vector<16xf32>,
        %get3A_409 = arith.index_cast %add3A_399 : i32 to index
        %get3A_410 = arith.constant 16 : index
        %get3A_411 = tpu.vector_load %arg7[%get3A_409, %get3A_410] {strides = array<i32>} : memref<200x64xf32, #tpu.memory_space<vmem>>, vector<16xf32>,
        %mul3A_412 = arith.constant 8.000000e+00 : f32
        %mul3A_413 = vector.broadcast %mul3A_412 : f32 to vector<16xf32>
        %mul3A_414 = arith.mulf %get3A_411, %mul3A_413 : vector<16xf32>
        %swap3A_415 = arith.index_cast %add3A_399 : i32 to index
        %swap3A_416 = arith.constant 16 : index
        %swap3A_417 = tpu.vector_load %arg7[%swap3A_415, %swap3A_416] {strides = array<i32>} : memref<200x64xf32, #tpu.memory_space<vmem>>, vector<16xf32>,
        tpu.vector_store %arg7[%swap3A_415, %swap3A_416], %mul3A_414 {strides = array<i32>} : memref<200x64xf32, #tpu.memory_space<vmem>>, vector<16xf32>,
        %get3A_418 = arith.index_cast %add3A_399 : i32 to index
        %get3A_419 = arith.constant 32 : index
        %get3A_420 = tpu.vector_load %arg7[%get3A_418, %get3A_419] {strides = array<i32>} : memref<200x64xf32, #tpu.memory_space<vmem>>, vector<16xf32>,
        %mul3A_421 = arith.constant 8.000000e+00 : f32
        %mul3A_422 = vector.broadcast %mul3A_421 : f32 to vector<16xf32>
        %mul3A_423 = arith.mulf %get3A_420, %mul3A_422 : vector<16xf32>
        %swap3A_424 = arith.index_cast %add3A_399 : i32 to index
        %swap3A_425 = arith.constant 32 : index
        %swap3A_426 = tpu.vector_load %arg7[%swap3A_424, %swap3A_425] {strides = array<i32>} : memref<200x64xf32, #tpu.memory_space<vmem>>, vector<16xf32>,
        tpu.vector_store %arg7[%swap3A_424, %swap3A_425], %mul3A_423 {strides = array<i32>} : memref<200x64xf32, #tpu.memory_space<vmem>>, vector<16xf32>,
        %get3A_427 = arith.index_cast %add3A_399 : i32 to index
        %get3A_428 = arith.constant 48 : index
        %get3A_429 = tpu.vector_load %arg7[%get3A_427, %get3A_428] {strides = array<i32>} : memref<200x64xf32, #tpu.memory_space<vmem>>, vector<16xf32>,
        %mul3A_430 = arith.constant 8.000000e+00 : f32
        %mul3A_431 = vector.broadcast %mul3A_430 : f32 to vector<16xf32>
        %mul3A_432 = arith.mulf %get3A_429, %mul3A_431 : vector<16xf32>
        %swap3A_433 = arith.index_cast %add3A_399 : i32 to index
        %swap3A_434 = arith.constant 48 : index
        %swap3A_435 = tpu.vector_load %arg7[%swap3A_433, %swap3A_434] {strides = array<i32>} : memref<200x64xf32, #tpu.memory_space<vmem>>, vector<16xf32>,
        tpu.vector_store %arg7[%swap3A_433, %swap3A_434], %mul3A_432 {strides = array<i32>} : memref<200x64xf32, #tpu.memory_space<vmem>>, vector<16xf32>,
        %scan3A_436 = arith.constant 6 : i32
        %scan3A_437 = arith.addi %scan3A_187, %scan3A_436 : i32
        %mul3A_438 = arith.constant 1 : i32
        %mul3A_439 = arith.muli %scan3A_437, %mul3A_438 : i32
        %add3A_440 = arith.constant 0 : i32
        %add3A_441 = arith.addi %add3A_440, %mul3A_439 : i32
        %get3A_442 = arith.index_cast %add3A_441 : i32 to index
        %get3A_443 = arith.constant 0 : index
        %get3A_444 = tpu.vector_load %arg7[%get3A_442, %get3A_443] {strides = array<i32>} : memref<200x64xf32, #tpu.memory_space<vmem>>, vector<16xf32>,
        %mul3A_445 = arith.constant 8.000000e+00 : f32
        %mul3A_446 = vector.broadcast %mul3A_445 : f32 to vector<16xf32>
        %mul3A_447 = arith.mulf %get3A_444, %mul3A_446 : vector<16xf32>
        %swap3A_448 = arith.index_cast %add3A_441 : i32 to index
        %swap3A_449 = arith.constant 0 : index
        %swap3A_450 = tpu.vector_load %arg7[%swap3A_448, %swap3A_449] {strides = array<i32>} : memref<200x64xf32, #tpu.memory_space<vmem>>, vector<16xf32>,
        tpu.vector_store %arg7[%swap3A_448, %swap3A_449], %mul3A_447 {strides = array<i32>} : memref<200x64xf32, #tpu.memory_space<vmem>>, vector<16xf32>,
        %get3A_451 = arith.index_cast %add3A_441 : i32 to index
        %get3A_452 = arith.constant 16 : index
        %get3A_453 = tpu.vector_load %arg7[%get3A_451, %get3A_452] {strides = array<i32>} : memref<200x64xf32, #tpu.memory_space<vmem>>, vector<16xf32>,
        %mul3A_454 = arith.constant 8.000000e+00 : f32
        %mul3A_455 = vector.broadcast %mul3A_454 : f32 to vector<16xf32>
        %mul3A_456 = arith.mulf %get3A_453, %mul3A_455 : vector<16xf32>
        %swap3A_457 = arith.index_cast %add3A_441 : i32 to index
        %swap3A_458 = arith.constant 16 : index
        %swap3A_459 = tpu.vector_load %arg7[%swap3A_457, %swap3A_458] {strides = array<i32>} : memref<200x64xf32, #tpu.memory_space<vmem>>, vector<16xf32>,
        tpu.vector_store %arg7[%swap3A_457, %swap3A_458], %mul3A_456 {strides = array<i32>} : memref<200x64xf32, #tpu.memory_space<vmem>>, vector<16xf32>,
        %get3A_460 = arith.index_cast %add3A_441 : i32 to index
        %get3A_461 = arith.constant 32 : index
        %get3A_462 = tpu.vector_load %arg7[%get3A_460, %get3A_461] {strides = array<i32>} : memref<200x64xf32, #tpu.memory_space<vmem>>, vector<16xf32>,
        %mul3A_463 = arith.constant 8.000000e+00 : f32
        %mul3A_464 = vector.broadcast %mul3A_463 : f32 to vector<16xf32>
        %mul3A_465 = arith.mulf %get3A_462, %mul3A_464 : vector<16xf32>
        %swap3A_466 = arith.index_cast %add3A_441 : i32 to index
        %swap3A_467 = arith.constant 32 : index
        %swap3A_468 = tpu.vector_load %arg7[%swap3A_466, %swap3A_467] {strides = array<i32>} : memref<200x64xf32, #tpu.memory_space<vmem>>, vector<16xf32>,
        tpu.vector_store %arg7[%swap3A_466, %swap3A_467], %mul3A_465 {strides = array<i32>} : memref<200x64xf32, #tpu.memory_space<vmem>>, vector<16xf32>,
        %get3A_469 = arith.index_cast %add3A_441 : i32 to index
        %get3A_470 = arith.constant 48 : index
        %get3A_471 = tpu.vector_load %arg7[%get3A_469, %get3A_470] {strides = array<i32>} : memref<200x64xf32, #tpu.memory_space<vmem>>, vector<16xf32>,
        %mul3A_472 = arith.constant 8.000000e+00 : f32
        %mul3A_473 = vector.broadcast %mul3A_472 : f32 to vector<16xf32>
        %mul3A_474 = arith.mulf %get3A_471, %mul3A_473 : vector<16xf32>
        %swap3A_475 = arith.index_cast %add3A_441 : i32 to index
        %swap3A_476 = arith.constant 48 : index
        %swap3A_477 = tpu.vector_load %arg7[%swap3A_475, %swap3A_476] {strides = array<i32>} : memref<200x64xf32, #tpu.memory_space<vmem>>, vector<16xf32>,
        tpu.vector_store %arg7[%swap3A_475, %swap3A_476], %mul3A_474 {strides = array<i32>} : memref<200x64xf32, #tpu.memory_space<vmem>>, vector<16xf32>,
        %scan3A_478 = arith.constant 7 : i32
        %scan3A_479 = arith.addi %scan3A_187, %scan3A_478 : i32
        %mul3A_480 = arith.constant 1 : i32
        %mul3A_481 = arith.muli %scan3A_479, %mul3A_480 : i32
        %add3A_482 = arith.constant 0 : i32
        %add3A_483 = arith.addi %add3A_482, %mul3A_481 : i32
        %get3A_484 = arith.index_cast %add3A_483 : i32 to index
        %get3A_485 = arith.constant 0 : index
        %get3A_486 = tpu.vector_load %arg7[%get3A_484, %get3A_485] {strides = array<i32>} : memref<200x64xf32, #tpu.memory_space<vmem>>, vector<16xf32>,
        %mul3A_487 = arith.constant 8.000000e+00 : f32
        %mul3A_488 = vector.broadcast %mul3A_487 : f32 to vector<16xf32>
        %mul3A_489 = arith.mulf %get3A_486, %mul3A_488 : vector<16xf32>
        %swap3A_490 = arith.index_cast %add3A_483 : i32 to index
        %swap3A_491 = arith.constant 0 : index
        %swap3A_492 = tpu.vector_load %arg7[%swap3A_490, %swap3A_491] {strides = array<i32>} : memref<200x64xf32, #tpu.memory_space<vmem>>, vector<16xf32>,
        tpu.vector_store %arg7[%swap3A_490, %swap3A_491], %mul3A_489 {strides = array<i32>} : memref<200x64xf32, #tpu.memory_space<vmem>>, vector<16xf32>,
        %get3A_493 = arith.index_cast %add3A_483 : i32 to index
        %get3A_494 = arith.constant 16 : index
        %get3A_495 = tpu.vector_load %arg7[%get3A_493, %get3A_494] {strides = array<i32>} : memref<200x64xf32, #tpu.memory_space<vmem>>, vector<16xf32>,
        %mul3A_496 = arith.constant 8.000000e+00 : f32
        %mul3A_497 = vector.broadcast %mul3A_496 : f32 to vector<16xf32>
        %mul3A_498 = arith.mulf %get3A_495, %mul3A_497 : vector<16xf32>
        %swap3A_499 = arith.index_cast %add3A_483 : i32 to index
        %swap3A_500 = arith.constant 16 : index
        %swap3A_501 = tpu.vector_load %arg7[%swap3A_499, %swap3A_500] {strides = array<i32>} : memref<200x64xf32, #tpu.memory_space<vmem>>, vector<16xf32>,
        tpu.vector_store %arg7[%swap3A_499, %swap3A_500], %mul3A_498 {strides = array<i32>} : memref<200x64xf32, #tpu.memory_space<vmem>>, vector<16xf32>,
        %get3A_502 = arith.index_cast %add3A_483 : i32 to index
        %get3A_503 = arith.constant 32 : index
        %get3A_504 = tpu.vector_load %arg7[%get3A_502, %get3A_503] {strides = array<i32>} : memref<200x64xf32, #tpu.memory_space<vmem>>, vector<16xf32>,
        %mul3A_505 = arith.constant 8.000000e+00 : f32
        %mul3A_506 = vector.broadcast %mul3A_505 : f32 to vector<16xf32>
        %mul3A_507 = arith.mulf %get3A_504, %mul3A_506 : vector<16xf32>
        %swap3A_508 = arith.index_cast %add3A_483 : i32 to index
        %swap3A_509 = arith.constant 32 : index
        %swap3A_510 = tpu.vector_load %arg7[%swap3A_508, %swap3A_509] {strides = array<i32>} : memref<200x64xf32, #tpu.memory_space<vmem>>, vector<16xf32>,
        tpu.vector_store %arg7[%swap3A_508, %swap3A_509], %mul3A_507 {strides = array<i32>} : memref<200x64xf32, #tpu.memory_space<vmem>>, vector<16xf32>,
        %get3A_511 = arith.index_cast %add3A_483 : i32 to index
        %get3A_512 = arith.constant 48 : index
        %get3A_513 = tpu.vector_load %arg7[%get3A_511, %get3A_512] {strides = array<i32>} : memref<200x64xf32, #tpu.memory_space<vmem>>, vector<16xf32>,
        %mul3A_514 = arith.constant 8.000000e+00 : f32
        %mul3A_515 = vector.broadcast %mul3A_514 : f32 to vector<16xf32>
        %mul3A_516 = arith.mulf %get3A_513, %mul3A_515 : vector<16xf32>
        %swap3A_517 = arith.index_cast %add3A_483 : i32 to index
        %swap3A_518 = arith.constant 48 : index
        %swap3A_519 = tpu.vector_load %arg7[%swap3A_517, %swap3A_518] {strides = array<i32>} : memref<200x64xf32, #tpu.memory_space<vmem>>, vector<16xf32>,
        tpu.vector_store %arg7[%swap3A_517, %swap3A_518], %mul3A_516 {strides = array<i32>} : memref<200x64xf32, #tpu.memory_space<vmem>>, vector<16xf32>,
      }
      %scan3A_112 = arith.constant 200 : i32
      %add3A_113 = arith.addi %mul3A_2, %add3A_101 : i32
      %dma_start3A_114 = arith.constant 0 : i32
      %dma_start3A_115 = arith.constant 0 : i32
      %dma_start3A_116 = tpu.memref_slice %arg4[%add3A_113, %dma_start3A_114, %dma_start3A_115] : memref<4096x200x64xf32, #tpu.memory_space<hbm>> -> memref<1x200x64xf32, #tpu.memory_space<hbm>>
      %dma_start3A_117 = tpu.memref_squeeze %dma_start3A_116 : memref<1x200x64xf32, #tpu.memory_space<hbm>> -> memref<200x64xf32, #tpu.memory_space<hbm>>
      %dma_start3A_118 = arith.constant 0 : i32
      %dma_start3A_119 = arith.constant 0 : i32
      %dma_start3A_120 = tpu.memref_slice %arg4[%add3A_113, %dma_start3A_118, %dma_start3A_119] : memref<4096x200x64xf32, #tpu.memory_space<hbm>> -> memref<1x200x64xf32, #tpu.memory_space<hbm>>
      %dma_start3A_121 = tpu.memref_squeeze %dma_start3A_120 : memref<1x200x64xf32, #tpu.memory_space<hbm>> -> memref<200x64xf32, #tpu.memory_space<hbm>>
      tpu.enqueue_dma source(%arg7 : memref<200x64xf32, #tpu.memory_space<vmem>>) target(%dma_start3A_121 : memref<200x64xf32, #tpu.memory_space<hbm>>) target_semaphore(%arg15 : memref<!tpu.dma_semaphore, #tpu.memory_space<semaphore_mem>>)
      %add3A_122 = arith.constant 4 : i32
      %add3A_123 = arith.addi %add3A_101, %add3A_122 : i32
      %lt3A_124 = arith.constant 128 : i32
      %lt3A_125 = arith.cmpi slt, %add3A_123, %lt3A_124 : i32
      %convert_element_type3A_126 = arith.extui %lt3A_125 : i1 to i32
      %cond3A_127 = arith.constant 0 : i32
      %cond3A_128 = arith.cmpi ne, %convert_element_type3A_126, %cond3A_127 : i32
      scf.if %cond3A_128 {
        %dma_wait3A_187 = arith.constant 0 : i32
        %dma_wait3A_188 = arith.constant 0 : i32
        %dma_wait3A_189 = tpu.memref_slice %arg4[%add3A_113, %dma_wait3A_187, %dma_wait3A_188] : memref<4096x200x64xf32, #tpu.memory_space<hbm>> -> memref<1x200x64xf32, #tpu.memory_space<hbm>>
        %dma_wait3A_190 = tpu.memref_squeeze %dma_wait3A_189 : memref<1x200x64xf32, #tpu.memory_space<hbm>> -> memref<200x64xf32, #tpu.memory_space<hbm>>
        %dma_wait3A_191 = arith.constant 0 : i32
        %dma_wait3A_192 = arith.constant 0 : i32
        %dma_wait3A_193 = tpu.memref_slice %arg4[%add3A_113, %dma_wait3A_191, %dma_wait3A_192] : memref<4096x200x64xf32, #tpu.memory_space<hbm>> -> memref<1x200x64xf32, #tpu.memory_space<hbm>>
        %dma_wait3A_194 = tpu.memref_squeeze %dma_wait3A_193 : memref<1x200x64xf32, #tpu.memory_space<hbm>> -> memref<200x64xf32, #tpu.memory_space<hbm>>
        tpu.wait_dma2 semaphore(%arg15 : memref<!tpu.dma_semaphore, #tpu.memory_space<semaphore_mem>>) src(%arg7 : memref<200x64xf32, #tpu.memory_space<vmem>>) dst(%dma_wait3A_194 : memref<200x64xf32, #tpu.memory_space<hbm>>)
        %add3A_195 = arith.constant 4 : i32
        %add3A_196 = arith.addi %add3A_101, %add3A_195 : i32
        %dma_start3A_197 = arith.constant 0 : i32
        %dma_start3A_198 = tpu.memref_slice %arg5[%add3A_196, %dma_start3A_197] : memref<128x200xi32, #tpu.memory_space<vmem>> -> memref<1x200xi32, #tpu.memory_space<vmem>>
        %dma_start3A_199 = tpu.memref_squeeze %dma_start3A_198 : memref<1x200xi32, #tpu.memory_space<vmem>> -> memref<200xi32, #tpu.memory_space<vmem>>
        %dma_start3A_200 = arith.constant 0 : i32
        %dma_start3A_201 = arith.constant 0 : i32
        %dma_start3A_202 = tpu.memref_slice %arg2[%dma_start3A_200, %dma_start3A_201] : memref<1000000x64xf32, #tpu.memory_space<hbm>> -> memref<1000000x64xf32, #tpu.memory_space<hbm>>
        tpu.enqueue_indirect_dma source(%dma_start3A_202 : memref<1000000x64xf32, #tpu.memory_space<hbm>>) target(%arg7 : memref<200x64xf32, #tpu.memory_space<vmem>>) offsets(%dma_start3A_199 : memref<200xi32, #tpu.memory_space<vmem>>) semaphore(%arg11 : memref<!tpu.dma_semaphore, #tpu.memory_space<semaphore_mem>>)
      } else {
      }
      %add3A_129 = arith.constant 2 : i32
      %add3A_130 = arith.addi %add3A_73, %add3A_129 : i32
      %dma_wait3A_131 = arith.constant 0 : i32
      %dma_wait3A_132 = arith.constant 0 : i32
      %dma_wait3A_133 = tpu.memref_slice %arg2[%dma_wait3A_131, %dma_wait3A_132] : memref<1000000x64xf32, #tpu.memory_space<hbm>> -> memref<200x64xf32, #tpu.memory_space<hbm>>
      %dma_wait3A_134 = arith.constant 0 : i32
      %dma_wait3A_135 = arith.constant 0 : i32
      %dma_wait3A_136 = tpu.memref_slice %arg2[%dma_wait3A_134, %dma_wait3A_135] : memref<1000000x64xf32, #tpu.memory_space<hbm>> -> memref<200x64xf32, #tpu.memory_space<hbm>>
      tpu.wait_dma2 semaphore(%arg12 : memref<!tpu.dma_semaphore, #tpu.memory_space<semaphore_mem>>) src(%dma_wait3A_136 : memref<200x64xf32, #tpu.memory_space<hbm>>) dst(%arg8 : memref<200x64xf32, #tpu.memory_space<vmem>>)
      %scan3A_137 = arith.constant 0 : i32
      %scan3A_138 = arith.constant 200 : i32
      %scan3A_139 = arith.addi %scan3A_137, %scan3A_138 : i32
      %scan3A_140 = arith.constant 8 : i32
      scf.for %scan3A_187 = %scan3A_137 to %scan3A_139 step %scan3A_140  : i32 {
        %mul3A_188 = arith.constant 1 : i32
        %mul3A_189 = arith.muli %scan3A_187, %mul3A_188 : i32
        %add3A_190 = arith.constant 0 : i32
        %add3A_191 = arith.addi %add3A_190, %mul3A_189 : i32
        %get3A = arith.index_cast %add3A_191 : i32 to index
        %get3A_192 = arith.constant 0 : index
        %get3A_193 = tpu.vector_load %arg8[%get3A, %get3A_192] {strides = array<i32>} : memref<200x64xf32, #tpu.memory_space<vmem>>, vector<16xf32>,
        %mul3A_194 = arith.constant 8.000000e+00 : f32
        %mul3A_195 = vector.broadcast %mul3A_194 : f32 to vector<16xf32>
        %mul3A_196 = arith.mulf %get3A_193, %mul3A_195 : vector<16xf32>
        %swap3A = arith.index_cast %add3A_191 : i32 to index
        %swap3A_197 = arith.constant 0 : index
        %swap3A_198 = tpu.vector_load %arg8[%swap3A, %swap3A_197] {strides = array<i32>} : memref<200x64xf32, #tpu.memory_space<vmem>>, vector<16xf32>,
        tpu.vector_store %arg8[%swap3A, %swap3A_197], %mul3A_196 {strides = array<i32>} : memref<200x64xf32, #tpu.memory_space<vmem>>, vector<16xf32>,
        %get3A_199 = arith.index_cast %add3A_191 : i32 to index
        %get3A_200 = arith.constant 16 : index
        %get3A_201 = tpu.vector_load %arg8[%get3A_199, %get3A_200] {strides = array<i32>} : memref<200x64xf32, #tpu.memory_space<vmem>>, vector<16xf32>,
        %mul3A_202 = arith.constant 8.000000e+00 : f32
        %mul3A_203 = vector.broadcast %mul3A_202 : f32 to vector<16xf32>
        %mul3A_204 = arith.mulf %get3A_201, %mul3A_203 : vector<16xf32>
        %swap3A_205 = arith.index_cast %add3A_191 : i32 to index
        %swap3A_206 = arith.constant 16 : index
        %swap3A_207 = tpu.vector_load %arg8[%swap3A_205, %swap3A_206] {strides = array<i32>} : memref<200x64xf32, #tpu.memory_space<vmem>>, vector<16xf32>,
        tpu.vector_store %arg8[%swap3A_205, %swap3A_206], %mul3A_204 {strides = array<i32>} : memref<200x64xf32, #tpu.memory_space<vmem>>, vector<16xf32>,
        %get3A_208 = arith.index_cast %add3A_191 : i32 to index
        %get3A_209 = arith.constant 32 : index
        %get3A_210 = tpu.vector_load %arg8[%get3A_208, %get3A_209] {strides = array<i32>} : memref<200x64xf32, #tpu.memory_space<vmem>>, vector<16xf32>,
        %mul3A_211 = arith.constant 8.000000e+00 : f32
        %mul3A_212 = vector.broadcast %mul3A_211 : f32 to vector<16xf32>
        %mul3A_213 = arith.mulf %get3A_210, %mul3A_212 : vector<16xf32>
        %swap3A_214 = arith.index_cast %add3A_191 : i32 to index
        %swap3A_215 = arith.constant 32 : index
        %swap3A_216 = tpu.vector_load %arg8[%swap3A_214, %swap3A_215] {strides = array<i32>} : memref<200x64xf32, #tpu.memory_space<vmem>>, vector<16xf32>,
        tpu.vector_store %arg8[%swap3A_214, %swap3A_215], %mul3A_213 {strides = array<i32>} : memref<200x64xf32, #tpu.memory_space<vmem>>, vector<16xf32>,
        %get3A_217 = arith.index_cast %add3A_191 : i32 to index
        %get3A_218 = arith.constant 48 : index
        %get3A_219 = tpu.vector_load %arg8[%get3A_217, %get3A_218] {strides = array<i32>} : memref<200x64xf32, #tpu.memory_space<vmem>>, vector<16xf32>,
        %mul3A_220 = arith.constant 8.000000e+00 : f32
        %mul3A_221 = vector.broadcast %mul3A_220 : f32 to vector<16xf32>
        %mul3A_222 = arith.mulf %get3A_219, %mul3A_221 : vector<16xf32>
        %swap3A_223 = arith.index_cast %add3A_191 : i32 to index
        %swap3A_224 = arith.constant 48 : index
        %swap3A_225 = tpu.vector_load %arg8[%swap3A_223, %swap3A_224] {strides = array<i32>} : memref<200x64xf32, #tpu.memory_space<vmem>>, vector<16xf32>,
        tpu.vector_store %arg8[%swap3A_223, %swap3A_224], %mul3A_222 {strides = array<i32>} : memref<200x64xf32, #tpu.memory_space<vmem>>, vector<16xf32>,
        %scan3A_226 = arith.constant 1 : i32
        %scan3A_227 = arith.addi %scan3A_187, %scan3A_226 : i32
        %mul3A_228 = arith.constant 1 : i32
        %mul3A_229 = arith.muli %scan3A_227, %mul3A_228 : i32
        %add3A_230 = arith.constant 0 : i32
        %add3A_231 = arith.addi %add3A_230, %mul3A_229 : i32
        %get3A_232 = arith.index_cast %add3A_231 : i32 to index
        %get3A_233 = arith.constant 0 : index
        %get3A_234 = tpu.vector_load %arg8[%get3A_232, %get3A_233] {strides = array<i32>} : memref<200x64xf32, #tpu.memory_space<vmem>>, vector<16xf32>,
        %mul3A_235 = arith.constant 8.000000e+00 : f32
        %mul3A_236 = vector.broadcast %mul3A_235 : f32 to vector<16xf32>
        %mul3A_237 = arith.mulf %get3A_234, %mul3A_236 : vector<16xf32>
        %swap3A_238 = arith.index_cast %add3A_231 : i32 to index
        %swap3A_239 = arith.constant 0 : index
        %swap3A_240 = tpu.vector_load %arg8[%swap3A_238, %swap3A_239] {strides = array<i32>} : memref<200x64xf32, #tpu.memory_space<vmem>>, vector<16xf32>,
        tpu.vector_store %arg8[%swap3A_238, %swap3A_239], %mul3A_237 {strides = array<i32>} : memref<200x64xf32, #tpu.memory_space<vmem>>, vector<16xf32>,
        %get3A_241 = arith.index_cast %add3A_231 : i32 to index
        %get3A_242 = arith.constant 16 : index
        %get3A_243 = tpu.vector_load %arg8[%get3A_241, %get3A_242] {strides = array<i32>} : memref<200x64xf32, #tpu.memory_space<vmem>>, vector<16xf32>,
        %mul3A_244 = arith.constant 8.000000e+00 : f32
        %mul3A_245 = vector.broadcast %mul3A_244 : f32 to vector<16xf32>
        %mul3A_246 = arith.mulf %get3A_243, %mul3A_245 : vector<16xf32>
        %swap3A_247 = arith.index_cast %add3A_231 : i32 to index
        %swap3A_248 = arith.constant 16 : index
        %swap3A_249 = tpu.vector_load %arg8[%swap3A_247, %swap3A_248] {strides = array<i32>} : memref<200x64xf32, #tpu.memory_space<vmem>>, vector<16xf32>,
        tpu.vector_store %arg8[%swap3A_247, %swap3A_248], %mul3A_246 {strides = array<i32>} : memref<200x64xf32, #tpu.memory_space<vmem>>, vector<16xf32>,
        %get3A_250 = arith.index_cast %add3A_231 : i32 to index
        %get3A_251 = arith.constant 32 : index
        %get3A_252 = tpu.vector_load %arg8[%get3A_250, %get3A_251] {strides = array<i32>} : memref<200x64xf32, #tpu.memory_space<vmem>>, vector<16xf32>,
        %mul3A_253 = arith.constant 8.000000e+00 : f32
        %mul3A_254 = vector.broadcast %mul3A_253 : f32 to vector<16xf32>
        %mul3A_255 = arith.mulf %get3A_252, %mul3A_254 : vector<16xf32>
        %swap3A_256 = arith.index_cast %add3A_231 : i32 to index
        %swap3A_257 = arith.constant 32 : index
        %swap3A_258 = tpu.vector_load %arg8[%swap3A_256, %swap3A_257] {strides = array<i32>} : memref<200x64xf32, #tpu.memory_space<vmem>>, vector<16xf32>,
        tpu.vector_store %arg8[%swap3A_256, %swap3A_257], %mul3A_255 {strides = array<i32>} : memref<200x64xf32, #tpu.memory_space<vmem>>, vector<16xf32>,
        %get3A_259 = arith.index_cast %add3A_231 : i32 to index
        %get3A_260 = arith.constant 48 : index
        %get3A_261 = tpu.vector_load %arg8[%get3A_259, %get3A_260] {strides = array<i32>} : memref<200x64xf32, #tpu.memory_space<vmem>>, vector<16xf32>,
        %mul3A_262 = arith.constant 8.000000e+00 : f32
        %mul3A_263 = vector.broadcast %mul3A_262 : f32 to vector<16xf32>
        %mul3A_264 = arith.mulf %get3A_261, %mul3A_263 : vector<16xf32>
        %swap3A_265 = arith.index_cast %add3A_231 : i32 to index
        %swap3A_266 = arith.constant 48 : index
        %swap3A_267 = tpu.vector_load %arg8[%swap3A_265, %swap3A_266] {strides = array<i32>} : memref<200x64xf32, #tpu.memory_space<vmem>>, vector<16xf32>,
        tpu.vector_store %arg8[%swap3A_265, %swap3A_266], %mul3A_264 {strides = array<i32>} : memref<200x64xf32, #tpu.memory_space<vmem>>, vector<16xf32>,
        %scan3A_268 = arith.constant 2 : i32
        %scan3A_269 = arith.addi %scan3A_187, %scan3A_268 : i32
        %mul3A_270 = arith.constant 1 : i32
        %mul3A_271 = arith.muli %scan3A_269, %mul3A_270 : i32
        %add3A_272 = arith.constant 0 : i32
        %add3A_273 = arith.addi %add3A_272, %mul3A_271 : i32
        %get3A_274 = arith.index_cast %add3A_273 : i32 to index
        %get3A_275 = arith.constant 0 : index
        %get3A_276 = tpu.vector_load %arg8[%get3A_274, %get3A_275] {strides = array<i32>} : memref<200x64xf32, #tpu.memory_space<vmem>>, vector<16xf32>,
        %mul3A_277 = arith.constant 8.000000e+00 : f32
        %mul3A_278 = vector.broadcast %mul3A_277 : f32 to vector<16xf32>
        %mul3A_279 = arith.mulf %get3A_276, %mul3A_278 : vector<16xf32>
        %swap3A_280 = arith.index_cast %add3A_273 : i32 to index
        %swap3A_281 = arith.constant 0 : index
        %swap3A_282 = tpu.vector_load %arg8[%swap3A_280, %swap3A_281] {strides = array<i32>} : memref<200x64xf32, #tpu.memory_space<vmem>>, vector<16xf32>,
        tpu.vector_store %arg8[%swap3A_280, %swap3A_281], %mul3A_279 {strides = array<i32>} : memref<200x64xf32, #tpu.memory_space<vmem>>, vector<16xf32>,
        %get3A_283 = arith.index_cast %add3A_273 : i32 to index
        %get3A_284 = arith.constant 16 : index
        %get3A_285 = tpu.vector_load %arg8[%get3A_283, %get3A_284] {strides = array<i32>} : memref<200x64xf32, #tpu.memory_space<vmem>>, vector<16xf32>,
        %mul3A_286 = arith.constant 8.000000e+00 : f32
        %mul3A_287 = vector.broadcast %mul3A_286 : f32 to vector<16xf32>
        %mul3A_288 = arith.mulf %get3A_285, %mul3A_287 : vector<16xf32>
        %swap3A_289 = arith.index_cast %add3A_273 : i32 to index
        %swap3A_290 = arith.constant 16 : index
        %swap3A_291 = tpu.vector_load %arg8[%swap3A_289, %swap3A_290] {strides = array<i32>} : memref<200x64xf32, #tpu.memory_space<vmem>>, vector<16xf32>,
        tpu.vector_store %arg8[%swap3A_289, %swap3A_290], %mul3A_288 {strides = array<i32>} : memref<200x64xf32, #tpu.memory_space<vmem>>, vector<16xf32>,
        %get3A_292 = arith.index_cast %add3A_273 : i32 to index
        %get3A_293 = arith.constant 32 : index
        %get3A_294 = tpu.vector_load %arg8[%get3A_292, %get3A_293] {strides = array<i32>} : memref<200x64xf32, #tpu.memory_space<vmem>>, vector<16xf32>,
        %mul3A_295 = arith.constant 8.000000e+00 : f32
        %mul3A_296 = vector.broadcast %mul3A_295 : f32 to vector<16xf32>
        %mul3A_297 = arith.mulf %get3A_294, %mul3A_296 : vector<16xf32>
        %swap3A_298 = arith.index_cast %add3A_273 : i32 to index
        %swap3A_299 = arith.constant 32 : index
        %swap3A_300 = tpu.vector_load %arg8[%swap3A_298, %swap3A_299] {strides = array<i32>} : memref<200x64xf32, #tpu.memory_space<vmem>>, vector<16xf32>,
        tpu.vector_store %arg8[%swap3A_298, %swap3A_299], %mul3A_297 {strides = array<i32>} : memref<200x64xf32, #tpu.memory_space<vmem>>, vector<16xf32>,
        %get3A_301 = arith.index_cast %add3A_273 : i32 to index
        %get3A_302 = arith.constant 48 : index
        %get3A_303 = tpu.vector_load %arg8[%get3A_301, %get3A_302] {strides = array<i32>} : memref<200x64xf32, #tpu.memory_space<vmem>>, vector<16xf32>,
        %mul3A_304 = arith.constant 8.000000e+00 : f32
        %mul3A_305 = vector.broadcast %mul3A_304 : f32 to vector<16xf32>
        %mul3A_306 = arith.mulf %get3A_303, %mul3A_305 : vector<16xf32>
        %swap3A_307 = arith.index_cast %add3A_273 : i32 to index
        %swap3A_308 = arith.constant 48 : index
        %swap3A_309 = tpu.vector_load %arg8[%swap3A_307, %swap3A_308] {strides = array<i32>} : memref<200x64xf32, #tpu.memory_space<vmem>>, vector<16xf32>,
        tpu.vector_store %arg8[%swap3A_307, %swap3A_308], %mul3A_306 {strides = array<i32>} : memref<200x64xf32, #tpu.memory_space<vmem>>, vector<16xf32>,
        %scan3A_310 = arith.constant 3 : i32
        %scan3A_311 = arith.addi %scan3A_187, %scan3A_310 : i32
        %mul3A_312 = arith.constant 1 : i32
        %mul3A_313 = arith.muli %scan3A_311, %mul3A_312 : i32
        %add3A_314 = arith.constant 0 : i32
        %add3A_315 = arith.addi %add3A_314, %mul3A_313 : i32
        %get3A_316 = arith.index_cast %add3A_315 : i32 to index
        %get3A_317 = arith.constant 0 : index
        %get3A_318 = tpu.vector_load %arg8[%get3A_316, %get3A_317] {strides = array<i32>} : memref<200x64xf32, #tpu.memory_space<vmem>>, vector<16xf32>,
        %mul3A_319 = arith.constant 8.000000e+00 : f32
        %mul3A_320 = vector.broadcast %mul3A_319 : f32 to vector<16xf32>
        %mul3A_321 = arith.mulf %get3A_318, %mul3A_320 : vector<16xf32>
        %swap3A_322 = arith.index_cast %add3A_315 : i32 to index
        %swap3A_323 = arith.constant 0 : index
        %swap3A_324 = tpu.vector_load %arg8[%swap3A_322, %swap3A_323] {strides = array<i32>} : memref<200x64xf32, #tpu.memory_space<vmem>>, vector<16xf32>,
        tpu.vector_store %arg8[%swap3A_322, %swap3A_323], %mul3A_321 {strides = array<i32>} : memref<200x64xf32, #tpu.memory_space<vmem>>, vector<16xf32>,
        %get3A_325 = arith.index_cast %add3A_315 : i32 to index
        %get3A_326 = arith.constant 16 : index
        %get3A_327 = tpu.vector_load %arg8[%get3A_325, %get3A_326] {strides = array<i32>} : memref<200x64xf32, #tpu.memory_space<vmem>>, vector<16xf32>,
        %mul3A_328 = arith.constant 8.000000e+00 : f32
        %mul3A_329 = vector.broadcast %mul3A_328 : f32 to vector<16xf32>
        %mul3A_330 = arith.mulf %get3A_327, %mul3A_329 : vector<16xf32>
        %swap3A_331 = arith.index_cast %add3A_315 : i32 to index
        %swap3A_332 = arith.constant 16 : index
        %swap3A_333 = tpu.vector_load %arg8[%swap3A_331, %swap3A_332] {strides = array<i32>} : memref<200x64xf32, #tpu.memory_space<vmem>>, vector<16xf32>,
        tpu.vector_store %arg8[%swap3A_331, %swap3A_332], %mul3A_330 {strides = array<i32>} : memref<200x64xf32, #tpu.memory_space<vmem>>, vector<16xf32>,
        %get3A_334 = arith.index_cast %add3A_315 : i32 to index
        %get3A_335 = arith.constant 32 : index
        %get3A_336 = tpu.vector_load %arg8[%get3A_334, %get3A_335] {strides = array<i32>} : memref<200x64xf32, #tpu.memory_space<vmem>>, vector<16xf32>,
        %mul3A_337 = arith.constant 8.000000e+00 : f32
        %mul3A_338 = vector.broadcast %mul3A_337 : f32 to vector<16xf32>
        %mul3A_339 = arith.mulf %get3A_336, %mul3A_338 : vector<16xf32>
        %swap3A_340 = arith.index_cast %add3A_315 : i32 to index
        %swap3A_341 = arith.constant 32 : index
        %swap3A_342 = tpu.vector_load %arg8[%swap3A_340, %swap3A_341] {strides = array<i32>} : memref<200x64xf32, #tpu.memory_space<vmem>>, vector<16xf32>,
        tpu.vector_store %arg8[%swap3A_340, %swap3A_341], %mul3A_339 {strides = array<i32>} : memref<200x64xf32, #tpu.memory_space<vmem>>, vector<16xf32>,
        %get3A_343 = arith.index_cast %add3A_315 : i32 to index
        %get3A_344 = arith.constant 48 : index
        %get3A_345 = tpu.vector_load %arg8[%get3A_343, %get3A_344] {strides = array<i32>} : memref<200x64xf32, #tpu.memory_space<vmem>>, vector<16xf32>,
        %mul3A_346 = arith.constant 8.000000e+00 : f32
        %mul3A_347 = vector.broadcast %mul3A_346 : f32 to vector<16xf32>
        %mul3A_348 = arith.mulf %get3A_345, %mul3A_347 : vector<16xf32>
        %swap3A_349 = arith.index_cast %add3A_315 : i32 to index
        %swap3A_350 = arith.constant 48 : index
        %swap3A_351 = tpu.vector_load %arg8[%swap3A_349, %swap3A_350] {strides = array<i32>} : memref<200x64xf32, #tpu.memory_space<vmem>>, vector<16xf32>,
        tpu.vector_store %arg8[%swap3A_349, %swap3A_350], %mul3A_348 {strides = array<i32>} : memref<200x64xf32, #tpu.memory_space<vmem>>, vector<16xf32>,
        %scan3A_352 = arith.constant 4 : i32
        %scan3A_353 = arith.addi %scan3A_187, %scan3A_352 : i32
        %mul3A_354 = arith.constant 1 : i32
        %mul3A_355 = arith.muli %scan3A_353, %mul3A_354 : i32
        %add3A_356 = arith.constant 0 : i32
        %add3A_357 = arith.addi %add3A_356, %mul3A_355 : i32
        %get3A_358 = arith.index_cast %add3A_357 : i32 to index
        %get3A_359 = arith.constant 0 : index
        %get3A_360 = tpu.vector_load %arg8[%get3A_358, %get3A_359] {strides = array<i32>} : memref<200x64xf32, #tpu.memory_space<vmem>>, vector<16xf32>,
        %mul3A_361 = arith.constant 8.000000e+00 : f32
        %mul3A_362 = vector.broadcast %mul3A_361 : f32 to vector<16xf32>
        %mul3A_363 = arith.mulf %get3A_360, %mul3A_362 : vector<16xf32>
        %swap3A_364 = arith.index_cast %add3A_357 : i32 to index
        %swap3A_365 = arith.constant 0 : index
        %swap3A_366 = tpu.vector_load %arg8[%swap3A_364, %swap3A_365] {strides = array<i32>} : memref<200x64xf32, #tpu.memory_space<vmem>>, vector<16xf32>,
        tpu.vector_store %arg8[%swap3A_364, %swap3A_365], %mul3A_363 {strides = array<i32>} : memref<200x64xf32, #tpu.memory_space<vmem>>, vector<16xf32>,
        %get3A_367 = arith.index_cast %add3A_357 : i32 to index
        %get3A_368 = arith.constant 16 : index
        %get3A_369 = tpu.vector_load %arg8[%get3A_367, %get3A_368] {strides = array<i32>} : memref<200x64xf32, #tpu.memory_space<vmem>>, vector<16xf32>,
        %mul3A_370 = arith.constant 8.000000e+00 : f32
        %mul3A_371 = vector.broadcast %mul3A_370 : f32 to vector<16xf32>
        %mul3A_372 = arith.mulf %get3A_369, %mul3A_371 : vector<16xf32>
        %swap3A_373 = arith.index_cast %add3A_357 : i32 to index
        %swap3A_374 = arith.constant 16 : index
        %swap3A_375 = tpu.vector_load %arg8[%swap3A_373, %swap3A_374] {strides = array<i32>} : memref<200x64xf32, #tpu.memory_space<vmem>>, vector<16xf32>,
        tpu.vector_store %arg8[%swap3A_373, %swap3A_374], %mul3A_372 {strides = array<i32>} : memref<200x64xf32, #tpu.memory_space<vmem>>, vector<16xf32>,
        %get3A_376 = arith.index_cast %add3A_357 : i32 to index
        %get3A_377 = arith.constant 32 : index
        %get3A_378 = tpu.vector_load %arg8[%get3A_376, %get3A_377] {strides = array<i32>} : memref<200x64xf32, #tpu.memory_space<vmem>>, vector<16xf32>,
        %mul3A_379 = arith.constant 8.000000e+00 : f32
        %mul3A_380 = vector.broadcast %mul3A_379 : f32 to vector<16xf32>
        %mul3A_381 = arith.mulf %get3A_378, %mul3A_380 : vector<16xf32>
        %swap3A_382 = arith.index_cast %add3A_357 : i32 to index
        %swap3A_383 = arith.constant 32 : index
        %swap3A_384 = tpu.vector_load %arg8[%swap3A_382, %swap3A_383] {strides = array<i32>} : memref<200x64xf32, #tpu.memory_space<vmem>>, vector<16xf32>,
        tpu.vector_store %arg8[%swap3A_382, %swap3A_383], %mul3A_381 {strides = array<i32>} : memref<200x64xf32, #tpu.memory_space<vmem>>, vector<16xf32>,
        %get3A_385 = arith.index_cast %add3A_357 : i32 to index
        %get3A_386 = arith.constant 48 : index
        %get3A_387 = tpu.vector_load %arg8[%get3A_385, %get3A_386] {strides = array<i32>} : memref<200x64xf32, #tpu.memory_space<vmem>>, vector<16xf32>,
        %mul3A_388 = arith.constant 8.000000e+00 : f32
        %mul3A_389 = vector.broadcast %mul3A_388 : f32 to vector<16xf32>
        %mul3A_390 = arith.mulf %get3A_387, %mul3A_389 : vector<16xf32>
        %swap3A_391 = arith.index_cast %add3A_357 : i32 to index
        %swap3A_392 = arith.constant 48 : index
        %swap3A_393 = tpu.vector_load %arg8[%swap3A_391, %swap3A_392] {strides = array<i32>} : memref<200x64xf32, #tpu.memory_space<vmem>>, vector<16xf32>,
        tpu.vector_store %arg8[%swap3A_391, %swap3A_392], %mul3A_390 {strides = array<i32>} : memref<200x64xf32, #tpu.memory_space<vmem>>, vector<16xf32>,
        %scan3A_394 = arith.constant 5 : i32
        %scan3A_395 = arith.addi %scan3A_187, %scan3A_394 : i32
        %mul3A_396 = arith.constant 1 : i32
        %mul3A_397 = arith.muli %scan3A_395, %mul3A_396 : i32
        %add3A_398 = arith.constant 0 : i32
        %add3A_399 = arith.addi %add3A_398, %mul3A_397 : i32
        %get3A_400 = arith.index_cast %add3A_399 : i32 to index
        %get3A_401 = arith.constant 0 : index
        %get3A_402 = tpu.vector_load %arg8[%get3A_400, %get3A_401] {strides = array<i32>} : memref<200x64xf32, #tpu.memory_space<vmem>>, vector<16xf32>,
        %mul3A_403 = arith.constant 8.000000e+00 : f32
        %mul3A_404 = vector.broadcast %mul3A_403 : f32 to vector<16xf32>
        %mul3A_405 = arith.mulf %get3A_402, %mul3A_404 : vector<16xf32>
        %swap3A_406 = arith.index_cast %add3A_399 : i32 to index
        %swap3A_407 = arith.constant 0 : index
        %swap3A_408 = tpu.vector_load %arg8[%swap3A_406, %swap3A_407] {strides = array<i32>} : memref<200x64xf32, #tpu.memory_space<vmem>>, vector<16xf32>,
        tpu.vector_store %arg8[%swap3A_406, %swap3A_407], %mul3A_405 {strides = array<i32>} : memref<200x64xf32, #tpu.memory_space<vmem>>, vector<16xf32>,
        %get3A_409 = arith.index_cast %add3A_399 : i32 to index
        %get3A_410 = arith.constant 16 : index
        %get3A_411 = tpu.vector_load %arg8[%get3A_409, %get3A_410] {strides = array<i32>} : memref<200x64xf32, #tpu.memory_space<vmem>>, vector<16xf32>,
        %mul3A_412 = arith.constant 8.000000e+00 : f32
        %mul3A_413 = vector.broadcast %mul3A_412 : f32 to vector<16xf32>
        %mul3A_414 = arith.mulf %get3A_411, %mul3A_413 : vector<16xf32>
        %swap3A_415 = arith.index_cast %add3A_399 : i32 to index
        %swap3A_416 = arith.constant 16 : index
        %swap3A_417 = tpu.vector_load %arg8[%swap3A_415, %swap3A_416] {strides = array<i32>} : memref<200x64xf32, #tpu.memory_space<vmem>>, vector<16xf32>,
        tpu.vector_store %arg8[%swap3A_415, %swap3A_416], %mul3A_414 {strides = array<i32>} : memref<200x64xf32, #tpu.memory_space<vmem>>, vector<16xf32>,
        %get3A_418 = arith.index_cast %add3A_399 : i32 to index
        %get3A_419 = arith.constant 32 : index
        %get3A_420 = tpu.vector_load %arg8[%get3A_418, %get3A_419] {strides = array<i32>} : memref<200x64xf32, #tpu.memory_space<vmem>>, vector<16xf32>,
        %mul3A_421 = arith.constant 8.000000e+00 : f32
        %mul3A_422 = vector.broadcast %mul3A_421 : f32 to vector<16xf32>
        %mul3A_423 = arith.mulf %get3A_420, %mul3A_422 : vector<16xf32>
        %swap3A_424 = arith.index_cast %add3A_399 : i32 to index
        %swap3A_425 = arith.constant 32 : index
        %swap3A_426 = tpu.vector_load %arg8[%swap3A_424, %swap3A_425] {strides = array<i32>} : memref<200x64xf32, #tpu.memory_space<vmem>>, vector<16xf32>,
        tpu.vector_store %arg8[%swap3A_424, %swap3A_425], %mul3A_423 {strides = array<i32>} : memref<200x64xf32, #tpu.memory_space<vmem>>, vector<16xf32>,
        %get3A_427 = arith.index_cast %add3A_399 : i32 to index
        %get3A_428 = arith.constant 48 : index
        %get3A_429 = tpu.vector_load %arg8[%get3A_427, %get3A_428] {strides = array<i32>} : memref<200x64xf32, #tpu.memory_space<vmem>>, vector<16xf32>,
        %mul3A_430 = arith.constant 8.000000e+00 : f32
        %mul3A_431 = vector.broadcast %mul3A_430 : f32 to vector<16xf32>
        %mul3A_432 = arith.mulf %get3A_429, %mul3A_431 : vector<16xf32>
        %swap3A_433 = arith.index_cast %add3A_399 : i32 to index
        %swap3A_434 = arith.constant 48 : index
        %swap3A_435 = tpu.vector_load %arg8[%swap3A_433, %swap3A_434] {strides = array<i32>} : memref<200x64xf32, #tpu.memory_space<vmem>>, vector<16xf32>,
        tpu.vector_store %arg8[%swap3A_433, %swap3A_434], %mul3A_432 {strides = array<i32>} : memref<200x64xf32, #tpu.memory_space<vmem>>, vector<16xf32>,
        %scan3A_436 = arith.constant 6 : i32
        %scan3A_437 = arith.addi %scan3A_187, %scan3A_436 : i32
        %mul3A_438 = arith.constant 1 : i32
        %mul3A_439 = arith.muli %scan3A_437, %mul3A_438 : i32
        %add3A_440 = arith.constant 0 : i32
        %add3A_441 = arith.addi %add3A_440, %mul3A_439 : i32
        %get3A_442 = arith.index_cast %add3A_441 : i32 to index
        %get3A_443 = arith.constant 0 : index
        %get3A_444 = tpu.vector_load %arg8[%get3A_442, %get3A_443] {strides = array<i32>} : memref<200x64xf32, #tpu.memory_space<vmem>>, vector<16xf32>,
        %mul3A_445 = arith.constant 8.000000e+00 : f32
        %mul3A_446 = vector.broadcast %mul3A_445 : f32 to vector<16xf32>
        %mul3A_447 = arith.mulf %get3A_444, %mul3A_446 : vector<16xf32>
        %swap3A_448 = arith.index_cast %add3A_441 : i32 to index
        %swap3A_449 = arith.constant 0 : index
        %swap3A_450 = tpu.vector_load %arg8[%swap3A_448, %swap3A_449] {strides = array<i32>} : memref<200x64xf32, #tpu.memory_space<vmem>>, vector<16xf32>,
        tpu.vector_store %arg8[%swap3A_448, %swap3A_449], %mul3A_447 {strides = array<i32>} : memref<200x64xf32, #tpu.memory_space<vmem>>, vector<16xf32>,
        %get3A_451 = arith.index_cast %add3A_441 : i32 to index
        %get3A_452 = arith.constant 16 : index
        %get3A_453 = tpu.vector_load %arg8[%get3A_451, %get3A_452] {strides = array<i32>} : memref<200x64xf32, #tpu.memory_space<vmem>>, vector<16xf32>,
        %mul3A_454 = arith.constant 8.000000e+00 : f32
        %mul3A_455 = vector.broadcast %mul3A_454 : f32 to vector<16xf32>
        %mul3A_456 = arith.mulf %get3A_453, %mul3A_455 : vector<16xf32>
        %swap3A_457 = arith.index_cast %add3A_441 : i32 to index
        %swap3A_458 = arith.constant 16 : index
        %swap3A_459 = tpu.vector_load %arg8[%swap3A_457, %swap3A_458] {strides = array<i32>} : memref<200x64xf32, #tpu.memory_space<vmem>>, vector<16xf32>,
        tpu.vector_store %arg8[%swap3A_457, %swap3A_458], %mul3A_456 {strides = array<i32>} : memref<200x64xf32, #tpu.memory_space<vmem>>, vector<16xf32>,
        %get3A_460 = arith.index_cast %add3A_441 : i32 to index
        %get3A_461 = arith.constant 32 : index
        %get3A_462 = tpu.vector_load %arg8[%get3A_460, %get3A_461] {strides = array<i32>} : memref<200x64xf32, #tpu.memory_space<vmem>>, vector<16xf32>,
        %mul3A_463 = arith.constant 8.000000e+00 : f32
        %mul3A_464 = vector.broadcast %mul3A_463 : f32 to vector<16xf32>
        %mul3A_465 = arith.mulf %get3A_462, %mul3A_464 : vector<16xf32>
        %swap3A_466 = arith.index_cast %add3A_441 : i32 to index
        %swap3A_467 = arith.constant 32 : index
        %swap3A_468 = tpu.vector_load %arg8[%swap3A_466, %swap3A_467] {strides = array<i32>} : memref<200x64xf32, #tpu.memory_space<vmem>>, vector<16xf32>,
        tpu.vector_store %arg8[%swap3A_466, %swap3A_467], %mul3A_465 {strides = array<i32>} : memref<200x64xf32, #tpu.memory_space<vmem>>, vector<16xf32>,
        %get3A_469 = arith.index_cast %add3A_441 : i32 to index
        %get3A_470 = arith.constant 48 : index
        %get3A_471 = tpu.vector_load %arg8[%get3A_469, %get3A_470] {strides = array<i32>} : memref<200x64xf32, #tpu.memory_space<vmem>>, vector<16xf32>,
        %mul3A_472 = arith.constant 8.000000e+00 : f32
        %mul3A_473 = vector.broadcast %mul3A_472 : f32 to vector<16xf32>
        %mul3A_474 = arith.mulf %get3A_471, %mul3A_473 : vector<16xf32>
        %swap3A_475 = arith.index_cast %add3A_441 : i32 to index
        %swap3A_476 = arith.constant 48 : index
        %swap3A_477 = tpu.vector_load %arg8[%swap3A_475, %swap3A_476] {strides = array<i32>} : memref<200x64xf32, #tpu.memory_space<vmem>>, vector<16xf32>,
        tpu.vector_store %arg8[%swap3A_475, %swap3A_476], %mul3A_474 {strides = array<i32>} : memref<200x64xf32, #tpu.memory_space<vmem>>, vector<16xf32>,
        %scan3A_478 = arith.constant 7 : i32
        %scan3A_479 = arith.addi %scan3A_187, %scan3A_478 : i32
        %mul3A_480 = arith.constant 1 : i32
        %mul3A_481 = arith.muli %scan3A_479, %mul3A_480 : i32
        %add3A_482 = arith.constant 0 : i32
        %add3A_483 = arith.addi %add3A_482, %mul3A_481 : i32
        %get3A_484 = arith.index_cast %add3A_483 : i32 to index
        %get3A_485 = arith.constant 0 : index
        %get3A_486 = tpu.vector_load %arg8[%get3A_484, %get3A_485] {strides = array<i32>} : memref<200x64xf32, #tpu.memory_space<vmem>>, vector<16xf32>,
        %mul3A_487 = arith.constant 8.000000e+00 : f32
        %mul3A_488 = vector.broadcast %mul3A_487 : f32 to vector<16xf32>
        %mul3A_489 = arith.mulf %get3A_486, %mul3A_488 : vector<16xf32>
        %swap3A_490 = arith.index_cast %add3A_483 : i32 to index
        %swap3A_491 = arith.constant 0 : index
        %swap3A_492 = tpu.vector_load %arg8[%swap3A_490, %swap3A_491] {strides = array<i32>} : memref<200x64xf32, #tpu.memory_space<vmem>>, vector<16xf32>,
        tpu.vector_store %arg8[%swap3A_490, %swap3A_491], %mul3A_489 {strides = array<i32>} : memref<200x64xf32, #tpu.memory_space<vmem>>, vector<16xf32>,
        %get3A_493 = arith.index_cast %add3A_483 : i32 to index
        %get3A_494 = arith.constant 16 : index
        %get3A_495 = tpu.vector_load %arg8[%get3A_493, %get3A_494] {strides = array<i32>} : memref<200x64xf32, #tpu.memory_space<vmem>>, vector<16xf32>,
        %mul3A_496 = arith.constant 8.000000e+00 : f32
        %mul3A_497 = vector.broadcast %mul3A_496 : f32 to vector<16xf32>
        %mul3A_498 = arith.mulf %get3A_495, %mul3A_497 : vector<16xf32>
        %swap3A_499 = arith.index_cast %add3A_483 : i32 to index
        %swap3A_500 = arith.constant 16 : index
        %swap3A_501 = tpu.vector_load %arg8[%swap3A_499, %swap3A_500] {strides = array<i32>} : memref<200x64xf32, #tpu.memory_space<vmem>>, vector<16xf32>,
        tpu.vector_store %arg8[%swap3A_499, %swap3A_500], %mul3A_498 {strides = array<i32>} : memref<200x64xf32, #tpu.memory_space<vmem>>, vector<16xf32>,
        %get3A_502 = arith.index_cast %add3A_483 : i32 to index
        %get3A_503 = arith.constant 32 : index
        %get3A_504 = tpu.vector_load %arg8[%get3A_502, %get3A_503] {strides = array<i32>} : memref<200x64xf32, #tpu.memory_space<vmem>>, vector<16xf32>,
        %mul3A_505 = arith.constant 8.000000e+00 : f32
        %mul3A_506 = vector.broadcast %mul3A_505 : f32 to vector<16xf32>
        %mul3A_507 = arith.mulf %get3A_504, %mul3A_506 : vector<16xf32>
        %swap3A_508 = arith.index_cast %add3A_483 : i32 to index
        %swap3A_509 = arith.constant 32 : index
        %swap3A_510 = tpu.vector_load %arg8[%swap3A_508, %swap3A_509] {strides = array<i32>} : memref<200x64xf32, #tpu.memory_space<vmem>>, vector<16xf32>,
        tpu.vector_store %arg8[%swap3A_508, %swap3A_509], %mul3A_507 {strides = array<i32>} : memref<200x64xf32, #tpu.memory_space<vmem>>, vector<16xf32>,
        %get3A_511 = arith.index_cast %add3A_483 : i32 to index
        %get3A_512 = arith.constant 48 : index
        %get3A_513 = tpu.vector_load %arg8[%get3A_511, %get3A_512] {strides = array<i32>} : memref<200x64xf32, #tpu.memory_space<vmem>>, vector<16xf32>,
        %mul3A_514 = arith.constant 8.000000e+00 : f32
        %mul3A_515 = vector.broadcast %mul3A_514 : f32 to vector<16xf32>
        %mul3A_516 = arith.mulf %get3A_513, %mul3A_515 : vector<16xf32>
        %swap3A_517 = arith.index_cast %add3A_483 : i32 to index
        %swap3A_518 = arith.constant 48 : index
        %swap3A_519 = tpu.vector_load %arg8[%swap3A_517, %swap3A_518] {strides = array<i32>} : memref<200x64xf32, #tpu.memory_space<vmem>>, vector<16xf32>,
        tpu.vector_store %arg8[%swap3A_517, %swap3A_518], %mul3A_516 {strides = array<i32>} : memref<200x64xf32, #tpu.memory_space<vmem>>, vector<16xf32>,
      }
      %scan3A_141 = arith.constant 200 : i32
      %add3A_142 = arith.addi %mul3A_2, %add3A_130 : i32
      %dma_start3A_143 = arith.constant 0 : i32
      %dma_start3A_144 = arith.constant 0 : i32
      %dma_start3A_145 = tpu.memref_slice %arg4[%add3A_142, %dma_start3A_143, %dma_start3A_144] : memref<4096x200x64xf32, #tpu.memory_space<hbm>> -> memref<1x200x64xf32, #tpu.memory_space<hbm>>
      %dma_start3A_146 = tpu.memref_squeeze %dma_start3A_145 : memref<1x200x64xf32, #tpu.memory_space<hbm>> -> memref<200x64xf32, #tpu.memory_space<hbm>>
      %dma_start3A_147 = arith.constant 0 : i32
      %dma_start3A_148 = arith.constant 0 : i32
      %dma_start3A_149 = tpu.memref_slice %arg4[%add3A_142, %dma_start3A_147, %dma_start3A_148] : memref<4096x200x64xf32, #tpu.memory_space<hbm>> -> memref<1x200x64xf32, #tpu.memory_space<hbm>>
      %dma_start3A_150 = tpu.memref_squeeze %dma_start3A_149 : memref<1x200x64xf32, #tpu.memory_space<hbm>> -> memref<200x64xf32, #tpu.memory_space<hbm>>
      tpu.enqueue_dma source(%arg8 : memref<200x64xf32, #tpu.memory_space<vmem>>) target(%dma_start3A_150 : memref<200x64xf32, #tpu.memory_space<hbm>>) target_semaphore(%arg16 : memref<!tpu.dma_semaphore, #tpu.memory_space<semaphore_mem>>)
      %add3A_151 = arith.constant 4 : i32
      %add3A_152 = arith.addi %add3A_130, %add3A_151 : i32
      %lt3A_153 = arith.constant 128 : i32
      %lt3A_154 = arith.cmpi slt, %add3A_152, %lt3A_153 : i32
      %convert_element_type3A_155 = arith.extui %lt3A_154 : i1 to i32
      %cond3A_156 = arith.constant 0 : i32
      %cond3A_157 = arith.cmpi ne, %convert_element_type3A_155, %cond3A_156 : i32
      scf.if %cond3A_157 {
        %dma_wait3A_187 = arith.constant 0 : i32
        %dma_wait3A_188 = arith.constant 0 : i32
        %dma_wait3A_189 = tpu.memref_slice %arg4[%add3A_142, %dma_wait3A_187, %dma_wait3A_188] : memref<4096x200x64xf32, #tpu.memory_space<hbm>> -> memref<1x200x64xf32, #tpu.memory_space<hbm>>
        %dma_wait3A_190 = tpu.memref_squeeze %dma_wait3A_189 : memref<1x200x64xf32, #tpu.memory_space<hbm>> -> memref<200x64xf32, #tpu.memory_space<hbm>>
        %dma_wait3A_191 = arith.constant 0 : i32
        %dma_wait3A_192 = arith.constant 0 : i32
        %dma_wait3A_193 = tpu.memref_slice %arg4[%add3A_142, %dma_wait3A_191, %dma_wait3A_192] : memref<4096x200x64xf32, #tpu.memory_space<hbm>> -> memref<1x200x64xf32, #tpu.memory_space<hbm>>
        %dma_wait3A_194 = tpu.memref_squeeze %dma_wait3A_193 : memref<1x200x64xf32, #tpu.memory_space<hbm>> -> memref<200x64xf32, #tpu.memory_space<hbm>>
        tpu.wait_dma2 semaphore(%arg16 : memref<!tpu.dma_semaphore, #tpu.memory_space<semaphore_mem>>) src(%arg8 : memref<200x64xf32, #tpu.memory_space<vmem>>) dst(%dma_wait3A_194 : memref<200x64xf32, #tpu.memory_space<hbm>>)
        %add3A_195 = arith.constant 4 : i32
        %add3A_196 = arith.addi %add3A_130, %add3A_195 : i32
        %dma_start3A_197 = arith.constant 0 : i32
        %dma_start3A_198 = tpu.memref_slice %arg5[%add3A_196, %dma_start3A_197] : memref<128x200xi32, #tpu.memory_space<vmem>> -> memref<1x200xi32, #tpu.memory_space<vmem>>
        %dma_start3A_199 = tpu.memref_squeeze %dma_start3A_198 : memref<1x200xi32, #tpu.memory_space<vmem>> -> memref<200xi32, #tpu.memory_space<vmem>>
        %dma_start3A_200 = arith.constant 0 : i32
        %dma_start3A_201 = arith.constant 0 : i32
        %dma_start3A_202 = tpu.memref_slice %arg2[%dma_start3A_200, %dma_start3A_201] : memref<1000000x64xf32, #tpu.memory_space<hbm>> -> memref<1000000x64xf32, #tpu.memory_space<hbm>>
        tpu.enqueue_indirect_dma source(%dma_start3A_202 : memref<1000000x64xf32, #tpu.memory_space<hbm>>) target(%arg8 : memref<200x64xf32, #tpu.memory_space<vmem>>) offsets(%dma_start3A_199 : memref<200xi32, #tpu.memory_space<vmem>>) semaphore(%arg12 : memref<!tpu.dma_semaphore, #tpu.memory_space<semaphore_mem>>)
      } else {
      }
      %add3A_158 = arith.constant 3 : i32
      %add3A_159 = arith.addi %add3A_73, %add3A_158 : i32
      %dma_wait3A_160 = arith.constant 0 : i32
      %dma_wait3A_161 = arith.constant 0 : i32
      %dma_wait3A_162 = tpu.memref_slice %arg2[%dma_wait3A_160, %dma_wait3A_161] : memref<1000000x64xf32, #tpu.memory_space<hbm>> -> memref<200x64xf32, #tpu.memory_space<hbm>>
      %dma_wait3A_163 = arith.constant 0 : i32
      %dma_wait3A_164 = arith.constant 0 : i32
      %dma_wait3A_165 = tpu.memref_slice %arg2[%dma_wait3A_163, %dma_wait3A_164] : memref<1000000x64xf32, #tpu.memory_space<hbm>> -> memref<200x64xf32, #tpu.memory_space<hbm>>
      tpu.wait_dma2 semaphore(%arg13 : memref<!tpu.dma_semaphore, #tpu.memory_space<semaphore_mem>>) src(%dma_wait3A_165 : memref<200x64xf32, #tpu.memory_space<hbm>>) dst(%arg9 : memref<200x64xf32, #tpu.memory_space<vmem>>)
      %scan3A_166 = arith.constant 0 : i32
      %scan3A_167 = arith.constant 200 : i32
      %scan3A_168 = arith.addi %scan3A_166, %scan3A_167 : i32
      %scan3A_169 = arith.constant 8 : i32
      scf.for %scan3A_187 = %scan3A_166 to %scan3A_168 step %scan3A_169  : i32 {
        %mul3A_188 = arith.constant 1 : i32
        %mul3A_189 = arith.muli %scan3A_187, %mul3A_188 : i32
        %add3A_190 = arith.constant 0 : i32
        %add3A_191 = arith.addi %add3A_190, %mul3A_189 : i32
        %get3A = arith.index_cast %add3A_191 : i32 to index
        %get3A_192 = arith.constant 0 : index
        %get3A_193 = tpu.vector_load %arg9[%get3A, %get3A_192] {strides = array<i32>} : memref<200x64xf32, #tpu.memory_space<vmem>>, vector<16xf32>,
        %mul3A_194 = arith.constant 8.000000e+00 : f32
        %mul3A_195 = vector.broadcast %mul3A_194 : f32 to vector<16xf32>
        %mul3A_196 = arith.mulf %get3A_193, %mul3A_195 : vector<16xf32>
        %swap3A = arith.index_cast %add3A_191 : i32 to index
        %swap3A_197 = arith.constant 0 : index
        %swap3A_198 = tpu.vector_load %arg9[%swap3A, %swap3A_197] {strides = array<i32>} : memref<200x64xf32, #tpu.memory_space<vmem>>, vector<16xf32>,
        tpu.vector_store %arg9[%swap3A, %swap3A_197], %mul3A_196 {strides = array<i32>} : memref<200x64xf32, #tpu.memory_space<vmem>>, vector<16xf32>,
        %get3A_199 = arith.index_cast %add3A_191 : i32 to index
        %get3A_200 = arith.constant 16 : index
        %get3A_201 = tpu.vector_load %arg9[%get3A_199, %get3A_200] {strides = array<i32>} : memref<200x64xf32, #tpu.memory_space<vmem>>, vector<16xf32>,
        %mul3A_202 = arith.constant 8.000000e+00 : f32
        %mul3A_203 = vector.broadcast %mul3A_202 : f32 to vector<16xf32>
        %mul3A_204 = arith.mulf %get3A_201, %mul3A_203 : vector<16xf32>
        %swap3A_205 = arith.index_cast %add3A_191 : i32 to index
        %swap3A_206 = arith.constant 16 : index
        %swap3A_207 = tpu.vector_load %arg9[%swap3A_205, %swap3A_206] {strides = array<i32>} : memref<200x64xf32, #tpu.memory_space<vmem>>, vector<16xf32>,
        tpu.vector_store %arg9[%swap3A_205, %swap3A_206], %mul3A_204 {strides = array<i32>} : memref<200x64xf32, #tpu.memory_space<vmem>>, vector<16xf32>,
        %get3A_208 = arith.index_cast %add3A_191 : i32 to index
        %get3A_209 = arith.constant 32 : index
        %get3A_210 = tpu.vector_load %arg9[%get3A_208, %get3A_209] {strides = array<i32>} : memref<200x64xf32, #tpu.memory_space<vmem>>, vector<16xf32>,
        %mul3A_211 = arith.constant 8.000000e+00 : f32
        %mul3A_212 = vector.broadcast %mul3A_211 : f32 to vector<16xf32>
        %mul3A_213 = arith.mulf %get3A_210, %mul3A_212 : vector<16xf32>
        %swap3A_214 = arith.index_cast %add3A_191 : i32 to index
        %swap3A_215 = arith.constant 32 : index
        %swap3A_216 = tpu.vector_load %arg9[%swap3A_214, %swap3A_215] {strides = array<i32>} : memref<200x64xf32, #tpu.memory_space<vmem>>, vector<16xf32>,
        tpu.vector_store %arg9[%swap3A_214, %swap3A_215], %mul3A_213 {strides = array<i32>} : memref<200x64xf32, #tpu.memory_space<vmem>>, vector<16xf32>,
        %get3A_217 = arith.index_cast %add3A_191 : i32 to index
        %get3A_218 = arith.constant 48 : index
        %get3A_219 = tpu.vector_load %arg9[%get3A_217, %get3A_218] {strides = array<i32>} : memref<200x64xf32, #tpu.memory_space<vmem>>, vector<16xf32>,
        %mul3A_220 = arith.constant 8.000000e+00 : f32
        %mul3A_221 = vector.broadcast %mul3A_220 : f32 to vector<16xf32>
        %mul3A_222 = arith.mulf %get3A_219, %mul3A_221 : vector<16xf32>
        %swap3A_223 = arith.index_cast %add3A_191 : i32 to index
        %swap3A_224 = arith.constant 48 : index
        %swap3A_225 = tpu.vector_load %arg9[%swap3A_223, %swap3A_224] {strides = array<i32>} : memref<200x64xf32, #tpu.memory_space<vmem>>, vector<16xf32>,
        tpu.vector_store %arg9[%swap3A_223, %swap3A_224], %mul3A_222 {strides = array<i32>} : memref<200x64xf32, #tpu.memory_space<vmem>>, vector<16xf32>,
        %scan3A_226 = arith.constant 1 : i32
        %scan3A_227 = arith.addi %scan3A_187, %scan3A_226 : i32
        %mul3A_228 = arith.constant 1 : i32
        %mul3A_229 = arith.muli %scan3A_227, %mul3A_228 : i32
        %add3A_230 = arith.constant 0 : i32
        %add3A_231 = arith.addi %add3A_230, %mul3A_229 : i32
        %get3A_232 = arith.index_cast %add3A_231 : i32 to index
        %get3A_233 = arith.constant 0 : index
        %get3A_234 = tpu.vector_load %arg9[%get3A_232, %get3A_233] {strides = array<i32>} : memref<200x64xf32, #tpu.memory_space<vmem>>, vector<16xf32>,
        %mul3A_235 = arith.constant 8.000000e+00 : f32
        %mul3A_236 = vector.broadcast %mul3A_235 : f32 to vector<16xf32>
        %mul3A_237 = arith.mulf %get3A_234, %mul3A_236 : vector<16xf32>
        %swap3A_238 = arith.index_cast %add3A_231 : i32 to index
        %swap3A_239 = arith.constant 0 : index
        %swap3A_240 = tpu.vector_load %arg9[%swap3A_238, %swap3A_239] {strides = array<i32>} : memref<200x64xf32, #tpu.memory_space<vmem>>, vector<16xf32>,
        tpu.vector_store %arg9[%swap3A_238, %swap3A_239], %mul3A_237 {strides = array<i32>} : memref<200x64xf32, #tpu.memory_space<vmem>>, vector<16xf32>,
        %get3A_241 = arith.index_cast %add3A_231 : i32 to index
        %get3A_242 = arith.constant 16 : index
        %get3A_243 = tpu.vector_load %arg9[%get3A_241, %get3A_242] {strides = array<i32>} : memref<200x64xf32, #tpu.memory_space<vmem>>, vector<16xf32>,
        %mul3A_244 = arith.constant 8.000000e+00 : f32
        %mul3A_245 = vector.broadcast %mul3A_244 : f32 to vector<16xf32>
        %mul3A_246 = arith.mulf %get3A_243, %mul3A_245 : vector<16xf32>
        %swap3A_247 = arith.index_cast %add3A_231 : i32 to index
        %swap3A_248 = arith.constant 16 : index
        %swap3A_249 = tpu.vector_load %arg9[%swap3A_247, %swap3A_248] {strides = array<i32>} : memref<200x64xf32, #tpu.memory_space<vmem>>, vector<16xf32>,
        tpu.vector_store %arg9[%swap3A_247, %swap3A_248], %mul3A_246 {strides = array<i32>} : memref<200x64xf32, #tpu.memory_space<vmem>>, vector<16xf32>,
        %get3A_250 = arith.index_cast %add3A_231 : i32 to index
        %get3A_251 = arith.constant 32 : index
        %get3A_252 = tpu.vector_load %arg9[%get3A_250, %get3A_251] {strides = array<i32>} : memref<200x64xf32, #tpu.memory_space<vmem>>, vector<16xf32>,
        %mul3A_253 = arith.constant 8.000000e+00 : f32
        %mul3A_254 = vector.broadcast %mul3A_253 : f32 to vector<16xf32>
        %mul3A_255 = arith.mulf %get3A_252, %mul3A_254 : vector<16xf32>
        %swap3A_256 = arith.index_cast %add3A_231 : i32 to index
        %swap3A_257 = arith.constant 32 : index
        %swap3A_258 = tpu.vector_load %arg9[%swap3A_256, %swap3A_257] {strides = array<i32>} : memref<200x64xf32, #tpu.memory_space<vmem>>, vector<16xf32>,
        tpu.vector_store %arg9[%swap3A_256, %swap3A_257], %mul3A_255 {strides = array<i32>} : memref<200x64xf32, #tpu.memory_space<vmem>>, vector<16xf32>,
        %get3A_259 = arith.index_cast %add3A_231 : i32 to index
        %get3A_260 = arith.constant 48 : index
        %get3A_261 = tpu.vector_load %arg9[%get3A_259, %get3A_260] {strides = array<i32>} : memref<200x64xf32, #tpu.memory_space<vmem>>, vector<16xf32>,
        %mul3A_262 = arith.constant 8.000000e+00 : f32
        %mul3A_263 = vector.broadcast %mul3A_262 : f32 to vector<16xf32>
        %mul3A_264 = arith.mulf %get3A_261, %mul3A_263 : vector<16xf32>
        %swap3A_265 = arith.index_cast %add3A_231 : i32 to index
        %swap3A_266 = arith.constant 48 : index
        %swap3A_267 = tpu.vector_load %arg9[%swap3A_265, %swap3A_266] {strides = array<i32>} : memref<200x64xf32, #tpu.memory_space<vmem>>, vector<16xf32>,
        tpu.vector_store %arg9[%swap3A_265, %swap3A_266], %mul3A_264 {strides = array<i32>} : memref<200x64xf32, #tpu.memory_space<vmem>>, vector<16xf32>,
        %scan3A_268 = arith.constant 2 : i32
        %scan3A_269 = arith.addi %scan3A_187, %scan3A_268 : i32
        %mul3A_270 = arith.constant 1 : i32
        %mul3A_271 = arith.muli %scan3A_269, %mul3A_270 : i32
        %add3A_272 = arith.constant 0 : i32
        %add3A_273 = arith.addi %add3A_272, %mul3A_271 : i32
        %get3A_274 = arith.index_cast %add3A_273 : i32 to index
        %get3A_275 = arith.constant 0 : index
        %get3A_276 = tpu.vector_load %arg9[%get3A_274, %get3A_275] {strides = array<i32>} : memref<200x64xf32, #tpu.memory_space<vmem>>, vector<16xf32>,
        %mul3A_277 = arith.constant 8.000000e+00 : f32
        %mul3A_278 = vector.broadcast %mul3A_277 : f32 to vector<16xf32>
        %mul3A_279 = arith.mulf %get3A_276, %mul3A_278 : vector<16xf32>
        %swap3A_280 = arith.index_cast %add3A_273 : i32 to index
        %swap3A_281 = arith.constant 0 : index
        %swap3A_282 = tpu.vector_load %arg9[%swap3A_280, %swap3A_281] {strides = array<i32>} : memref<200x64xf32, #tpu.memory_space<vmem>>, vector<16xf32>,
        tpu.vector_store %arg9[%swap3A_280, %swap3A_281], %mul3A_279 {strides = array<i32>} : memref<200x64xf32, #tpu.memory_space<vmem>>, vector<16xf32>,
        %get3A_283 = arith.index_cast %add3A_273 : i32 to index
        %get3A_284 = arith.constant 16 : index
        %get3A_285 = tpu.vector_load %arg9[%get3A_283, %get3A_284] {strides = array<i32>} : memref<200x64xf32, #tpu.memory_space<vmem>>, vector<16xf32>,
        %mul3A_286 = arith.constant 8.000000e+00 : f32
        %mul3A_287 = vector.broadcast %mul3A_286 : f32 to vector<16xf32>
        %mul3A_288 = arith.mulf %get3A_285, %mul3A_287 : vector<16xf32>
        %swap3A_289 = arith.index_cast %add3A_273 : i32 to index
        %swap3A_290 = arith.constant 16 : index
        %swap3A_291 = tpu.vector_load %arg9[%swap3A_289, %swap3A_290] {strides = array<i32>} : memref<200x64xf32, #tpu.memory_space<vmem>>, vector<16xf32>,
        tpu.vector_store %arg9[%swap3A_289, %swap3A_290], %mul3A_288 {strides = array<i32>} : memref<200x64xf32, #tpu.memory_space<vmem>>, vector<16xf32>,
        %get3A_292 = arith.index_cast %add3A_273 : i32 to index
        %get3A_293 = arith.constant 32 : index
        %get3A_294 = tpu.vector_load %arg9[%get3A_292, %get3A_293] {strides = array<i32>} : memref<200x64xf32, #tpu.memory_space<vmem>>, vector<16xf32>,
        %mul3A_295 = arith.constant 8.000000e+00 : f32
        %mul3A_296 = vector.broadcast %mul3A_295 : f32 to vector<16xf32>
        %mul3A_297 = arith.mulf %get3A_294, %mul3A_296 : vector<16xf32>
        %swap3A_298 = arith.index_cast %add3A_273 : i32 to index
        %swap3A_299 = arith.constant 32 : index
        %swap3A_300 = tpu.vector_load %arg9[%swap3A_298, %swap3A_299] {strides = array<i32>} : memref<200x64xf32, #tpu.memory_space<vmem>>, vector<16xf32>,
        tpu.vector_store %arg9[%swap3A_298, %swap3A_299], %mul3A_297 {strides = array<i32>} : memref<200x64xf32, #tpu.memory_space<vmem>>, vector<16xf32>,
        %get3A_301 = arith.index_cast %add3A_273 : i32 to index
        %get3A_302 = arith.constant 48 : index
        %get3A_303 = tpu.vector_load %arg9[%get3A_301, %get3A_302] {strides = array<i32>} : memref<200x64xf32, #tpu.memory_space<vmem>>, vector<16xf32>,
        %mul3A_304 = arith.constant 8.000000e+00 : f32
        %mul3A_305 = vector.broadcast %mul3A_304 : f32 to vector<16xf32>
        %mul3A_306 = arith.mulf %get3A_303, %mul3A_305 : vector<16xf32>
        %swap3A_307 = arith.index_cast %add3A_273 : i32 to index
        %swap3A_308 = arith.constant 48 : index
        %swap3A_309 = tpu.vector_load %arg9[%swap3A_307, %swap3A_308] {strides = array<i32>} : memref<200x64xf32, #tpu.memory_space<vmem>>, vector<16xf32>,
        tpu.vector_store %arg9[%swap3A_307, %swap3A_308], %mul3A_306 {strides = array<i32>} : memref<200x64xf32, #tpu.memory_space<vmem>>, vector<16xf32>,
        %scan3A_310 = arith.constant 3 : i32
        %scan3A_311 = arith.addi %scan3A_187, %scan3A_310 : i32
        %mul3A_312 = arith.constant 1 : i32
        %mul3A_313 = arith.muli %scan3A_311, %mul3A_312 : i32
        %add3A_314 = arith.constant 0 : i32
        %add3A_315 = arith.addi %add3A_314, %mul3A_313 : i32
        %get3A_316 = arith.index_cast %add3A_315 : i32 to index
        %get3A_317 = arith.constant 0 : index
        %get3A_318 = tpu.vector_load %arg9[%get3A_316, %get3A_317] {strides = array<i32>} : memref<200x64xf32, #tpu.memory_space<vmem>>, vector<16xf32>,
        %mul3A_319 = arith.constant 8.000000e+00 : f32
        %mul3A_320 = vector.broadcast %mul3A_319 : f32 to vector<16xf32>
        %mul3A_321 = arith.mulf %get3A_318, %mul3A_320 : vector<16xf32>
        %swap3A_322 = arith.index_cast %add3A_315 : i32 to index
        %swap3A_323 = arith.constant 0 : index
        %swap3A_324 = tpu.vector_load %arg9[%swap3A_322, %swap3A_323] {strides = array<i32>} : memref<200x64xf32, #tpu.memory_space<vmem>>, vector<16xf32>,
        tpu.vector_store %arg9[%swap3A_322, %swap3A_323], %mul3A_321 {strides = array<i32>} : memref<200x64xf32, #tpu.memory_space<vmem>>, vector<16xf32>,
        %get3A_325 = arith.index_cast %add3A_315 : i32 to index
        %get3A_326 = arith.constant 16 : index
        %get3A_327 = tpu.vector_load %arg9[%get3A_325, %get3A_326] {strides = array<i32>} : memref<200x64xf32, #tpu.memory_space<vmem>>, vector<16xf32>,
        %mul3A_328 = arith.constant 8.000000e+00 : f32
        %mul3A_329 = vector.broadcast %mul3A_328 : f32 to vector<16xf32>
        %mul3A_330 = arith.mulf %get3A_327, %mul3A_329 : vector<16xf32>
        %swap3A_331 = arith.index_cast %add3A_315 : i32 to index
        %swap3A_332 = arith.constant 16 : index
        %swap3A_333 = tpu.vector_load %arg9[%swap3A_331, %swap3A_332] {strides = array<i32>} : memref<200x64xf32, #tpu.memory_space<vmem>>, vector<16xf32>,
        tpu.vector_store %arg9[%swap3A_331, %swap3A_332], %mul3A_330 {strides = array<i32>} : memref<200x64xf32, #tpu.memory_space<vmem>>, vector<16xf32>,
        %get3A_334 = arith.index_cast %add3A_315 : i32 to index
        %get3A_335 = arith.constant 32 : index
        %get3A_336 = tpu.vector_load %arg9[%get3A_334, %get3A_335] {strides = array<i32>} : memref<200x64xf32, #tpu.memory_space<vmem>>, vector<16xf32>,
        %mul3A_337 = arith.constant 8.000000e+00 : f32
        %mul3A_338 = vector.broadcast %mul3A_337 : f32 to vector<16xf32>
        %mul3A_339 = arith.mulf %get3A_336, %mul3A_338 : vector<16xf32>
        %swap3A_340 = arith.index_cast %add3A_315 : i32 to index
        %swap3A_341 = arith.constant 32 : index
        %swap3A_342 = tpu.vector_load %arg9[%swap3A_340, %swap3A_341] {strides = array<i32>} : memref<200x64xf32, #tpu.memory_space<vmem>>, vector<16xf32>,
        tpu.vector_store %arg9[%swap3A_340, %swap3A_341], %mul3A_339 {strides = array<i32>} : memref<200x64xf32, #tpu.memory_space<vmem>>, vector<16xf32>,
        %get3A_343 = arith.index_cast %add3A_315 : i32 to index
        %get3A_344 = arith.constant 48 : index
        %get3A_345 = tpu.vector_load %arg9[%get3A_343, %get3A_344] {strides = array<i32>} : memref<200x64xf32, #tpu.memory_space<vmem>>, vector<16xf32>,
        %mul3A_346 = arith.constant 8.000000e+00 : f32
        %mul3A_347 = vector.broadcast %mul3A_346 : f32 to vector<16xf32>
        %mul3A_348 = arith.mulf %get3A_345, %mul3A_347 : vector<16xf32>
        %swap3A_349 = arith.index_cast %add3A_315 : i32 to index
        %swap3A_350 = arith.constant 48 : index
        %swap3A_351 = tpu.vector_load %arg9[%swap3A_349, %swap3A_350] {strides = array<i32>} : memref<200x64xf32, #tpu.memory_space<vmem>>, vector<16xf32>,
        tpu.vector_store %arg9[%swap3A_349, %swap3A_350], %mul3A_348 {strides = array<i32>} : memref<200x64xf32, #tpu.memory_space<vmem>>, vector<16xf32>,
        %scan3A_352 = arith.constant 4 : i32
        %scan3A_353 = arith.addi %scan3A_187, %scan3A_352 : i32
        %mul3A_354 = arith.constant 1 : i32
        %mul3A_355 = arith.muli %scan3A_353, %mul3A_354 : i32
        %add3A_356 = arith.constant 0 : i32
        %add3A_357 = arith.addi %add3A_356, %mul3A_355 : i32
        %get3A_358 = arith.index_cast %add3A_357 : i32 to index
        %get3A_359 = arith.constant 0 : index
        %get3A_360 = tpu.vector_load %arg9[%get3A_358, %get3A_359] {strides = array<i32>} : memref<200x64xf32, #tpu.memory_space<vmem>>, vector<16xf32>,
        %mul3A_361 = arith.constant 8.000000e+00 : f32
        %mul3A_362 = vector.broadcast %mul3A_361 : f32 to vector<16xf32>
        %mul3A_363 = arith.mulf %get3A_360, %mul3A_362 : vector<16xf32>
        %swap3A_364 = arith.index_cast %add3A_357 : i32 to index
        %swap3A_365 = arith.constant 0 : index
        %swap3A_366 = tpu.vector_load %arg9[%swap3A_364, %swap3A_365] {strides = array<i32>} : memref<200x64xf32, #tpu.memory_space<vmem>>, vector<16xf32>,
        tpu.vector_store %arg9[%swap3A_364, %swap3A_365], %mul3A_363 {strides = array<i32>} : memref<200x64xf32, #tpu.memory_space<vmem>>, vector<16xf32>,
        %get3A_367 = arith.index_cast %add3A_357 : i32 to index
        %get3A_368 = arith.constant 16 : index
        %get3A_369 = tpu.vector_load %arg9[%get3A_367, %get3A_368] {strides = array<i32>} : memref<200x64xf32, #tpu.memory_space<vmem>>, vector<16xf32>,
        %mul3A_370 = arith.constant 8.000000e+00 : f32
        %mul3A_371 = vector.broadcast %mul3A_370 : f32 to vector<16xf32>
        %mul3A_372 = arith.mulf %get3A_369, %mul3A_371 : vector<16xf32>
        %swap3A_373 = arith.index_cast %add3A_357 : i32 to index
        %swap3A_374 = arith.constant 16 : index
        %swap3A_375 = tpu.vector_load %arg9[%swap3A_373, %swap3A_374] {strides = array<i32>} : memref<200x64xf32, #tpu.memory_space<vmem>>, vector<16xf32>,
        tpu.vector_store %arg9[%swap3A_373, %swap3A_374], %mul3A_372 {strides = array<i32>} : memref<200x64xf32, #tpu.memory_space<vmem>>, vector<16xf32>,
        %get3A_376 = arith.index_cast %add3A_357 : i32 to index
        %get3A_377 = arith.constant 32 : index
        %get3A_378 = tpu.vector_load %arg9[%get3A_376, %get3A_377] {strides = array<i32>} : memref<200x64xf32, #tpu.memory_space<vmem>>, vector<16xf32>,
        %mul3A_379 = arith.constant 8.000000e+00 : f32
        %mul3A_380 = vector.broadcast %mul3A_379 : f32 to vector<16xf32>
        %mul3A_381 = arith.mulf %get3A_378, %mul3A_380 : vector<16xf32>
        %swap3A_382 = arith.index_cast %add3A_357 : i32 to index
        %swap3A_383 = arith.constant 32 : index
        %swap3A_384 = tpu.vector_load %arg9[%swap3A_382, %swap3A_383] {strides = array<i32>} : memref<200x64xf32, #tpu.memory_space<vmem>>, vector<16xf32>,
        tpu.vector_store %arg9[%swap3A_382, %swap3A_383], %mul3A_381 {strides = array<i32>} : memref<200x64xf32, #tpu.memory_space<vmem>>, vector<16xf32>,
        %get3A_385 = arith.index_cast %add3A_357 : i32 to index
        %get3A_386 = arith.constant 48 : index
        %get3A_387 = tpu.vector_load %arg9[%get3A_385, %get3A_386] {strides = array<i32>} : memref<200x64xf32, #tpu.memory_space<vmem>>, vector<16xf32>,
        %mul3A_388 = arith.constant 8.000000e+00 : f32
        %mul3A_389 = vector.broadcast %mul3A_388 : f32 to vector<16xf32>
        %mul3A_390 = arith.mulf %get3A_387, %mul3A_389 : vector<16xf32>
        %swap3A_391 = arith.index_cast %add3A_357 : i32 to index
        %swap3A_392 = arith.constant 48 : index
        %swap3A_393 = tpu.vector_load %arg9[%swap3A_391, %swap3A_392] {strides = array<i32>} : memref<200x64xf32, #tpu.memory_space<vmem>>, vector<16xf32>,
        tpu.vector_store %arg9[%swap3A_391, %swap3A_392], %mul3A_390 {strides = array<i32>} : memref<200x64xf32, #tpu.memory_space<vmem>>, vector<16xf32>,
        %scan3A_394 = arith.constant 5 : i32
        %scan3A_395 = arith.addi %scan3A_187, %scan3A_394 : i32
        %mul3A_396 = arith.constant 1 : i32
        %mul3A_397 = arith.muli %scan3A_395, %mul3A_396 : i32
        %add3A_398 = arith.constant 0 : i32
        %add3A_399 = arith.addi %add3A_398, %mul3A_397 : i32
        %get3A_400 = arith.index_cast %add3A_399 : i32 to index
        %get3A_401 = arith.constant 0 : index
        %get3A_402 = tpu.vector_load %arg9[%get3A_400, %get3A_401] {strides = array<i32>} : memref<200x64xf32, #tpu.memory_space<vmem>>, vector<16xf32>,
        %mul3A_403 = arith.constant 8.000000e+00 : f32
        %mul3A_404 = vector.broadcast %mul3A_403 : f32 to vector<16xf32>
        %mul3A_405 = arith.mulf %get3A_402, %mul3A_404 : vector<16xf32>
        %swap3A_406 = arith.index_cast %add3A_399 : i32 to index
        %swap3A_407 = arith.constant 0 : index
        %swap3A_408 = tpu.vector_load %arg9[%swap3A_406, %swap3A_407] {strides = array<i32>} : memref<200x64xf32, #tpu.memory_space<vmem>>, vector<16xf32>,
        tpu.vector_store %arg9[%swap3A_406, %swap3A_407], %mul3A_405 {strides = array<i32>} : memref<200x64xf32, #tpu.memory_space<vmem>>, vector<16xf32>,
        %get3A_409 = arith.index_cast %add3A_399 : i32 to index
        %get3A_410 = arith.constant 16 : index
        %get3A_411 = tpu.vector_load %arg9[%get3A_409, %get3A_410] {strides = array<i32>} : memref<200x64xf32, #tpu.memory_space<vmem>>, vector<16xf32>,
        %mul3A_412 = arith.constant 8.000000e+00 : f32
        %mul3A_413 = vector.broadcast %mul3A_412 : f32 to vector<16xf32>
        %mul3A_414 = arith.mulf %get3A_411, %mul3A_413 : vector<16xf32>
        %swap3A_415 = arith.index_cast %add3A_399 : i32 to index
        %swap3A_416 = arith.constant 16 : index
        %swap3A_417 = tpu.vector_load %arg9[%swap3A_415, %swap3A_416] {strides = array<i32>} : memref<200x64xf32, #tpu.memory_space<vmem>>, vector<16xf32>,
        tpu.vector_store %arg9[%swap3A_415, %swap3A_416], %mul3A_414 {strides = array<i32>} : memref<200x64xf32, #tpu.memory_space<vmem>>, vector<16xf32>,
        %get3A_418 = arith.index_cast %add3A_399 : i32 to index
        %get3A_419 = arith.constant 32 : index
        %get3A_420 = tpu.vector_load %arg9[%get3A_418, %get3A_419] {strides = array<i32>} : memref<200x64xf32, #tpu.memory_space<vmem>>, vector<16xf32>,
        %mul3A_421 = arith.constant 8.000000e+00 : f32
        %mul3A_422 = vector.broadcast %mul3A_421 : f32 to vector<16xf32>
        %mul3A_423 = arith.mulf %get3A_420, %mul3A_422 : vector<16xf32>
        %swap3A_424 = arith.index_cast %add3A_399 : i32 to index
        %swap3A_425 = arith.constant 32 : index
        %swap3A_426 = tpu.vector_load %arg9[%swap3A_424, %swap3A_425] {strides = array<i32>} : memref<200x64xf32, #tpu.memory_space<vmem>>, vector<16xf32>,
        tpu.vector_store %arg9[%swap3A_424, %swap3A_425], %mul3A_423 {strides = array<i32>} : memref<200x64xf32, #tpu.memory_space<vmem>>, vector<16xf32>,
        %get3A_427 = arith.index_cast %add3A_399 : i32 to index
        %get3A_428 = arith.constant 48 : index
        %get3A_429 = tpu.vector_load %arg9[%get3A_427, %get3A_428] {strides = array<i32>} : memref<200x64xf32, #tpu.memory_space<vmem>>, vector<16xf32>,
        %mul3A_430 = arith.constant 8.000000e+00 : f32
        %mul3A_431 = vector.broadcast %mul3A_430 : f32 to vector<16xf32>
        %mul3A_432 = arith.mulf %get3A_429, %mul3A_431 : vector<16xf32>
        %swap3A_433 = arith.index_cast %add3A_399 : i32 to index
        %swap3A_434 = arith.constant 48 : index
        %swap3A_435 = tpu.vector_load %arg9[%swap3A_433, %swap3A_434] {strides = array<i32>} : memref<200x64xf32, #tpu.memory_space<vmem>>, vector<16xf32>,
        tpu.vector_store %arg9[%swap3A_433, %swap3A_434], %mul3A_432 {strides = array<i32>} : memref<200x64xf32, #tpu.memory_space<vmem>>, vector<16xf32>,
        %scan3A_436 = arith.constant 6 : i32
        %scan3A_437 = arith.addi %scan3A_187, %scan3A_436 : i32
        %mul3A_438 = arith.constant 1 : i32
        %mul3A_439 = arith.muli %scan3A_437, %mul3A_438 : i32
        %add3A_440 = arith.constant 0 : i32
        %add3A_441 = arith.addi %add3A_440, %mul3A_439 : i32
        %get3A_442 = arith.index_cast %add3A_441 : i32 to index
        %get3A_443 = arith.constant 0 : index
        %get3A_444 = tpu.vector_load %arg9[%get3A_442, %get3A_443] {strides = array<i32>} : memref<200x64xf32, #tpu.memory_space<vmem>>, vector<16xf32>,
        %mul3A_445 = arith.constant 8.000000e+00 : f32
        %mul3A_446 = vector.broadcast %mul3A_445 : f32 to vector<16xf32>
        %mul3A_447 = arith.mulf %get3A_444, %mul3A_446 : vector<16xf32>
        %swap3A_448 = arith.index_cast %add3A_441 : i32 to index
        %swap3A_449 = arith.constant 0 : index
        %swap3A_450 = tpu.vector_load %arg9[%swap3A_448, %swap3A_449] {strides = array<i32>} : memref<200x64xf32, #tpu.memory_space<vmem>>, vector<16xf32>,
        tpu.vector_store %arg9[%swap3A_448, %swap3A_449], %mul3A_447 {strides = array<i32>} : memref<200x64xf32, #tpu.memory_space<vmem>>, vector<16xf32>,
        %get3A_451 = arith.index_cast %add3A_441 : i32 to index
        %get3A_452 = arith.constant 16 : index
        %get3A_453 = tpu.vector_load %arg9[%get3A_451, %get3A_452] {strides = array<i32>} : memref<200x64xf32, #tpu.memory_space<vmem>>, vector<16xf32>,
        %mul3A_454 = arith.constant 8.000000e+00 : f32
        %mul3A_455 = vector.broadcast %mul3A_454 : f32 to vector<16xf32>
        %mul3A_456 = arith.mulf %get3A_453, %mul3A_455 : vector<16xf32>
        %swap3A_457 = arith.index_cast %add3A_441 : i32 to index
        %swap3A_458 = arith.constant 16 : index
        %swap3A_459 = tpu.vector_load %arg9[%swap3A_457, %swap3A_458] {strides = array<i32>} : memref<200x64xf32, #tpu.memory_space<vmem>>, vector<16xf32>,
        tpu.vector_store %arg9[%swap3A_457, %swap3A_458], %mul3A_456 {strides = array<i32>} : memref<200x64xf32, #tpu.memory_space<vmem>>, vector<16xf32>,
        %get3A_460 = arith.index_cast %add3A_441 : i32 to index
        %get3A_461 = arith.constant 32 : index
        %get3A_462 = tpu.vector_load %arg9[%get3A_460, %get3A_461] {strides = array<i32>} : memref<200x64xf32, #tpu.memory_space<vmem>>, vector<16xf32>,
        %mul3A_463 = arith.constant 8.000000e+00 : f32
        %mul3A_464 = vector.broadcast %mul3A_463 : f32 to vector<16xf32>
        %mul3A_465 = arith.mulf %get3A_462, %mul3A_464 : vector<16xf32>
        %swap3A_466 = arith.index_cast %add3A_441 : i32 to index
        %swap3A_467 = arith.constant 32 : index
        %swap3A_468 = tpu.vector_load %arg9[%swap3A_466, %swap3A_467] {strides = array<i32>} : memref<200x64xf32, #tpu.memory_space<vmem>>, vector<16xf32>,
        tpu.vector_store %arg9[%swap3A_466, %swap3A_467], %mul3A_465 {strides = array<i32>} : memref<200x64xf32, #tpu.memory_space<vmem>>, vector<16xf32>,
        %get3A_469 = arith.index_cast %add3A_441 : i32 to index
        %get3A_470 = arith.constant 48 : index
        %get3A_471 = tpu.vector_load %arg9[%get3A_469, %get3A_470] {strides = array<i32>} : memref<200x64xf32, #tpu.memory_space<vmem>>, vector<16xf32>,
        %mul3A_472 = arith.constant 8.000000e+00 : f32
        %mul3A_473 = vector.broadcast %mul3A_472 : f32 to vector<16xf32>
        %mul3A_474 = arith.mulf %get3A_471, %mul3A_473 : vector<16xf32>
        %swap3A_475 = arith.index_cast %add3A_441 : i32 to index
        %swap3A_476 = arith.constant 48 : index
        %swap3A_477 = tpu.vector_load %arg9[%swap3A_475, %swap3A_476] {strides = array<i32>} : memref<200x64xf32, #tpu.memory_space<vmem>>, vector<16xf32>,
        tpu.vector_store %arg9[%swap3A_475, %swap3A_476], %mul3A_474 {strides = array<i32>} : memref<200x64xf32, #tpu.memory_space<vmem>>, vector<16xf32>,
        %scan3A_478 = arith.constant 7 : i32
        %scan3A_479 = arith.addi %scan3A_187, %scan3A_478 : i32
        %mul3A_480 = arith.constant 1 : i32
        %mul3A_481 = arith.muli %scan3A_479, %mul3A_480 : i32
        %add3A_482 = arith.constant 0 : i32
        %add3A_483 = arith.addi %add3A_482, %mul3A_481 : i32
        %get3A_484 = arith.index_cast %add3A_483 : i32 to index
        %get3A_485 = arith.constant 0 : index
        %get3A_486 = tpu.vector_load %arg9[%get3A_484, %get3A_485] {strides = array<i32>} : memref<200x64xf32, #tpu.memory_space<vmem>>, vector<16xf32>,
        %mul3A_487 = arith.constant 8.000000e+00 : f32
        %mul3A_488 = vector.broadcast %mul3A_487 : f32 to vector<16xf32>
        %mul3A_489 = arith.mulf %get3A_486, %mul3A_488 : vector<16xf32>
        %swap3A_490 = arith.index_cast %add3A_483 : i32 to index
        %swap3A_491 = arith.constant 0 : index
        %swap3A_492 = tpu.vector_load %arg9[%swap3A_490, %swap3A_491] {strides = array<i32>} : memref<200x64xf32, #tpu.memory_space<vmem>>, vector<16xf32>,
        tpu.vector_store %arg9[%swap3A_490, %swap3A_491], %mul3A_489 {strides = array<i32>} : memref<200x64xf32, #tpu.memory_space<vmem>>, vector<16xf32>,
        %get3A_493 = arith.index_cast %add3A_483 : i32 to index
        %get3A_494 = arith.constant 16 : index
        %get3A_495 = tpu.vector_load %arg9[%get3A_493, %get3A_494] {strides = array<i32>} : memref<200x64xf32, #tpu.memory_space<vmem>>, vector<16xf32>,
        %mul3A_496 = arith.constant 8.000000e+00 : f32
        %mul3A_497 = vector.broadcast %mul3A_496 : f32 to vector<16xf32>
        %mul3A_498 = arith.mulf %get3A_495, %mul3A_497 : vector<16xf32>
        %swap3A_499 = arith.index_cast %add3A_483 : i32 to index
        %swap3A_500 = arith.constant 16 : index
        %swap3A_501 = tpu.vector_load %arg9[%swap3A_499, %swap3A_500] {strides = array<i32>} : memref<200x64xf32, #tpu.memory_space<vmem>>, vector<16xf32>,
        tpu.vector_store %arg9[%swap3A_499, %swap3A_500], %mul3A_498 {strides = array<i32>} : memref<200x64xf32, #tpu.memory_space<vmem>>, vector<16xf32>,
        %get3A_502 = arith.index_cast %add3A_483 : i32 to index
        %get3A_503 = arith.constant 32 : index
        %get3A_504 = tpu.vector_load %arg9[%get3A_502, %get3A_503] {strides = array<i32>} : memref<200x64xf32, #tpu.memory_space<vmem>>, vector<16xf32>,
        %mul3A_505 = arith.constant 8.000000e+00 : f32
        %mul3A_506 = vector.broadcast %mul3A_505 : f32 to vector<16xf32>
        %mul3A_507 = arith.mulf %get3A_504, %mul3A_506 : vector<16xf32>
        %swap3A_508 = arith.index_cast %add3A_483 : i32 to index
        %swap3A_509 = arith.constant 32 : index
        %swap3A_510 = tpu.vector_load %arg9[%swap3A_508, %swap3A_509] {strides = array<i32>} : memref<200x64xf32, #tpu.memory_space<vmem>>, vector<16xf32>,
        tpu.vector_store %arg9[%swap3A_508, %swap3A_509], %mul3A_507 {strides = array<i32>} : memref<200x64xf32, #tpu.memory_space<vmem>>, vector<16xf32>,
        %get3A_511 = arith.index_cast %add3A_483 : i32 to index
        %get3A_512 = arith.constant 48 : index
        %get3A_513 = tpu.vector_load %arg9[%get3A_511, %get3A_512] {strides = array<i32>} : memref<200x64xf32, #tpu.memory_space<vmem>>, vector<16xf32>,
        %mul3A_514 = arith.constant 8.000000e+00 : f32
        %mul3A_515 = vector.broadcast %mul3A_514 : f32 to vector<16xf32>
        %mul3A_516 = arith.mulf %get3A_513, %mul3A_515 : vector<16xf32>
        %swap3A_517 = arith.index_cast %add3A_483 : i32 to index
        %swap3A_518 = arith.constant 48 : index
        %swap3A_519 = tpu.vector_load %arg9[%swap3A_517, %swap3A_518] {strides = array<i32>} : memref<200x64xf32, #tpu.memory_space<vmem>>, vector<16xf32>,
        tpu.vector_store %arg9[%swap3A_517, %swap3A_518], %mul3A_516 {strides = array<i32>} : memref<200x64xf32, #tpu.memory_space<vmem>>, vector<16xf32>,
      }
      %scan3A_170 = arith.constant 200 : i32
      %add3A_171 = arith.addi %mul3A_2, %add3A_159 : i32
      %dma_start3A_172 = arith.constant 0 : i32
      %dma_start3A_173 = arith.constant 0 : i32
      %dma_start3A_174 = tpu.memref_slice %arg4[%add3A_171, %dma_start3A_172, %dma_start3A_173] : memref<4096x200x64xf32, #tpu.memory_space<hbm>> -> memref<1x200x64xf32, #tpu.memory_space<hbm>>
      %dma_start3A_175 = tpu.memref_squeeze %dma_start3A_174 : memref<1x200x64xf32, #tpu.memory_space<hbm>> -> memref<200x64xf32, #tpu.memory_space<hbm>>
      %dma_start3A_176 = arith.constant 0 : i32
      %dma_start3A_177 = arith.constant 0 : i32
      %dma_start3A_178 = tpu.memref_slice %arg4[%add3A_171, %dma_start3A_176, %dma_start3A_177] : memref<4096x200x64xf32, #tpu.memory_space<hbm>> -> memref<1x200x64xf32, #tpu.memory_space<hbm>>
      %dma_start3A_179 = tpu.memref_squeeze %dma_start3A_178 : memref<1x200x64xf32, #tpu.memory_space<hbm>> -> memref<200x64xf32, #tpu.memory_space<hbm>>
      tpu.enqueue_dma source(%arg9 : memref<200x64xf32, #tpu.memory_space<vmem>>) target(%dma_start3A_179 : memref<200x64xf32, #tpu.memory_space<hbm>>) target_semaphore(%arg17 : memref<!tpu.dma_semaphore, #tpu.memory_space<semaphore_mem>>)
      %add3A_180 = arith.constant 4 : i32
      %add3A_181 = arith.addi %add3A_159, %add3A_180 : i32
      %lt3A_182 = arith.constant 128 : i32
      %lt3A_183 = arith.cmpi slt, %add3A_181, %lt3A_182 : i32
      %convert_element_type3A_184 = arith.extui %lt3A_183 : i1 to i32
      %cond3A_185 = arith.constant 0 : i32
      %cond3A_186 = arith.cmpi ne, %convert_element_type3A_184, %cond3A_185 : i32
      scf.if %cond3A_186 {
        %dma_wait3A_187 = arith.constant 0 : i32
        %dma_wait3A_188 = arith.constant 0 : i32
        %dma_wait3A_189 = tpu.memref_slice %arg4[%add3A_171, %dma_wait3A_187, %dma_wait3A_188] : memref<4096x200x64xf32, #tpu.memory_space<hbm>> -> memref<1x200x64xf32, #tpu.memory_space<hbm>>
        %dma_wait3A_190 = tpu.memref_squeeze %dma_wait3A_189 : memref<1x200x64xf32, #tpu.memory_space<hbm>> -> memref<200x64xf32, #tpu.memory_space<hbm>>
        %dma_wait3A_191 = arith.constant 0 : i32
        %dma_wait3A_192 = arith.constant 0 : i32
        %dma_wait3A_193 = tpu.memref_slice %arg4[%add3A_171, %dma_wait3A_191, %dma_wait3A_192] : memref<4096x200x64xf32, #tpu.memory_space<hbm>> -> memref<1x200x64xf32, #tpu.memory_space<hbm>>
        %dma_wait3A_194 = tpu.memref_squeeze %dma_wait3A_193 : memref<1x200x64xf32, #tpu.memory_space<hbm>> -> memref<200x64xf32, #tpu.memory_space<hbm>>
        tpu.wait_dma2 semaphore(%arg17 : memref<!tpu.dma_semaphore, #tpu.memory_space<semaphore_mem>>) src(%arg9 : memref<200x64xf32, #tpu.memory_space<vmem>>) dst(%dma_wait3A_194 : memref<200x64xf32, #tpu.memory_space<hbm>>)
        %add3A_195 = arith.constant 4 : i32
        %add3A_196 = arith.addi %add3A_159, %add3A_195 : i32
        %dma_start3A_197 = arith.constant 0 : i32
        %dma_start3A_198 = tpu.memref_slice %arg5[%add3A_196, %dma_start3A_197] : memref<128x200xi32, #tpu.memory_space<vmem>> -> memref<1x200xi32, #tpu.memory_space<vmem>>
        %dma_start3A_199 = tpu.memref_squeeze %dma_start3A_198 : memref<1x200xi32, #tpu.memory_space<vmem>> -> memref<200xi32, #tpu.memory_space<vmem>>
        %dma_start3A_200 = arith.constant 0 : i32
        %dma_start3A_201 = arith.constant 0 : i32
        %dma_start3A_202 = tpu.memref_slice %arg2[%dma_start3A_200, %dma_start3A_201] : memref<1000000x64xf32, #tpu.memory_space<hbm>> -> memref<1000000x64xf32, #tpu.memory_space<hbm>>
        tpu.enqueue_indirect_dma source(%dma_start3A_202 : memref<1000000x64xf32, #tpu.memory_space<hbm>>) target(%arg9 : memref<200x64xf32, #tpu.memory_space<vmem>>) offsets(%dma_start3A_199 : memref<200xi32, #tpu.memory_space<vmem>>) semaphore(%arg13 : memref<!tpu.dma_semaphore, #tpu.memory_space<semaphore_mem>>)
      } else {
      }
    }
    %scan3A_33 = arith.constant 32 : i32
    %dma_wait3A = arith.constant 0 : i32
    %dma_wait3A_34 = arith.constant 0 : i32
    %dma_wait3A_35 = arith.constant 0 : i32
    %dma_wait3A_36 = tpu.memref_slice %arg4[%dma_wait3A, %dma_wait3A_34, %dma_wait3A_35] : memref<4096x200x64xf32, #tpu.memory_space<hbm>> -> memref<1x200x64xf32, #tpu.memory_space<hbm>>
    %dma_wait3A_37 = tpu.memref_squeeze %dma_wait3A_36 : memref<1x200x64xf32, #tpu.memory_space<hbm>> -> memref<200x64xf32, #tpu.memory_space<hbm>>
    %dma_wait3A_38 = arith.constant 0 : i32
    %dma_wait3A_39 = arith.constant 0 : i32
    %dma_wait3A_40 = tpu.memref_slice %arg4[%dma_wait3A, %dma_wait3A_38, %dma_wait3A_39] : memref<4096x200x64xf32, #tpu.memory_space<hbm>> -> memref<1x200x64xf32, #tpu.memory_space<hbm>>
    %dma_wait3A_41 = tpu.memref_squeeze %dma_wait3A_40 : memref<1x200x64xf32, #tpu.memory_space<hbm>> -> memref<200x64xf32, #tpu.memory_space<hbm>>
    tpu.wait_dma2 semaphore(%arg14 : memref<!tpu.dma_semaphore, #tpu.memory_space<semaphore_mem>>) src(%arg6 : memref<200x64xf32, #tpu.memory_space<vmem>>) dst(%dma_wait3A_41 : memref<200x64xf32, #tpu.memory_space<hbm>>)
    %dma_wait3A_42 = arith.constant 0 : i32
    %dma_wait3A_43 = arith.constant 0 : i32
    %dma_wait3A_44 = arith.constant 0 : i32
    %dma_wait3A_45 = tpu.memref_slice %arg4[%dma_wait3A_42, %dma_wait3A_43, %dma_wait3A_44] : memref<4096x200x64xf32, #tpu.memory_space<hbm>> -> memref<1x200x64xf32, #tpu.memory_space<hbm>>
    %dma_wait3A_46 = tpu.memref_squeeze %dma_wait3A_45 : memref<1x200x64xf32, #tpu.memory_space<hbm>> -> memref<200x64xf32, #tpu.memory_space<hbm>>
    %dma_wait3A_47 = arith.constant 0 : i32
    %dma_wait3A_48 = arith.constant 0 : i32
    %dma_wait3A_49 = tpu.memref_slice %arg4[%dma_wait3A_42, %dma_wait3A_47, %dma_wait3A_48] : memref<4096x200x64xf32, #tpu.memory_space<hbm>> -> memref<1x200x64xf32, #tpu.memory_space<hbm>>
    %dma_wait3A_50 = tpu.memref_squeeze %dma_wait3A_49 : memref<1x200x64xf32, #tpu.memory_space<hbm>> -> memref<200x64xf32, #tpu.memory_space<hbm>>
    tpu.wait_dma2 semaphore(%arg15 : memref<!tpu.dma_semaphore, #tpu.memory_space<semaphore_mem>>) src(%arg7 : memref<200x64xf32, #tpu.memory_space<vmem>>) dst(%dma_wait3A_50 : memref<200x64xf32, #tpu.memory_space<hbm>>)
    %dma_wait3A_51 = arith.constant 0 : i32
    %dma_wait3A_52 = arith.constant 0 : i32
    %dma_wait3A_53 = arith.constant 0 : i32
    %dma_wait3A_54 = tpu.memref_slice %arg4[%dma_wait3A_51, %dma_wait3A_52, %dma_wait3A_53] : memref<4096x200x64xf32, #tpu.memory_space<hbm>> -> memref<1x200x64xf32, #tpu.memory_space<hbm>>
    %dma_wait3A_55 = tpu.memref_squeeze %dma_wait3A_54 : memref<1x200x64xf32, #tpu.memory_space<hbm>> -> memref<200x64xf32, #tpu.memory_space<hbm>>
    %dma_wait3A_56 = arith.constant 0 : i32
    %dma_wait3A_57 = arith.constant 0 : i32
    %dma_wait3A_58 = tpu.memref_slice %arg4[%dma_wait3A_51, %dma_wait3A_56, %dma_wait3A_57] : memref<4096x200x64xf32, #tpu.memory_space<hbm>> -> memref<1x200x64xf32, #tpu.memory_space<hbm>>
    %dma_wait3A_59 = tpu.memref_squeeze %dma_wait3A_58 : memref<1x200x64xf32, #tpu.memory_space<hbm>> -> memref<200x64xf32, #tpu.memory_space<hbm>>
    tpu.wait_dma2 semaphore(%arg16 : memref<!tpu.dma_semaphore, #tpu.memory_space<semaphore_mem>>) src(%arg8 : memref<200x64xf32, #tpu.memory_space<vmem>>) dst(%dma_wait3A_59 : memref<200x64xf32, #tpu.memory_space<hbm>>)
    %dma_wait3A_60 = arith.constant 0 : i32
    %dma_wait3A_61 = arith.constant 0 : i32
    %dma_wait3A_62 = arith.constant 0 : i32
    %dma_wait3A_63 = tpu.memref_slice %arg4[%dma_wait3A_60, %dma_wait3A_61, %dma_wait3A_62] : memref<4096x200x64xf32, #tpu.memory_space<hbm>> -> memref<1x200x64xf32, #tpu.memory_space<hbm>>
    %dma_wait3A_64 = tpu.memref_squeeze %dma_wait3A_63 : memref<1x200x64xf32, #tpu.memory_space<hbm>> -> memref<200x64xf32, #tpu.memory_space<hbm>>
    %dma_wait3A_65 = arith.constant 0 : i32
    %dma_wait3A_66 = arith.constant 0 : i32
    %dma_wait3A_67 = tpu.memref_slice %arg4[%dma_wait3A_60, %dma_wait3A_65, %dma_wait3A_66] : memref<4096x200x64xf32, #tpu.memory_space<hbm>> -> memref<1x200x64xf32, #tpu.memory_space<hbm>>
    %dma_wait3A_68 = tpu.memref_squeeze %dma_wait3A_67 : memref<1x200x64xf32, #tpu.memory_space<hbm>> -> memref<200x64xf32, #tpu.memory_space<hbm>>
    tpu.wait_dma2 semaphore(%arg17 : memref<!tpu.dma_semaphore, #tpu.memory_space<semaphore_mem>>) src(%arg9 : memref<200x64xf32, #tpu.memory_space<vmem>>) dst(%dma_wait3A_68 : memref<200x64xf32, #tpu.memory_space<hbm>>)
    return
  }
}

</mosaic_0001>

<sc_bundles>
// kernel: kernel.3.cloned.1.call-start
scs
__scs_entry_jumppad:
0x0: {  	(pc) =	sbr.rel $0x88, $3  }
0x1: {  	(tag) =	ssettag $0x0;
	lr =	simm.s32 $0x1  }
0x2: {  	[smem:$0x3F9F] =	sst lr;
	_ =	strace $0xD0000000  }
0x3: {  	_ = 	snop  }
0x4: {  	_ = 	snop  }
0x5: {  	_ = 	snop  }
0x6: {  	_ = 	snop  }
0x7: {  	_ = 	snop  }
__scs_overlays_trampoline_lowered:
0x8: {  	[smem:$0x3FAE] =	sst s0  }
0x9: {  	[smem:$0x3FAF] =	sst s1  }
0xa: {  	[smem:$0x3FB0] =	sst s2  }
0xb: {  	[smem:$0x3FB1] =	sst s3  }
0xc: {  	[smem:$0x3FB2] =	sst s4  }
0xd: {  	[smem:$0x3FB3] =	sst s5  }
0xe: {  	[smem:$0x3FB4] =	sst s6  }
0xf: {  	[smem:$0x3FB5] =	sst s7  }
0x10: {  	[smem:$0x3FB6] =	sst s8  }
0x11: {  	[smem:$0x3FB7] =	sst s9;
	s0 =	simm.s32 @!p0 $0x0  }
0x12: {  	s1 =	sld [smem:$0x3F9D];
	s0 =	simm.s32 @p0 $0x1  }
0x13: {  	[smem:$0x3FB8] =	sst s0;
	s0 =	simm.s32 @!p1 $0x0  }
0x14: {  	s2 =	sld [smem:$0x3F9C];
	s0 =	simm.s32 @p1 $0x1  }
0x15: {  	[smem:$0x3FB9] =	sst s0;
	s0 =	simm.s32 @!p2 $0x0  }
0x16: {  	s3 =	sld [smem:$0x3FDB];
	s0 =	simm.s32 @p2 $0x1  }
0x17: {  	s4 =	simm.s32 $0x1BF5;
	[smem:$0x3FBB] =	sst s0  }
0x18: {  	s0 =	sld [smem:$0x3F9E];
	_ =	swait.ge [sflag:s4], $0x0  }
0x19: {  	s7 =	sld [smem:$0x3F9F]  }
0x1a: {  	s8 =	sadd.s32 $0xFFFFE003, lr  }
0x1b: {  	s9 =	sadd.s32 $0xFFFFFEF7, lr;
	s5 =	simm.s32 $0xFFFFFFFF;
	p2 =	slt.u32 s8, $0xFFFFF086  }
0x1c: {  	p1 =	slt.u32 s9, $0xF7A;
	s5 =	simm.s32 @!p2 $0x0  }
0x1d: {  	s5 =	simm.s32 @p1 $0x1;
	p0 =	seq.s32 s7, s2  }
0x1e: {  	s7 =	smul.u32 @!p0 $0xF7A, s2;
	p2 =	seq.s32 @!p0 s5, $0x0  }
0x1f: {  	s9 =	smul.u32 $0xF7A, s1;
	s8 =	simm.s32 @!p0 $0x1BF5;
	p2 =	por !p2, p0  }
0x20: {  	[sflag:s8] =	ssyncset.s32 @!p0 $0xFFFFF086;
	s6 =	sadd.s32 @!p0 s3, s7;
	s7 =	simm.s32 @!p0 $0x108  }
0x21: {  	s3 =	sadd.s32 s3, s9;
	s6 =	sadd.s32 @!p0 $0x88, s6;
	s7 =	simm.s32 @p2 $0x1082  }
0x22: {  	[simem:s7], [sflag:s8] =	dma.local @!p0 [hbm:s6], $0xF7A  }
0x23: {  	s9 =	sor.u32 $0xD0000000, s2;
	s6 =	simm.s32 $0x108;
	_ =	swait.ge @!p0 [sflag:s8], $0x0  }
0x24: {  	s3 =	sadd.s32 $0x88, s3;
	s6 =	simm.s32 @!p1 $0x1082;
	[sflag:s4] =	ssyncset.s32 $0xFFFFF086  }
0x25: {  	[simem:s6], [sflag:s4] =	dma.local [hbm:s3], $0xF7A  }
0x26: {  	[smem:$0x3F9F] =	sst s1;
	(tag) =	ssettag s2;
	_ =	strace s9  }
0x27: {  	s1 =	sld [smem:$0x3FAF]  }
0x28: {  	s2 =	sld [smem:$0x3FB0]  }
0x29: {  	s4 =	sld [smem:$0x3FB2]  }
0x2a: {  	p0 =	seq.s32 s5, $0x0;
	s5 =	sld [smem:$0x3FB3]  }
0x2b: {  	s6 =	sld [smem:$0x3FB4]  }
0x2c: {  	s7 =	sld [smem:$0x3FB5]  }
0x2d: {  	s3 =	simm.s32 $0x108;
	s8 =	sld [smem:$0x3FB6]  }
0x2e: {  	s3 =	simm.s32 @!p0 $0x1082;
	s9 =	sld [smem:$0x3FB7]  }
0x2f: {  	lr =	sadd.s32 s0, s3;
	s0 =	sld [smem:$0x3FAE]  }
0x30: {  	s3 =	sld [smem:$0x3FB1]  }
0x31: {  	[smem:$0x3FBA] =	sst s10  }
0x32: {  	s10 =	sld [smem:$0x3FB8];
	_ =	sdelay $0x3  }
0x33: {  	p0 =	seq.s32 s10, $0x1;
	s10 =	sld [smem:$0x3FBA];
	_ =	sdelay $0x3  }
0x34: {  	[smem:$0x3FBA] =	sst s10  }
0x35: {  	s10 =	sld [smem:$0x3FB9];
	_ =	sdelay $0x3  }
0x36: {  	p1 =	seq.s32 s10, $0x1;
	s10 =	sld [smem:$0x3FBA];
	_ =	sdelay $0x3  }
0x37: {  	[smem:$0x3FBA] =	sst s10  }
0x38: {  	s10 =	sld [smem:$0x3FBB]  }
0x39: {  	_ = 	snop;
	(pc) =	sbr.ind lr, $3  }
0x3a: {  	_ = 	snop  }
0x3b: {  	_ = 	snop  }
0x3c: {  	p2 =	seq.s32 s10, $0x1;
	s10 =	sld [smem:$0x3FBA]  }
0x3d: {  	_ =	shalt  }
0x3e: {  	_ =	shalt  }
0x3f: {  	_ =	shalt  }
0x40: {  	_ =	shalt  }
0x41: {  	_ =	shalt  }
0x42: {  	_ =	shalt  }
0x43: {  	_ =	shalt  }
0x44: {  	_ =	shalt  }
0x45: {  	_ =	shalt  }
0x46: {  	_ =	shalt  }
0x47: {  	_ =	shalt  }
0x48: {  	_ =	shalt  }
0x49: {  	_ =	shalt  }
0x4a: {  	_ =	shalt  }
0x4b: {  	_ =	shalt  }
0x4c: {  	_ =	shalt  }
0x4d: {  	_ =	shalt  }
0x4e: {  	_ =	shalt  }
0x4f: {  	_ =	shalt  }
0x50: {  	_ =	shalt  }
0x51: {  	_ =	shalt  }
0x52: {  	_ =	shalt  }
0x53: {  	_ =	shalt  }
0x54: {  	_ =	shalt  }
0x55: {  	_ =	shalt  }
0x56: {  	_ =	shalt  }
0x57: {  	_ =	shalt  }
0x58: {  	_ =	shalt  }
0x59: {  	_ =	shalt  }
0x5a: {  	_ =	shalt  }
0x5b: {  	_ =	shalt  }
0x5c: {  	_ =	shalt  }
0x5d: {  	_ =	shalt  }
0x5e: {  	_ =	shalt  }
0x5f: {  	_ =	shalt  }
0x60: {  	_ =	shalt  }
0x61: {  	_ =	shalt  }
0x62: {  	_ =	shalt  }
0x63: {  	_ =	shalt  }
0x64: {  	_ =	shalt  }
0x65: {  	_ =	shalt  }
0x66: {  	_ =	shalt  }
0x67: {  	_ =	shalt  }
0x68: {  	_ =	shalt  }
0x69: {  	_ =	shalt  }
0x6a: {  	_ =	shalt  }
0x6b: {  	_ =	shalt  }
0x6c: {  	_ =	shalt  }
0x6d: {  	_ =	shalt  }
0x6e: {  	_ =	shalt  }
0x6f: {  	_ =	shalt  }
0x70: {  	_ =	shalt  }
0x71: {  	_ =	shalt  }
0x72: {  	_ =	shalt  }
0x73: {  	_ =	shalt  }
0x74: {  	_ =	shalt  }
0x75: {  	_ =	shalt  }
0x76: {  	_ =	shalt  }
0x77: {  	_ =	shalt  }
0x78: {  	_ =	shalt  }
0x79: {  	_ =	shalt  }
0x7a: {  	_ =	shalt  }
0x7b: {  	_ =	shalt  }
0x7c: {  	_ =	shalt  }
0x7d: {  	_ =	shalt  }
0x7e: {  	_ =	shalt  }
0x7f: {  	_ =	shalt  }
0x80: {  	_ =	shalt  }
0x81: {  	_ =	shalt  }
0x82: {  	_ =	shalt  }
0x83: {  	_ =	shalt  }
0x84: {  	_ =	shalt  }
0x85: {  	_ =	shalt  }
0x86: {  	_ =	shalt  }
0x87: {  	_ =	shalt  }
.Lfunc_end0:
.L_simem_size_0:
called_computation.1_lowered:
.L_overlay_start_0:
0x88: {  	s2 =	sld [smem:$0x3FD9]  }
0x89: {  	s3 =	sld [smem:$0x3FFE];
	_ =	sdelay $0x1  }
0x8a: {  	s1 =	srdreg.scid  }
0x8b: {  	s0 =	sand.u32 $0x1, s1  }
0x8c: {  	s17 =	sshll.u32 s0, $0xA;
	s2 =	sadd.s32 s3, s2  }
0x8d: {  	s2 =	sadd.s32 s2, s17  }
0x8e: {  	[smem:$0x3FC6] =	sst s2  }
0x8f: {  	_ = 	snop  }
0x90: {  	s2 =	sld [smem:$0x3FD0];
	(tm) =	ssettm $0x1  }
0x91: {  	s18 =	sld [smem:$0x3FFB];
	_ =	sdelay $0x3  }
0x92: {  	_ =	strace s18  }
0x93: {  	s3 =	sld [smem:$0x3FFC];
	_ =	sdelay $0x3  }
0x94: {  	_ =	strace s3  }
0x95: {  	s3 =	sld [smem:$0x3FFD];
	_ =	sdelay $0x3  }
0x96: {  	_ =	strace s3  }
0x97: {  	_ =	strace $0x8FFFFFFF  }
0x98: {  	s19 =	sld [smem:$0x3FDB];
	_ =	sdelay $0x1  }
0x99: {  	s4 =	simm.s32 $_scs_section_size  }
0x9a: {  	s5 =	simm.s32 $_size__tile_overlayer_lowered;
	s6 =	simm.s32 $_tile_overlayer_lowered  }
0x9b: {  	s22 =	simm.s32 $0x1BFF;
	s21 =	sshll.u32 s6, $0x1;
	s3 =	sadd.s32 s4, s19  }
0x9c: {  	s7 =	simm.s32 $0x0;
	s20 =	sshll.u32 s5, $0x1;
	s5 =	sadd.s32 s21, s3  }
0x9d: {  	[timem:s7], [sflag:s22] =	dma.local [hbm:s5], s20  }
0x9e: {  	_ =	swait.ge [sflag:s22], s20  }
0x9f: {  	s4 =	ssub.s32 $0x0, s20;
	[sflag:s22] =	ssyncset.done $0x0  }
0xa0: {  	[sflag:s22] =	ssyncadd.s32 s4;
	_ =	sdelay $0x1  }
0xa1: {  	s23 =	simm.s32 $0x1B8B  }
0xa2: {  	_ =	swait.ge [sflag:s23], $0x1  }
0xa3: {  	[sflag:s23] =	ssyncset.done $0x0  }
0xa4: {  	s25 =	simm.s32 $0x1B8E;
	s24 =	sld [smem:$0x3FFE];
	[sflag:s23] =	ssyncadd.s32 $0xFFFFFFFF  }
0xa5: {  	s26 =	simm.s32 $execute0_lowered;
	[smem:$0x3FD2] =	sst s25  }
0xa6: {  	s5 =	sshll.u32 s26, $0x1;
	_ =	strace $0x80000046;
	[dreg:$0x1] =	wrdreg $0xFFFFFFFF  }
0xa7: {  	s28 =	simm.s32 $_size_execute0_lowered;
	s3 =	sadd.s32 s3, s5;
	[dreg:$0x0] =	wrdreg $0x0  }
0xa8: {  	s5 =	sshll.u32 s28, $0x1;
	[dreg:$0x2] =	wrdreg s3  }
0xa9: {  	[dreg:$0x3] =	wrdreg s5  }
0xaa: {  	[dreg:$0x4] =	wrdreg $0xC0  }
0xab: {  	_ =	task [dreg:s7], $0x5FFFF  }
0xac: {  	[dreg:$0x1] =	wrdreg $0xFFFFFFFF  }
0xad: {  	[dreg:$0x0] =	wrdreg $0x60  }
0xae: {  	[dreg:$0x2] =	wrdreg s24  }
0xaf: {  	[dreg:$0x3] =	wrdreg s2  }
0xb0: {  	[dreg:$0x4] =	wrdreg $0x9  }
0xb1: {  	_ =	task.clear_ibuf [dreg:s7], $0x5FFFF;
	_ =	strace $0x90000046  }
0xb2: {  	s29 =	simm.s32 $0x9;
	_ =	strace $0x80000048  }
0xb3: {  	_ =	swait.ge [sflag:s29], $0x1  }
0xb4: {  	[sflag:s29] =	ssyncadd.s32 $0xFFFFFFFF  }
0xb5: {  	_ =	strace $0x90000048  }
0xb6: {  	_ =	sfence  }
0xb7: {  	s30 =	sld [smem:$0x0];
	_ =	sdelay $0x2  }
0xb8: {  	s31 =	sshll.u32 s1, $0xD;
	s1 =	sshrl.u32 s1, $0x2  }
0xb9: {  	s3 =	sand.u32 $0x4000, s31;
	s1 =	sadd.s32 s1, s30  }
0xba: {  	s0 =	sor.u32 s3, s0;
	s1 =	sshll.u32 s1, $0x11  }
0xbb: {  	s0 =	sor.u32 s1, s0  }
0xbc: {  	s0 =	sadd.s32 $0x8F2B, s0  }
0xbd: {  	[sflag:s0] =	ssyncadd.remote.s32 $0x1  }
0xbe: {  	_ =	sfence.sel $0xFFFF  }
0xbf: {  	[dreg:$0x0] =	wrdreg $0xFFFFFFFF;
	(pc) =	sbr.abs _section_cstart, $3  }
0xc0: {  	[dreg:$0x1] =	wrdreg $0xFFFFFFFF  }
0xc1: {  	_ =	task.clear_ibuf [dreg:s7], $0x2FFFF;
	_ =	strace $0x9FFFFFFF  }
0xc2: {  	(tm) =	ssettm $0x7FFFFFFF  }
0xc3: {  	_ =	shalt  }
tec
execute0_lowered:
.L_overlay_start_1:
0x0: {  	(tag) =	ssettag $0x1  }
0x1: {  	s1 =	srdreg.scid;
	s6 =	rddreg [dreg:$0x0]  }
0x2: {  	s0 =	stileid.u32;
	s2 =	rddreg [dreg:$0x1];
	s4 =	simm.s32 $0x0  }
0x3: {  	s10 =	simm.s32 $0x6400;
	s11 =	simm.s32 $0x9600;
	s12 =	simm.s32 $0x190  }
0x4: {  	s13 =	simm.s32 $0xC800;
	s14 =	simm.s32 $0x258;
	s15 =	simm.s32 $0xFA00  }
0x5: {  	s16 =	simm.s32 $0x1;
	s17 =	simm.s32 $0x2;
	s18 =	simm.s32 $0x3  }
0x6: {  	s19 =	simm.s32 $0x4;
	s20 =	simm.s32 $0x5;
	s21 =	simm.s32 $0x6  }
0x7: {  	s22 =	simm.s32 $0x7;
	s23 =	simm.s32 $0x8;
	s5 =	sand.u32 $0x1, s1  }
0x8: {  	s24 =	simm.s32 $0x0;
	s31 =	sshll.u32 s0, $0x8;
	s3 =	sshll.u32 s5, $0x7  }
.Ltmp0:
0x9: {  	s1 =	rddreg [dreg:$0x2];
	s3 =	sor.u32 s3, s31;
	(pc) =	sbr.rel .LBB2_1-.Ltmp0, $4  }
0xa: {  	[smem:$0x7FF] =	sst s4;
	s8 =	ssub.s32 $0x2, s5;
	s7 =	smul.u32 $0x19, s3  }
0xb: {  	_ =	strace $0x80000047;
	s5 =	sadd.s32 $0xF42E00, s6;
	s9 =	sshrl.u32 s8, $0x1  }
0xc: {  	s8 =	ssub.s32 s8, s9;
	s9 =	simm.s32 $0xC8;
	s7 =	sadd.s32 s7, s6  }
0xd: {  	s6 =	sadd.s32 $0xA00, s7;
	s7 =	smax.u32 s8, $0x1;
	s8 =	simm.s32 $0x9  }
.LBB2_12:
0xe: {  	_ =	swait.ge [sflag:s20], $0x3200  }
0xf: {  	[sflag:s20] =	ssyncset.done $0x0  }
0x10: {  	[sflag:s20] =	ssyncadd.s32 $0xFFFFCE00  }
0x11: {  	_ =	swait.ge [sflag:s21], $0x3200  }
0x12: {  	[sflag:s21] =	ssyncset.done $0x0  }
0x13: {  	s24 =	sadd.s32 $0x1, s24;
	[sflag:s21] =	ssyncadd.s32 $0xFFFFCE00  }
0x14: {  	p0 =	sne.s32 s24, s7;
	_ =	swait.ge [sflag:s22], $0x3200  }
.Ltmp1:
0x15: {  	[sflag:s22] =	ssyncset.done $0x0;
	(pc) =	sbr.rel @!p0 .LBB2_13-.Ltmp1, $4  }
0x16: {  	[sflag:s22] =	ssyncadd.s32 $0xFFFFCE00  }
0x17: {  	_ =	swait.ge [sflag:s23], $0x3200  }
0x18: {  	[sflag:s23] =	ssyncset.done $0x0  }
0x19: {  	[sflag:s23] =	ssyncadd.s32 $0xFFFFCE00  }
.LBB2_1:
0x1a: {  	[tilespmem:s4], [sflag:$0x9] =	stream.linear.gather [hbm4b:s6+s4], $0x6400, $0x38;
	[tilespmem:$0x12C00] =	vst v63  }
0x1b: {  	_ =	swait.ge [sflag:s8], $0x6400  }
0x1c: {  	[sflag:s8] =	ssyncset.done $0x0  }
0x1d: {  	[sflag:s8] =	ssyncadd.s32 $0xFFFF9C00  }
0x1e: {  	[tilespmem:s10], [sflag:$0x1] =	stream.indirect.gather [hbm4b:s5+s9], $0x40, s4, s9, $0xb8;
	[tilespmem:$0x12C00] =	vst v63  }
0x1f: {  	_ = 	snop  }
0x20: {  	[tilespmem:s11], [sflag:$0x2] =	stream.indirect.gather [hbm4b:s5+s9], $0x40, s9, s9, $0xb8;
	[tilespmem:$0x12C00] =	vst v63  }
0x21: {  	_ = 	snop  }
0x22: {  	[tilespmem:s13], [sflag:$0x3] =	stream.indirect.gather [hbm4b:s5+s9], $0x40, s12, s9, $0xb8;
	[tilespmem:$0x12C00] =	vst v63  }
0x23: {  	s25 =	simm.s32 $0x0  }
0x24: {  	[tilespmem:s15], [sflag:$0x4] =	stream.indirect.gather [hbm4b:s5+s9], $0x40, s14, s9, $0xb8;
	[tilespmem:$0x12C00] =	vst v63  }
.LBB2_2:
0x25: {  	_ =	swait.ge [sflag:s16], $0x3200  }
0x26: {  	[sflag:s16] =	ssyncset.done $0x0  }
0x27: {  	s26 =	simm.s32 $0x6500;
	[sflag:s16] =	ssyncadd.s32 $0xFFFFCE00  }
0x28: {  	v0 =	vld [tilespmem:s26+$0xFFFFFF00]  }
0x29: {  	v1 =	vld [tilespmem:s26+$0xFFFFFF10]  }
0x2a: {  	v2 =	vld [tilespmem:s26+$0xFFFFFF20]  }
0x2b: {  	v3 =	vld [tilespmem:s26+$0xFFFFFF30]  }
0x2c: {  	v4 =	vld [tilespmem:s26+$0xFFFFFF40]  }
0x2d: {  	v5 =	vld [tilespmem:s26+$0xFFFFFF50];
	v0 =	vmul.f32 $8.000000000e+00, v0  }
0x2e: {  	v6 =	vld [tilespmem:s26+$0xFFFFFF60];
	v1 =	vmul.f32 $8.000000000e+00, v1  }
0x2f: {  	[tilespmem:s26+$0xFFFFFF00] =	vst v0;
	v0 =	vmul.f32 $8.000000000e+00, v2;
	v2 =	vld [tilespmem:s26+$0xFFFFFF70]  }
0x30: {  	[tilespmem:s26+$0xFFFFFF10] =	vst v1;
	v1 =	vmul.f32 $8.000000000e+00, v3;
	v3 =	vld [tilespmem:s26+$0xFFFFFF80]  }
0x31: {  	[tilespmem:s26+$0xFFFFFF20] =	vst v0;
	v0 =	vmul.f32 $8.000000000e+00, v4;
	v4 =	vld [tilespmem:s26+$0xFFFFFF90]  }
0x32: {  	[tilespmem:s26+$0xFFFFFF30] =	vst v1;
	v1 =	vmul.f32 $8.000000000e+00, v5;
	v5 =	vld [tilespmem:s26+$0xFFFFFFA0]  }
0x33: {  	[tilespmem:s26+$0xFFFFFF40] =	vst v0;
	v0 =	vmul.f32 $8.000000000e+00, v6;
	v6 =	vld [tilespmem:s26+$0xFFFFFFB0]  }
0x34: {  	[tilespmem:s26+$0xFFFFFF50] =	vst v1;
	v1 =	vmul.f32 $8.000000000e+00, v2;
	v2 =	vld [tilespmem:s26+$0xFFFFFFC0]  }
0x35: {  	[tilespmem:s26+$0xFFFFFF60] =	vst v0;
	v0 =	vmul.f32 $8.000000000e+00, v3;
	v3 =	vld [tilespmem:s26+$0xFFFFFFD0]  }
0x36: {  	[tilespmem:s26+$0xFFFFFF70] =	vst v1;
	v1 =	vmul.f32 $8.000000000e+00, v4;
	v4 =	vld [tilespmem:s26+$0xFFFFFFE0]  }
0x37: {  	[tilespmem:s26+$0xFFFFFF80] =	vst v0;
	v0 =	vmul.f32 $8.000000000e+00, v5;
	v5 =	vld [tilespmem:s26+$0x0]  }
0x38: {  	[tilespmem:s26+$0xFFFFFF90] =	vst v1;
	v1 =	vmul.f32 $8.000000000e+00, v6;
	v6 =	vld [tilespmem:s26+$0x10]  }
0x39: {  	[tilespmem:s26+$0xFFFFFFA0] =	vst v0;
	v0 =	vmul.f32 $8.000000000e+00, v2;
	v2 =	vld [tilespmem:s26+$0x20]  }
0x3a: {  	[tilespmem:s26+$0xFFFFFFB0] =	vst v1;
	v1 =	vmul.f32 $8.000000000e+00, v3;
	v3 =	vld [tilespmem:s26+$0x30]  }
0x3b: {  	[tilespmem:s26+$0xFFFFFFC0] =	vst v0;
	v0 =	vmul.f32 $8.000000000e+00, v4;
	v4 =	vld [tilespmem:s26+$0x40]  }
0x3c: {  	[tilespmem:s26+$0xFFFFFFD0] =	vst v1;
	v1 =	vmul.f32 $8.000000000e+00, v5;
	v5 =	vld [tilespmem:s26+$0x50]  }
0x3d: {  	[tilespmem:s26+$0xFFFFFFE0] =	vst v0;
	v0 =	vmul.f32 $8.000000000e+00, v6;
	v6 =	vld [tilespmem:s26+$0x60]  }
0x3e: {  	[tilespmem:s26+$0x0] =	vst v1;
	v1 =	vmul.f32 $8.000000000e+00, v2;
	v2 =	vld [tilespmem:s26+$0x70]  }
0x3f: {  	[tilespmem:s26+$0x10] =	vst v0;
	v0 =	vmul.f32 $8.000000000e+00, v3;
	v3 =	vld [tilespmem:s26+$0x80]  }
0x40: {  	[tilespmem:s26+$0x20] =	vst v1;
	v1 =	vmul.f32 $8.000000000e+00, v4;
	v4 =	vld [tilespmem:s26+$0x90]  }
0x41: {  	[tilespmem:s26+$0x30] =	vst v0;
	v0 =	vmul.f32 $8.000000000e+00, v5;
	v5 =	vld [tilespmem:s26+$0xA0]  }
0x42: {  	[tilespmem:s26+$0x40] =	vst v1;
	v1 =	vmul.f32 $8.000000000e+00, v6;
	v6 =	vld [tilespmem:s26+$0xB0]  }
0x43: {  	[tilespmem:s26+$0x50] =	vst v0;
	v2 =	vmul.f32 $8.000000000e+00, v2;
	v0 =	vld [tilespmem:s26+$0xC0]  }
0x44: {  	[tilespmem:s26+$0x60] =	vst v1;
	v7 =	vmul.f32 $8.000000000e+00, v3;
	v1 =	vld [tilespmem:s26+$0xD0]  }
0x45: {  	v3 =	vld [tilespmem:s26+$0xE0];
	[tilespmem:s26+$0x70] =	vst v2;
	v8 =	vmul.f32 $8.000000000e+00, v4  }
0x46: {  	v2 =	vld [tilespmem:s26+$0xF0];
	[tilespmem:s26+$0x80] =	vst v7;
	v5 =	vmul.f32 $8.000000000e+00, v5  }
0x47: {  	s28 =	simm.s32 $0x0;
	s29 =	simm.s32 $0x6700;
	v4 =	vld [tilespmem:s26+$0xFFFFFFF0];
	[tilespmem:s26+$0x90] =	vst v8;
	v6 =	vmul.f32 $8.000000000e+00, v6  }
.LBB2_3:
0x48: {  	v7 =	vld [tilespmem:s29+$0xFFFFFF00];
	[tilespmem:s26+$0xA0] =	vst v5;
	v0 =	vmul.f32 $8.000000000e+00, v0  }
0x49: {  	v5 =	vld [tilespmem:s29+$0xFFFFFF10];
	[tilespmem:s26+$0xB0] =	vst v6;
	v1 =	vmul.f32 $8.000000000e+00, v1  }
0x4a: {  	v6 =	vld [tilespmem:s29+$0xFFFFFF20];
	[tilespmem:s26+$0xC0] =	vst v0;
	v0 =	vmul.f32 $8.000000000e+00, v3  }
0x4b: {  	v3 =	vld [tilespmem:s29+$0xFFFFFF30];
	[tilespmem:s26+$0xD0] =	vst v1;
	v1 =	vmul.f32 $8.000000000e+00, v2  }
0x4c: {  	v2 =	vld [tilespmem:s29+$0xFFFFFF40];
	v4 =	vmul.f32 $8.000000000e+00, v4;
	[tilespmem:s26+$0xE0] =	vst v0  }
0x4d: {  	v0 =	vmul.f32 $8.000000000e+00, v7;
	v7 =	vld [tilespmem:s29+$0xFFFFFF50];
	[tilespmem:s26+$0xF0] =	vst v1  }
0x4e: {  	v1 =	vmul.f32 $8.000000000e+00, v5;
	v5 =	vld [tilespmem:s29+$0xFFFFFF60];
	[tilespmem:s26+$0xFFFFFFF0] =	vst v4;
	s26 =	smov.u32 s29  }
0x4f: {  	[tilespmem:s29+$0xFFFFFF00] =	vst v0;
	v0 =	vmul.f32 $8.000000000e+00, v6;
	v4 =	vld [tilespmem:s29+$0xFFFFFF70]  }
0x50: {  	[tilespmem:s29+$0xFFFFFF10] =	vst v1;
	v1 =	vmul.f32 $8.000000000e+00, v3;
	v3 =	vld [tilespmem:s29+$0xFFFFFF80]  }
0x51: {  	[tilespmem:s29+$0xFFFFFF20] =	vst v0;
	v0 =	vmul.f32 $8.000000000e+00, v2;
	v2 =	vld [tilespmem:s29+$0xFFFFFF90]  }
0x52: {  	[tilespmem:s29+$0xFFFFFF30] =	vst v1;
	v1 =	vmul.f32 $8.000000000e+00, v7;
	v6 =	vld [tilespmem:s29+$0xFFFFFFA0]  }
0x53: {  	[tilespmem:s29+$0xFFFFFF40] =	vst v0;
	v0 =	vmul.f32 $8.000000000e+00, v5;
	v5 =	vld [tilespmem:s29+$0xFFFFFFB0]  }
0x54: {  	[tilespmem:s29+$0xFFFFFF50] =	vst v1;
	v1 =	vmul.f32 $8.000000000e+00, v4;
	v4 =	vld [tilespmem:s29+$0xFFFFFFC0]  }
0x55: {  	[tilespmem:s29+$0xFFFFFF60] =	vst v0;
	v0 =	vmul.f32 $8.000000000e+00, v3;
	v3 =	vld [tilespmem:s29+$0xFFFFFFD0]  }
0x56: {  	[tilespmem:s29+$0xFFFFFF70] =	vst v1;
	v1 =	vmul.f32 $8.000000000e+00, v2;
	v2 =	vld [tilespmem:s29+$0xFFFFFFE0]  }
0x57: {  	[tilespmem:s29+$0xFFFFFF80] =	vst v0;
	v0 =	vmul.f32 $8.000000000e+00, v6;
	v6 =	vld [tilespmem:s29+$0x0]  }
0x58: {  	[tilespmem:s29+$0xFFFFFF90] =	vst v1;
	v1 =	vmul.f32 $8.000000000e+00, v5;
	v5 =	vld [tilespmem:s29+$0x10]  }
0x59: {  	[tilespmem:s29+$0xFFFFFFA0] =	vst v0;
	v0 =	vmul.f32 $8.000000000e+00, v4;
	v4 =	vld [tilespmem:s29+$0x20]  }
0x5a: {  	[tilespmem:s29+$0xFFFFFFB0] =	vst v1;
	v1 =	vmul.f32 $8.000000000e+00, v3;
	v3 =	vld [tilespmem:s29+$0x30]  }
0x5b: {  	[tilespmem:s29+$0xFFFFFFC0] =	vst v0;
	v0 =	vmul.f32 $8.000000000e+00, v2;
	v2 =	vld [tilespmem:s29+$0x40]  }
0x5c: {  	[tilespmem:s29+$0xFFFFFFD0] =	vst v1;
	v1 =	vmul.f32 $8.000000000e+00, v6;
	v6 =	vld [tilespmem:s29+$0x50]  }
0x5d: {  	[tilespmem:s29+$0xFFFFFFE0] =	vst v0;
	v0 =	vmul.f32 $8.000000000e+00, v5;
	v5 =	vld [tilespmem:s29+$0x60]  }
0x5e: {  	[tilespmem:s29+$0x0] =	vst v1;
	v1 =	vmul.f32 $8.000000000e+00, v4;
	v4 =	vld [tilespmem:s29+$0x70]  }
0x5f: {  	[tilespmem:s29+$0x10] =	vst v0;
	v0 =	vmul.f32 $8.000000000e+00, v3;
	v3 =	vld [tilespmem:s29+$0x80]  }
0x60: {  	[tilespmem:s29+$0x20] =	vst v1;
	v1 =	vmul.f32 $8.000000000e+00, v2;
	v2 =	vld [tilespmem:s29+$0x90]  }
0x61: {  	s28 =	sadd.s32 $0x8, s28;
	[tilespmem:s29+$0x30] =	vst v0;
	v0 =	vmul.f32 $8.000000000e+00, v6;
	v6 =	vld [tilespmem:s29+$0xA0]  }
0x62: {  	p0 =	slt.u32 s28, $0xC0;
	[tilespmem:s29+$0x40] =	vst v1;
	v1 =	vmul.f32 $8.000000000e+00, v5;
	v7 =	vld [tilespmem:s29+$0xB0]  }
.Ltmp2:
0x63: {  	[tilespmem:s29+$0x50] =	vst v0;
	v4 =	vmul.f32 $8.000000000e+00, v4;
	v0 =	vld [tilespmem:s29+$0xC0];
	(pc) =	sbr.rel @p0 .LBB2_3-.Ltmp2, $4  }
0x64: {  	[tilespmem:s29+$0x60] =	vst v1;
	v5 =	vmul.f32 $8.000000000e+00, v3;
	v1 =	vld [tilespmem:s29+$0xD0]  }
0x65: {  	[tilespmem:s29+$0x70] =	vst v4;
	v8 =	vmul.f32 $8.000000000e+00, v2;
	v3 =	vld [tilespmem:s29+$0xE0]  }
0x66: {  	[tilespmem:s29+$0x80] =	vst v5;
	v5 =	vmul.f32 $8.000000000e+00, v6;
	v2 =	vld [tilespmem:s29+$0xF0]  }
0x67: {  	s29 =	sadd.s32 $0x200, s29;
	v4 =	vld [tilespmem:s26+$0xFFFFFFF0];
	[tilespmem:s26+$0x90] =	vst v8;
	v6 =	vmul.f32 $8.000000000e+00, v7  }
0x68: {  	[tilespmem:s26+$0xA0] =	vst v5;
	v0 =	vmul.f32 $8.000000000e+00, v0  }
0x69: {  	[tilespmem:s26+$0xB0] =	vst v6;
	v1 =	vmul.f32 $8.000000000e+00, v1  }
0x6a: {  	s28 =	sshll.u32 s25, $0x2;
	[tilespmem:s26+$0xC0] =	vst v0;
	v0 =	vmul.f32 $8.000000000e+00, v3  }
0x6b: {  	s29 =	sadd.s32 s3, s28;
	[tilespmem:s26+$0xD0] =	vst v1;
	v1 =	vmul.f32 $8.000000000e+00, v2  }
0x6c: {  	s29 =	smul.u32 $0x640, s29;
	v2 =	vmul.f32 $8.000000000e+00, v4;
	[tilespmem:s26+$0xE0] =	vst v0  }
0x6d: {  	[tilespmem:s26+$0xF0] =	vst v1  }
0x6e: {  	p0 =	seq.s32 s25, $0x1F;
	[tilespmem:s26+$0xFFFFFFF0] =	vst v2;
	s26 =	sadd.s32 s2, s29  }
0x6f: {  	[hbm4b:s26+s4] =	stream.linear.scatter [tilespmem:s10], [sflag:$0x5], $0x3200, $0x38;
	[tilespmem:$0x12C00] =	vst v63  }
0x70: {  	s26 =	simm.s32 @!p0 $0x5  }
0x71: {  	s29 =	smul.u32 @!p0 $0xC80, s25;
	_ =	swait.ge @!p0 [sflag:s26], $0x3200  }
0x72: {  	[sflag:s26] =	ssyncset.done @!p0 $0x0  }
0x73: {  	[sflag:s26] =	ssyncadd.s32 @!p0 $0xFFFFCE00;
	s26 =	sshra.s32 @!p0 s29, $0x2  }
0x74: {  	s30 =	simm.s32 @!p0 $0xC8;
	s31 =	simm.s32 @!p0 $0x6400;
	s29 =	sadd.s32 @!p0 $0x320, s26  }
0x75: {  	[tilespmem:s31], [sflag:$0x1] =	stream.indirect.gather @!p0 [hbm4b:s5+s30], $0x40, s29, s30, $0xb8;
	[tilespmem:$0x12C00] =	vst v63  }
0x76: {  	_ =	swait.ge [sflag:s17], $0x3200  }
0x77: {  	[sflag:s17] =	ssyncset.done $0x0  }
0x78: {  	s29 =	simm.s32 $0x9700;
	[sflag:s17] =	ssyncadd.s32 $0xFFFFCE00  }
0x79: {  	v0 =	vld [tilespmem:s29+$0xFFFFFF00]  }
0x7a: {  	v1 =	vld [tilespmem:s29+$0xFFFFFF10]  }
0x7b: {  	v2 =	vld [tilespmem:s29+$0xFFFFFF20]  }
0x7c: {  	v3 =	vld [tilespmem:s29+$0xFFFFFF30]  }
0x7d: {  	v4 =	vld [tilespmem:s29+$0xFFFFFF40]  }
0x7e: {  	v5 =	vld [tilespmem:s29+$0xFFFFFF50];
	v0 =	vmul.f32 $8.000000000e+00, v0  }
0x7f: {  	v6 =	vld [tilespmem:s29+$0xFFFFFF60];
	v1 =	vmul.f32 $8.000000000e+00, v1  }
0x80: {  	[tilespmem:s29+$0xFFFFFF00] =	vst v0;
	v0 =	vmul.f32 $8.000000000e+00, v2;
	v2 =	vld [tilespmem:s29+$0xFFFFFF70]  }
0x81: {  	[tilespmem:s29+$0xFFFFFF10] =	vst v1;
	v1 =	vmul.f32 $8.000000000e+00, v3;
	v3 =	vld [tilespmem:s29+$0xFFFFFF80]  }
0x82: {  	[tilespmem:s29+$0xFFFFFF20] =	vst v0;
	v0 =	vmul.f32 $8.000000000e+00, v4;
	v4 =	vld [tilespmem:s29+$0xFFFFFF90]  }
0x83: {  	[tilespmem:s29+$0xFFFFFF30] =	vst v1;
	v1 =	vmul.f32 $8.000000000e+00, v5;
	v5 =	vld [tilespmem:s29+$0xFFFFFFA0]  }
0x84: {  	[tilespmem:s29+$0xFFFFFF40] =	vst v0;
	v0 =	vmul.f32 $8.000000000e+00, v6;
	v6 =	vld [tilespmem:s29+$0xFFFFFFB0]  }
0x85: {  	[tilespmem:s29+$0xFFFFFF50] =	vst v1;
	v1 =	vmul.f32 $8.000000000e+00, v2;
	v2 =	vld [tilespmem:s29+$0xFFFFFFC0]  }
0x86: {  	[tilespmem:s29+$0xFFFFFF60] =	vst v0;
	v0 =	vmul.f32 $8.000000000e+00, v3;
	v3 =	vld [tilespmem:s29+$0xFFFFFFD0]  }
0x87: {  	[tilespmem:s29+$0xFFFFFF70] =	vst v1;
	v1 =	vmul.f32 $8.000000000e+00, v4;
	v4 =	vld [tilespmem:s29+$0xFFFFFFE0]  }
0x88: {  	[tilespmem:s29+$0xFFFFFF80] =	vst v0;
	v0 =	vmul.f32 $8.000000000e+00, v5;
	v5 =	vld [tilespmem:s29+$0x0]  }
0x89: {  	[tilespmem:s29+$0xFFFFFF90] =	vst v1;
	v1 =	vmul.f32 $8.000000000e+00, v6;
	v6 =	vld [tilespmem:s29+$0x10]  }
0x8a: {  	[tilespmem:s29+$0xFFFFFFA0] =	vst v0;
	v0 =	vmul.f32 $8.000000000e+00, v2;
	v2 =	vld [tilespmem:s29+$0x20]  }
0x8b: {  	[tilespmem:s29+$0xFFFFFFB0] =	vst v1;
	v1 =	vmul.f32 $8.000000000e+00, v3;
	v3 =	vld [tilespmem:s29+$0x30]  }
0x8c: {  	[tilespmem:s29+$0xFFFFFFC0] =	vst v0;
	v0 =	vmul.f32 $8.000000000e+00, v4;
	v4 =	vld [tilespmem:s29+$0x40]  }
0x8d: {  	[tilespmem:s29+$0xFFFFFFD0] =	vst v1;
	v1 =	vmul.f32 $8.000000000e+00, v5;
	v5 =	vld [tilespmem:s29+$0x50]  }
0x8e: {  	[tilespmem:s29+$0xFFFFFFE0] =	vst v0;
	v0 =	vmul.f32 $8.000000000e+00, v6;
	v6 =	vld [tilespmem:s29+$0x60]  }
0x8f: {  	[tilespmem:s29+$0x0] =	vst v1;
	v1 =	vmul.f32 $8.000000000e+00, v2;
	v2 =	vld [tilespmem:s29+$0x70]  }
0x90: {  	[tilespmem:s29+$0x10] =	vst v0;
	v0 =	vmul.f32 $8.000000000e+00, v3;
	v3 =	vld [tilespmem:s29+$0x80]  }
0x91: {  	[tilespmem:s29+$0x20] =	vst v1;
	v1 =	vmul.f32 $8.000000000e+00, v4;
	v4 =	vld [tilespmem:s29+$0x90]  }
0x92: {  	[tilespmem:s29+$0x30] =	vst v0;
	v0 =	vmul.f32 $8.000000000e+00, v5;
	v5 =	vld [tilespmem:s29+$0xA0]  }
0x93: {  	[tilespmem:s29+$0x40] =	vst v1;
	v1 =	vmul.f32 $8.000000000e+00, v6;
	v6 =	vld [tilespmem:s29+$0xB0]  }
0x94: {  	[tilespmem:s29+$0x50] =	vst v0;
	v2 =	vmul.f32 $8.000000000e+00, v2;
	v0 =	vld [tilespmem:s29+$0xC0]  }
0x95: {  	[tilespmem:s29+$0x60] =	vst v1;
	v7 =	vmul.f32 $8.000000000e+00, v3;
	v1 =	vld [tilespmem:s29+$0xD0]  }
0x96: {  	v3 =	vld [tilespmem:s29+$0xE0];
	[tilespmem:s29+$0x70] =	vst v2;
	v8 =	vmul.f32 $8.000000000e+00, v4  }
0x97: {  	v2 =	vld [tilespmem:s29+$0xF0];
	[tilespmem:s29+$0x80] =	vst v7;
	v5 =	vmul.f32 $8.000000000e+00, v5  }
0x98: {  	s30 =	simm.s32 $0x0;
	s31 =	simm.s32 $0x9900;
	v4 =	vld [tilespmem:s29+$0xFFFFFFF0];
	[tilespmem:s29+$0x90] =	vst v8;
	v6 =	vmul.f32 $8.000000000e+00, v6  }
.LBB2_5:
0x99: {  	v7 =	vld [tilespmem:s31+$0xFFFFFF00];
	[tilespmem:s29+$0xA0] =	vst v5;
	v0 =	vmul.f32 $8.000000000e+00, v0  }
0x9a: {  	v5 =	vld [tilespmem:s31+$0xFFFFFF10];
	[tilespmem:s29+$0xB0] =	vst v6;
	v1 =	vmul.f32 $8.000000000e+00, v1  }
0x9b: {  	v6 =	vld [tilespmem:s31+$0xFFFFFF20];
	[tilespmem:s29+$0xC0] =	vst v0;
	v0 =	vmul.f32 $8.000000000e+00, v3  }
0x9c: {  	v3 =	vld [tilespmem:s31+$0xFFFFFF30];
	[tilespmem:s29+$0xD0] =	vst v1;
	v1 =	vmul.f32 $8.000000000e+00, v2  }
0x9d: {  	v2 =	vld [tilespmem:s31+$0xFFFFFF40];
	v4 =	vmul.f32 $8.000000000e+00, v4;
	[tilespmem:s29+$0xE0] =	vst v0  }
0x9e: {  	v0 =	vmul.f32 $8.000000000e+00, v7;
	v7 =	vld [tilespmem:s31+$0xFFFFFF50];
	[tilespmem:s29+$0xF0] =	vst v1  }
0x9f: {  	v1 =	vmul.f32 $8.000000000e+00, v5;
	v5 =	vld [tilespmem:s31+$0xFFFFFF60];
	[tilespmem:s29+$0xFFFFFFF0] =	vst v4;
	s29 =	smov.u32 s31  }
0xa0: {  	[tilespmem:s31+$0xFFFFFF00] =	vst v0;
	v0 =	vmul.f32 $8.000000000e+00, v6;
	v4 =	vld [tilespmem:s31+$0xFFFFFF70]  }
0xa1: {  	[tilespmem:s31+$0xFFFFFF10] =	vst v1;
	v1 =	vmul.f32 $8.000000000e+00, v3;
	v3 =	vld [tilespmem:s31+$0xFFFFFF80]  }
0xa2: {  	[tilespmem:s31+$0xFFFFFF20] =	vst v0;
	v0 =	vmul.f32 $8.000000000e+00, v2;
	v2 =	vld [tilespmem:s31+$0xFFFFFF90]  }
0xa3: {  	[tilespmem:s31+$0xFFFFFF30] =	vst v1;
	v1 =	vmul.f32 $8.000000000e+00, v7;
	v6 =	vld [tilespmem:s31+$0xFFFFFFA0]  }
0xa4: {  	[tilespmem:s31+$0xFFFFFF40] =	vst v0;
	v0 =	vmul.f32 $8.000000000e+00, v5;
	v5 =	vld [tilespmem:s31+$0xFFFFFFB0]  }
0xa5: {  	[tilespmem:s31+$0xFFFFFF50] =	vst v1;
	v1 =	vmul.f32 $8.000000000e+00, v4;
	v4 =	vld [tilespmem:s31+$0xFFFFFFC0]  }
0xa6: {  	[tilespmem:s31+$0xFFFFFF60] =	vst v0;
	v0 =	vmul.f32 $8.000000000e+00, v3;
	v3 =	vld [tilespmem:s31+$0xFFFFFFD0]  }
0xa7: {  	[tilespmem:s31+$0xFFFFFF70] =	vst v1;
	v1 =	vmul.f32 $8.000000000e+00, v2;
	v2 =	vld [tilespmem:s31+$0xFFFFFFE0]  }
0xa8: {  	[tilespmem:s31+$0xFFFFFF80] =	vst v0;
	v0 =	vmul.f32 $8.000000000e+00, v6;
	v6 =	vld [tilespmem:s31+$0x0]  }
0xa9: {  	[tilespmem:s31+$0xFFFFFF90] =	vst v1;
	v1 =	vmul.f32 $8.000000000e+00, v5;
	v5 =	vld [tilespmem:s31+$0x10]  }
0xaa: {  	[tilespmem:s31+$0xFFFFFFA0] =	vst v0;
	v0 =	vmul.f32 $8.000000000e+00, v4;
	v4 =	vld [tilespmem:s31+$0x20]  }
0xab: {  	[tilespmem:s31+$0xFFFFFFB0] =	vst v1;
	v1 =	vmul.f32 $8.000000000e+00, v3;
	v3 =	vld [tilespmem:s31+$0x30]  }
0xac: {  	[tilespmem:s31+$0xFFFFFFC0] =	vst v0;
	v0 =	vmul.f32 $8.000000000e+00, v2;
	v2 =	vld [tilespmem:s31+$0x40]  }
0xad: {  	[tilespmem:s31+$0xFFFFFFD0] =	vst v1;
	v1 =	vmul.f32 $8.000000000e+00, v6;
	v6 =	vld [tilespmem:s31+$0x50]  }
0xae: {  	[tilespmem:s31+$0xFFFFFFE0] =	vst v0;
	v0 =	vmul.f32 $8.000000000e+00, v5;
	v5 =	vld [tilespmem:s31+$0x60]  }
0xaf: {  	[tilespmem:s31+$0x0] =	vst v1;
	v1 =	vmul.f32 $8.000000000e+00, v4;
	v4 =	vld [tilespmem:s31+$0x70]  }
0xb0: {  	[tilespmem:s31+$0x10] =	vst v0;
	v0 =	vmul.f32 $8.000000000e+00, v3;
	v3 =	vld [tilespmem:s31+$0x80]  }
0xb1: {  	[tilespmem:s31+$0x20] =	vst v1;
	v1 =	vmul.f32 $8.000000000e+00, v2;
	v2 =	vld [tilespmem:s31+$0x90]  }
0xb2: {  	s30 =	sadd.s32 $0x8, s30;
	[tilespmem:s31+$0x30] =	vst v0;
	v0 =	vmul.f32 $8.000000000e+00, v6;
	v6 =	vld [tilespmem:s31+$0xA0]  }
0xb3: {  	p1 =	slt.u32 s30, $0xC0;
	[tilespmem:s31+$0x40] =	vst v1;
	v1 =	vmul.f32 $8.000000000e+00, v5;
	v7 =	vld [tilespmem:s31+$0xB0]  }
.Ltmp3:
0xb4: {  	[tilespmem:s31+$0x50] =	vst v0;
	v4 =	vmul.f32 $8.000000000e+00, v4;
	v0 =	vld [tilespmem:s31+$0xC0];
	(pc) =	sbr.rel @p1 .LBB2_5-.Ltmp3, $4  }
0xb5: {  	[tilespmem:s31+$0x60] =	vst v1;
	v5 =	vmul.f32 $8.000000000e+00, v3;
	v1 =	vld [tilespmem:s31+$0xD0]  }
0xb6: {  	[tilespmem:s31+$0x70] =	vst v4;
	v8 =	vmul.f32 $8.000000000e+00, v2;
	v3 =	vld [tilespmem:s31+$0xE0]  }
0xb7: {  	[tilespmem:s31+$0x80] =	vst v5;
	v5 =	vmul.f32 $8.000000000e+00, v6;
	v2 =	vld [tilespmem:s31+$0xF0]  }
0xb8: {  	s31 =	sadd.s32 $0x200, s31;
	v4 =	vld [tilespmem:s29+$0xFFFFFFF0];
	[tilespmem:s29+$0x90] =	vst v8;
	v6 =	vmul.f32 $8.000000000e+00, v7  }
0xb9: {  	[tilespmem:s29+$0xA0] =	vst v5;
	v0 =	vmul.f32 $8.000000000e+00, v0  }
0xba: {  	[tilespmem:s29+$0xB0] =	vst v6;
	v1 =	vmul.f32 $8.000000000e+00, v1  }
0xbb: {  	s28 =	sadd.s32 s28, s3;
	[tilespmem:s29+$0xC0] =	vst v0;
	v0 =	vmul.f32 $8.000000000e+00, v3  }
0xbc: {  	s28 =	smul.u32 $0x640, s28;
	[tilespmem:s29+$0xD0] =	vst v1;
	v1 =	vmul.f32 $8.000000000e+00, v2  }
0xbd: {  	v2 =	vmul.f32 $8.000000000e+00, v4;
	[tilespmem:s29+$0xE0] =	vst v0  }
0xbe: {  	s28 =	sadd.s32 s2, s28;
	[tilespmem:s29+$0xF0] =	vst v1  }
0xbf: {  	[tilespmem:s29+$0xFFFFFFF0] =	vst v2;
	s29 =	sadd.s32 $0x640, s28  }
0xc0: {  	[hbm4b:s29+s4] =	stream.linear.scatter [tilespmem:s11], [sflag:$0x6], $0x3200, $0x38;
	[tilespmem:$0x12C00] =	vst v63  }
0xc1: {  	s29 =	simm.s32 @!p0 $0x6  }
0xc2: {  	_ =	swait.ge @!p0 [sflag:s29], $0x3200  }
0xc3: {  	s30 =	simm.s32 @!p0 $0xC8;
	[sflag:s29] =	ssyncset.done @!p0 $0x0  }
0xc4: {  	s31 =	simm.s32 @!p0 $0x9600;
	[sflag:s29] =	ssyncadd.s32 @!p0 $0xFFFFCE00;
	s29 =	sadd.s32 @!p0 $0x3E8, s26  }
0xc5: {  	[tilespmem:s31], [sflag:$0x2] =	stream.indirect.gather @!p0 [hbm4b:s5+s30], $0x40, s29, s30, $0xb8;
	[tilespmem:$0x12C00] =	vst v63  }
0xc6: {  	_ =	swait.ge [sflag:s18], $0x3200  }
0xc7: {  	[sflag:s18] =	ssyncset.done $0x0  }
0xc8: {  	s29 =	simm.s32 $0xC900;
	[sflag:s18] =	ssyncadd.s32 $0xFFFFCE00  }
0xc9: {  	v0 =	vld [tilespmem:s29+$0xFFFFFF00]  }
0xca: {  	v1 =	vld [tilespmem:s29+$0xFFFFFF10]  }
0xcb: {  	v2 =	vld [tilespmem:s29+$0xFFFFFF20]  }
0xcc: {  	v3 =	vld [tilespmem:s29+$0xFFFFFF30]  }
0xcd: {  	v4 =	vld [tilespmem:s29+$0xFFFFFF40]  }
0xce: {  	v5 =	vld [tilespmem:s29+$0xFFFFFF50];
	v0 =	vmul.f32 $8.000000000e+00, v0  }
0xcf: {  	v6 =	vld [tilespmem:s29+$0xFFFFFF60];
	v1 =	vmul.f32 $8.000000000e+00, v1  }
0xd0: {  	[tilespmem:s29+$0xFFFFFF00] =	vst v0;
	v0 =	vmul.f32 $8.000000000e+00, v2;
	v2 =	vld [tilespmem:s29+$0xFFFFFF70]  }
0xd1: {  	[tilespmem:s29+$0xFFFFFF10] =	vst v1;
	v1 =	vmul.f32 $8.000000000e+00, v3;
	v3 =	vld [tilespmem:s29+$0xFFFFFF80]  }
0xd2: {  	[tilespmem:s29+$0xFFFFFF20] =	vst v0;
	v0 =	vmul.f32 $8.000000000e+00, v4;
	v4 =	vld [tilespmem:s29+$0xFFFFFF90]  }
0xd3: {  	[tilespmem:s29+$0xFFFFFF30] =	vst v1;
	v1 =	vmul.f32 $8.000000000e+00, v5;
	v5 =	vld [tilespmem:s29+$0xFFFFFFA0]  }
0xd4: {  	[tilespmem:s29+$0xFFFFFF40] =	vst v0;
	v0 =	vmul.f32 $8.000000000e+00, v6;
	v6 =	vld [tilespmem:s29+$0xFFFFFFB0]  }
0xd5: {  	[tilespmem:s29+$0xFFFFFF50] =	vst v1;
	v1 =	vmul.f32 $8.000000000e+00, v2;
	v2 =	vld [tilespmem:s29+$0xFFFFFFC0]  }
0xd6: {  	[tilespmem:s29+$0xFFFFFF60] =	vst v0;
	v0 =	vmul.f32 $8.000000000e+00, v3;
	v3 =	vld [tilespmem:s29+$0xFFFFFFD0]  }
0xd7: {  	[tilespmem:s29+$0xFFFFFF70] =	vst v1;
	v1 =	vmul.f32 $8.000000000e+00, v4;
	v4 =	vld [tilespmem:s29+$0xFFFFFFE0]  }
0xd8: {  	[tilespmem:s29+$0xFFFFFF80] =	vst v0;
	v0 =	vmul.f32 $8.000000000e+00, v5;
	v5 =	vld [tilespmem:s29+$0x0]  }
0xd9: {  	[tilespmem:s29+$0xFFFFFF90] =	vst v1;
	v1 =	vmul.f32 $8.000000000e+00, v6;
	v6 =	vld [tilespmem:s29+$0x10]  }
0xda: {  	[tilespmem:s29+$0xFFFFFFA0] =	vst v0;
	v0 =	vmul.f32 $8.000000000e+00, v2;
	v2 =	vld [tilespmem:s29+$0x20]  }
0xdb: {  	[tilespmem:s29+$0xFFFFFFB0] =	vst v1;
	v1 =	vmul.f32 $8.000000000e+00, v3;
	v3 =	vld [tilespmem:s29+$0x30]  }
0xdc: {  	[tilespmem:s29+$0xFFFFFFC0] =	vst v0;
	v0 =	vmul.f32 $8.000000000e+00, v4;
	v4 =	vld [tilespmem:s29+$0x40]  }
0xdd: {  	[tilespmem:s29+$0xFFFFFFD0] =	vst v1;
	v1 =	vmul.f32 $8.000000000e+00, v5;
	v5 =	vld [tilespmem:s29+$0x50]  }
0xde: {  	[tilespmem:s29+$0xFFFFFFE0] =	vst v0;
	v0 =	vmul.f32 $8.000000000e+00, v6;
	v6 =	vld [tilespmem:s29+$0x60]  }
0xdf: {  	[tilespmem:s29+$0x0] =	vst v1;
	v1 =	vmul.f32 $8.000000000e+00, v2;
	v2 =	vld [tilespmem:s29+$0x70]  }
0xe0: {  	[tilespmem:s29+$0x10] =	vst v0;
	v0 =	vmul.f32 $8.000000000e+00, v3;
	v3 =	vld [tilespmem:s29+$0x80]  }
0xe1: {  	[tilespmem:s29+$0x20] =	vst v1;
	v1 =	vmul.f32 $8.000000000e+00, v4;
	v4 =	vld [tilespmem:s29+$0x90]  }
0xe2: {  	[tilespmem:s29+$0x30] =	vst v0;
	v0 =	vmul.f32 $8.000000000e+00, v5;
	v5 =	vld [tilespmem:s29+$0xA0]  }
0xe3: {  	[tilespmem:s29+$0x40] =	vst v1;
	v1 =	vmul.f32 $8.000000000e+00, v6;
	v6 =	vld [tilespmem:s29+$0xB0]  }
0xe4: {  	[tilespmem:s29+$0x50] =	vst v0;
	v2 =	vmul.f32 $8.000000000e+00, v2;
	v0 =	vld [tilespmem:s29+$0xC0]  }
0xe5: {  	[tilespmem:s29+$0x60] =	vst v1;
	v3 =	vmul.f32 $8.000000000e+00, v3;
	v1 =	vld [tilespmem:s29+$0xD0]  }
0xe6: {  	[tilespmem:s29+$0x70] =	vst v2;
	v7 =	vmul.f32 $8.000000000e+00, v4;
	v2 =	vld [tilespmem:s29+$0xE0]  }
0xe7: {  	[tilespmem:s29+$0x80] =	vst v3;
	v3 =	vld [tilespmem:s29+$0xF0];
	v5 =	vmul.f32 $8.000000000e+00, v5  }
0xe8: {  	s30 =	simm.s32 $0x0;
	s31 =	simm.s32 $0xCB00;
	v4 =	vld [tilespmem:s29+$0xFFFFFFF0];
	[tilespmem:s29+$0x90] =	vst v7;
	v6 =	vmul.f32 $8.000000000e+00, v6  }
.LBB2_7:
0xe9: {  	v7 =	vld [tilespmem:s31+$0xFFFFFF00];
	[tilespmem:s29+$0xA0] =	vst v5;
	v0 =	vmul.f32 $8.000000000e+00, v0  }
0xea: {  	v5 =	vld [tilespmem:s31+$0xFFFFFF10];
	[tilespmem:s29+$0xB0] =	vst v6;
	v1 =	vmul.f32 $8.000000000e+00, v1  }
0xeb: {  	v6 =	vld [tilespmem:s31+$0xFFFFFF20];
	[tilespmem:s29+$0xC0] =	vst v0;
	v0 =	vmul.f32 $8.000000000e+00, v2  }
0xec: {  	v2 =	vld [tilespmem:s31+$0xFFFFFF30];
	[tilespmem:s29+$0xD0] =	vst v1;
	v1 =	vmul.f32 $8.000000000e+00, v3  }
0xed: {  	v3 =	vld [tilespmem:s31+$0xFFFFFF40];
	v4 =	vmul.f32 $8.000000000e+00, v4;
	[tilespmem:s29+$0xE0] =	vst v0  }
0xee: {  	v0 =	vmul.f32 $8.000000000e+00, v7;
	v7 =	vld [tilespmem:s31+$0xFFFFFF50];
	[tilespmem:s29+$0xF0] =	vst v1  }
0xef: {  	v1 =	vmul.f32 $8.000000000e+00, v5;
	v5 =	vld [tilespmem:s31+$0xFFFFFF60];
	[tilespmem:s29+$0xFFFFFFF0] =	vst v4;
	s29 =	smov.u32 s31  }
0xf0: {  	[tilespmem:s31+$0xFFFFFF00] =	vst v0;
	v0 =	vmul.f32 $8.000000000e+00, v6;
	v4 =	vld [tilespmem:s31+$0xFFFFFF70]  }
0xf1: {  	[tilespmem:s31+$0xFFFFFF10] =	vst v1;
	v1 =	vmul.f32 $8.000000000e+00, v2;
	v2 =	vld [tilespmem:s31+$0xFFFFFF80]  }
0xf2: {  	[tilespmem:s31+$0xFFFFFF20] =	vst v0;
	v0 =	vmul.f32 $8.000000000e+00, v3;
	v3 =	vld [tilespmem:s31+$0xFFFFFF90]  }
0xf3: {  	[tilespmem:s31+$0xFFFFFF30] =	vst v1;
	v1 =	vmul.f32 $8.000000000e+00, v7;
	v6 =	vld [tilespmem:s31+$0xFFFFFFA0]  }
0xf4: {  	[tilespmem:s31+$0xFFFFFF40] =	vst v0;
	v0 =	vmul.f32 $8.000000000e+00, v5;
	v5 =	vld [tilespmem:s31+$0xFFFFFFB0]  }
0xf5: {  	[tilespmem:s31+$0xFFFFFF50] =	vst v1;
	v1 =	vmul.f32 $8.000000000e+00, v4;
	v4 =	vld [tilespmem:s31+$0xFFFFFFC0]  }
0xf6: {  	[tilespmem:s31+$0xFFFFFF60] =	vst v0;
	v0 =	vmul.f32 $8.000000000e+00, v2;
	v2 =	vld [tilespmem:s31+$0xFFFFFFD0]  }
0xf7: {  	[tilespmem:s31+$0xFFFFFF70] =	vst v1;
	v1 =	vmul.f32 $8.000000000e+00, v3;
	v3 =	vld [tilespmem:s31+$0xFFFFFFE0]  }
0xf8: {  	[tilespmem:s31+$0xFFFFFF80] =	vst v0;
	v0 =	vmul.f32 $8.000000000e+00, v6;
	v6 =	vld [tilespmem:s31+$0x0]  }
0xf9: {  	[tilespmem:s31+$0xFFFFFF90] =	vst v1;
	v1 =	vmul.f32 $8.000000000e+00, v5;
	v5 =	vld [tilespmem:s31+$0x10]  }
0xfa: {  	[tilespmem:s31+$0xFFFFFFA0] =	vst v0;
	v0 =	vmul.f32 $8.000000000e+00, v4;
	v4 =	vld [tilespmem:s31+$0x20]  }
0xfb: {  	[tilespmem:s31+$0xFFFFFFB0] =	vst v1;
	v1 =	vmul.f32 $8.000000000e+00, v2;
	v2 =	vld [tilespmem:s31+$0x30]  }
0xfc: {  	[tilespmem:s31+$0xFFFFFFC0] =	vst v0;
	v0 =	vmul.f32 $8.000000000e+00, v3;
	v3 =	vld [tilespmem:s31+$0x40]  }
0xfd: {  	[tilespmem:s31+$0xFFFFFFD0] =	vst v1;
	v1 =	vmul.f32 $8.000000000e+00, v6;
	v6 =	vld [tilespmem:s31+$0x50]  }
0xfe: {  	[tilespmem:s31+$0xFFFFFFE0] =	vst v0;
	v0 =	vmul.f32 $8.000000000e+00, v5;
	v5 =	vld [tilespmem:s31+$0x60]  }
0xff: {  	[tilespmem:s31+$0x0] =	vst v1;
	v1 =	vmul.f32 $8.000000000e+00, v4;
	v4 =	vld [tilespmem:s31+$0x70]  }
0x100: {  	[tilespmem:s31+$0x10] =	vst v0;
	v0 =	vmul.f32 $8.000000000e+00, v2;
	v2 =	vld [tilespmem:s31+$0x80]  }
0x101: {  	[tilespmem:s31+$0x20] =	vst v1;
	v1 =	vmul.f32 $8.000000000e+00, v3;
	v3 =	vld [tilespmem:s31+$0x90]  }
0x102: {  	s30 =	sadd.s32 $0x8, s30;
	[tilespmem:s31+$0x30] =	vst v0;
	v0 =	vmul.f32 $8.000000000e+00, v6;
	v6 =	vld [tilespmem:s31+$0xA0]  }
0x103: {  	p1 =	slt.u32 s30, $0xC0;
	[tilespmem:s31+$0x40] =	vst v1;
	v1 =	vmul.f32 $8.000000000e+00, v5;
	v7 =	vld [tilespmem:s31+$0xB0]  }
.Ltmp4:
0x104: {  	[tilespmem:s31+$0x50] =	vst v0;
	v4 =	vmul.f32 $8.000000000e+00, v4;
	v0 =	vld [tilespmem:s31+$0xC0];
	(pc) =	sbr.rel @p1 .LBB2_7-.Ltmp4, $4  }
0x105: {  	[tilespmem:s31+$0x60] =	vst v1;
	v5 =	vmul.f32 $8.000000000e+00, v2;
	v1 =	vld [tilespmem:s31+$0xD0]  }
0x106: {  	[tilespmem:s31+$0x70] =	vst v4;
	v8 =	vmul.f32 $8.000000000e+00, v3;
	v2 =	vld [tilespmem:s31+$0xE0]  }
0x107: {  	[tilespmem:s31+$0x80] =	vst v5;
	v5 =	vmul.f32 $8.000000000e+00, v6;
	v3 =	vld [tilespmem:s31+$0xF0]  }
0x108: {  	s31 =	sadd.s32 $0x200, s31;
	v4 =	vld [tilespmem:s29+$0xFFFFFFF0];
	[tilespmem:s29+$0x90] =	vst v8;
	v6 =	vmul.f32 $8.000000000e+00, v7  }
0x109: {  	[tilespmem:s29+$0xA0] =	vst v5;
	v0 =	vmul.f32 $8.000000000e+00, v0  }
0x10a: {  	[tilespmem:s29+$0xB0] =	vst v6;
	v1 =	vmul.f32 $8.000000000e+00, v1  }
0x10b: {  	[tilespmem:s29+$0xC0] =	vst v0;
	v0 =	vmul.f32 $8.000000000e+00, v2  }
0x10c: {  	[tilespmem:s29+$0xD0] =	vst v1;
	v1 =	vmul.f32 $8.000000000e+00, v3  }
0x10d: {  	v2 =	vmul.f32 $8.000000000e+00, v4;
	[tilespmem:s29+$0xE0] =	vst v0  }
0x10e: {  	[tilespmem:s29+$0xF0] =	vst v1  }
0x10f: {  	[tilespmem:s29+$0xFFFFFFF0] =	vst v2;
	s29 =	sadd.s32 $0xC80, s28  }
0x110: {  	[hbm4b:s29+s4] =	stream.linear.scatter [tilespmem:s13], [sflag:$0x7], $0x3200, $0x38;
	[tilespmem:$0x12C00] =	vst v63  }
0x111: {  	s29 =	simm.s32 @!p0 $0x7  }
0x112: {  	_ =	swait.ge @!p0 [sflag:s29], $0x3200  }
0x113: {  	s26 =	sadd.s32 @!p0 $0x4B0, s26;
	[sflag:s29] =	ssyncset.done @!p0 $0x0  }
0x114: {  	s30 =	simm.s32 @!p0 $0xC800;
	[sflag:s29] =	ssyncadd.s32 @!p0 $0xFFFFCE00;
	s29 =	simm.s32 @!p0 $0xC8  }
0x115: {  	[tilespmem:s30], [sflag:$0x3] =	stream.indirect.gather @!p0 [hbm4b:s5+s29], $0x40, s26, s29, $0xb8;
	[tilespmem:$0x12C00] =	vst v63  }
0x116: {  	_ =	swait.ge [sflag:s19], $0x3200  }
0x117: {  	[sflag:s19] =	ssyncset.done $0x0  }
0x118: {  	s26 =	simm.s32 $0xFB00;
	[sflag:s19] =	ssyncadd.s32 $0xFFFFCE00  }
0x119: {  	v0 =	vld [tilespmem:s26+$0xFFFFFF00]  }
0x11a: {  	v1 =	vld [tilespmem:s26+$0xFFFFFF10]  }
0x11b: {  	v2 =	vld [tilespmem:s26+$0xFFFFFF20]  }
0x11c: {  	v3 =	vld [tilespmem:s26+$0xFFFFFF30]  }
0x11d: {  	v4 =	vld [tilespmem:s26+$0xFFFFFF40]  }
0x11e: {  	v5 =	vld [tilespmem:s26+$0xFFFFFF50];
	v0 =	vmul.f32 $8.000000000e+00, v0  }
0x11f: {  	v6 =	vld [tilespmem:s26+$0xFFFFFF60];
	v1 =	vmul.f32 $8.000000000e+00, v1  }
0x120: {  	[tilespmem:s26+$0xFFFFFF00] =	vst v0;
	v0 =	vmul.f32 $8.000000000e+00, v2;
	v2 =	vld [tilespmem:s26+$0xFFFFFF70]  }
0x121: {  	[tilespmem:s26+$0xFFFFFF10] =	vst v1;
	v1 =	vmul.f32 $8.000000000e+00, v3;
	v3 =	vld [tilespmem:s26+$0xFFFFFF80]  }
0x122: {  	[tilespmem:s26+$0xFFFFFF20] =	vst v0;
	v0 =	vmul.f32 $8.000000000e+00, v4;
	v4 =	vld [tilespmem:s26+$0xFFFFFF90]  }
0x123: {  	[tilespmem:s26+$0xFFFFFF30] =	vst v1;
	v1 =	vmul.f32 $8.000000000e+00, v5;
	v5 =	vld [tilespmem:s26+$0xFFFFFFA0]  }
0x124: {  	[tilespmem:s26+$0xFFFFFF40] =	vst v0;
	v0 =	vmul.f32 $8.000000000e+00, v6;
	v6 =	vld [tilespmem:s26+$0xFFFFFFB0]  }
0x125: {  	[tilespmem:s26+$0xFFFFFF50] =	vst v1;
	v1 =	vmul.f32 $8.000000000e+00, v2;
	v2 =	vld [tilespmem:s26+$0xFFFFFFC0]  }
0x126: {  	[tilespmem:s26+$0xFFFFFF60] =	vst v0;
	v0 =	vmul.f32 $8.000000000e+00, v3;
	v3 =	vld [tilespmem:s26+$0xFFFFFFD0]  }
0x127: {  	[tilespmem:s26+$0xFFFFFF70] =	vst v1;
	v1 =	vmul.f32 $8.000000000e+00, v4;
	v4 =	vld [tilespmem:s26+$0xFFFFFFE0]  }
0x128: {  	[tilespmem:s26+$0xFFFFFF80] =	vst v0;
	v0 =	vmul.f32 $8.000000000e+00, v5;
	v5 =	vld [tilespmem:s26+$0x0]  }
0x129: {  	[tilespmem:s26+$0xFFFFFF90] =	vst v1;
	v1 =	vmul.f32 $8.000000000e+00, v6;
	v6 =	vld [tilespmem:s26+$0x10]  }
0x12a: {  	[tilespmem:s26+$0xFFFFFFA0] =	vst v0;
	v0 =	vmul.f32 $8.000000000e+00, v2;
	v2 =	vld [tilespmem:s26+$0x20]  }
0x12b: {  	[tilespmem:s26+$0xFFFFFFB0] =	vst v1;
	v1 =	vmul.f32 $8.000000000e+00, v3;
	v3 =	vld [tilespmem:s26+$0x30]  }
0x12c: {  	[tilespmem:s26+$0xFFFFFFC0] =	vst v0;
	v0 =	vmul.f32 $8.000000000e+00, v4;
	v4 =	vld [tilespmem:s26+$0x40]  }
0x12d: {  	[tilespmem:s26+$0xFFFFFFD0] =	vst v1;
	v1 =	vmul.f32 $8.000000000e+00, v5;
	v5 =	vld [tilespmem:s26+$0x50]  }
0x12e: {  	[tilespmem:s26+$0xFFFFFFE0] =	vst v0;
	v0 =	vmul.f32 $8.000000000e+00, v6;
	v6 =	vld [tilespmem:s26+$0x60]  }
0x12f: {  	[tilespmem:s26+$0x0] =	vst v1;
	v1 =	vmul.f32 $8.000000000e+00, v2;
	v2 =	vld [tilespmem:s26+$0x70]  }
0x130: {  	[tilespmem:s26+$0x10] =	vst v0;
	v0 =	vmul.f32 $8.000000000e+00, v3;
	v3 =	vld [tilespmem:s26+$0x80]  }
0x131: {  	[tilespmem:s26+$0x20] =	vst v1;
	v1 =	vmul.f32 $8.000000000e+00, v4;
	v4 =	vld [tilespmem:s26+$0x90]  }
0x132: {  	[tilespmem:s26+$0x30] =	vst v0;
	v0 =	vmul.f32 $8.000000000e+00, v5;
	v5 =	vld [tilespmem:s26+$0xA0]  }
0x133: {  	[tilespmem:s26+$0x40] =	vst v1;
	v1 =	vmul.f32 $8.000000000e+00, v6;
	v6 =	vld [tilespmem:s26+$0xB0]  }
0x134: {  	[tilespmem:s26+$0x50] =	vst v0;
	v2 =	vmul.f32 $8.000000000e+00, v2;
	v0 =	vld [tilespmem:s26+$0xC0]  }
0x135: {  	[tilespmem:s26+$0x60] =	vst v1;
	v3 =	vmul.f32 $8.000000000e+00, v3;
	v1 =	vld [tilespmem:s26+$0xD0]  }
0x136: {  	[tilespmem:s26+$0x70] =	vst v2;
	v7 =	vmul.f32 $8.000000000e+00, v4;
	v2 =	vld [tilespmem:s26+$0xE0]  }
0x137: {  	[tilespmem:s26+$0x80] =	vst v3;
	v3 =	vld [tilespmem:s26+$0xF0];
	v5 =	vmul.f32 $8.000000000e+00, v5  }
0x138: {  	s29 =	simm.s32 $0x0;
	s30 =	simm.s32 $0xFD00;
	v4 =	vld [tilespmem:s26+$0xFFFFFFF0];
	[tilespmem:s26+$0x90] =	vst v7;
	v6 =	vmul.f32 $8.000000000e+00, v6  }
.LBB2_9:
0x139: {  	v7 =	vld [tilespmem:s30+$0xFFFFFF00];
	[tilespmem:s26+$0xA0] =	vst v5;
	v0 =	vmul.f32 $8.000000000e+00, v0  }
0x13a: {  	v5 =	vld [tilespmem:s30+$0xFFFFFF10];
	[tilespmem:s26+$0xB0] =	vst v6;
	v1 =	vmul.f32 $8.000000000e+00, v1  }
0x13b: {  	v6 =	vld [tilespmem:s30+$0xFFFFFF20];
	[tilespmem:s26+$0xC0] =	vst v0;
	v0 =	vmul.f32 $8.000000000e+00, v2  }
0x13c: {  	v2 =	vld [tilespmem:s30+$0xFFFFFF30];
	[tilespmem:s26+$0xD0] =	vst v1;
	v1 =	vmul.f32 $8.000000000e+00, v3  }
0x13d: {  	v3 =	vld [tilespmem:s30+$0xFFFFFF40];
	v4 =	vmul.f32 $8.000000000e+00, v4;
	[tilespmem:s26+$0xE0] =	vst v0  }
0x13e: {  	v0 =	vmul.f32 $8.000000000e+00, v7;
	v7 =	vld [tilespmem:s30+$0xFFFFFF50];
	[tilespmem:s26+$0xF0] =	vst v1  }
0x13f: {  	v1 =	vmul.f32 $8.000000000e+00, v5;
	v5 =	vld [tilespmem:s30+$0xFFFFFF60];
	[tilespmem:s26+$0xFFFFFFF0] =	vst v4;
	s26 =	smov.u32 s30  }
0x140: {  	[tilespmem:s30+$0xFFFFFF00] =	vst v0;
	v0 =	vmul.f32 $8.000000000e+00, v6;
	v4 =	vld [tilespmem:s30+$0xFFFFFF70]  }
0x141: {  	[tilespmem:s30+$0xFFFFFF10] =	vst v1;
	v1 =	vmul.f32 $8.000000000e+00, v2;
	v2 =	vld [tilespmem:s30+$0xFFFFFF80]  }
0x142: {  	[tilespmem:s30+$0xFFFFFF20] =	vst v0;
	v0 =	vmul.f32 $8.000000000e+00, v3;
	v3 =	vld [tilespmem:s30+$0xFFFFFF90]  }
0x143: {  	[tilespmem:s30+$0xFFFFFF30] =	vst v1;
	v1 =	vmul.f32 $8.000000000e+00, v7;
	v6 =	vld [tilespmem:s30+$0xFFFFFFA0]  }
0x144: {  	[tilespmem:s30+$0xFFFFFF40] =	vst v0;
	v0 =	vmul.f32 $8.000000000e+00, v5;
	v5 =	vld [tilespmem:s30+$0xFFFFFFB0]  }
0x145: {  	[tilespmem:s30+$0xFFFFFF50] =	vst v1;
	v1 =	vmul.f32 $8.000000000e+00, v4;
	v4 =	vld [tilespmem:s30+$0xFFFFFFC0]  }
0x146: {  	[tilespmem:s30+$0xFFFFFF60] =	vst v0;
	v0 =	vmul.f32 $8.000000000e+00, v2;
	v2 =	vld [tilespmem:s30+$0xFFFFFFD0]  }
0x147: {  	[tilespmem:s30+$0xFFFFFF70] =	vst v1;
	v1 =	vmul.f32 $8.000000000e+00, v3;
	v3 =	vld [tilespmem:s30+$0xFFFFFFE0]  }
0x148: {  	[tilespmem:s30+$0xFFFFFF80] =	vst v0;
	v0 =	vmul.f32 $8.000000000e+00, v6;
	v6 =	vld [tilespmem:s30+$0x0]  }
0x149: {  	[tilespmem:s30+$0xFFFFFF90] =	vst v1;
	v1 =	vmul.f32 $8.000000000e+00, v5;
	v5 =	vld [tilespmem:s30+$0x10]  }
0x14a: {  	[tilespmem:s30+$0xFFFFFFA0] =	vst v0;
	v0 =	vmul.f32 $8.000000000e+00, v4;
	v4 =	vld [tilespmem:s30+$0x20]  }
0x14b: {  	[tilespmem:s30+$0xFFFFFFB0] =	vst v1;
	v1 =	vmul.f32 $8.000000000e+00, v2;
	v2 =	vld [tilespmem:s30+$0x30]  }
0x14c: {  	[tilespmem:s30+$0xFFFFFFC0] =	vst v0;
	v0 =	vmul.f32 $8.000000000e+00, v3;
	v3 =	vld [tilespmem:s30+$0x40]  }
0x14d: {  	[tilespmem:s30+$0xFFFFFFD0] =	vst v1;
	v1 =	vmul.f32 $8.000000000e+00, v6;
	v6 =	vld [tilespmem:s30+$0x50]  }
0x14e: {  	[tilespmem:s30+$0xFFFFFFE0] =	vst v0;
	v0 =	vmul.f32 $8.000000000e+00, v5;
	v5 =	vld [tilespmem:s30+$0x60]  }
0x14f: {  	[tilespmem:s30+$0x0] =	vst v1;
	v1 =	vmul.f32 $8.000000000e+00, v4;
	v4 =	vld [tilespmem:s30+$0x70]  }
0x150: {  	[tilespmem:s30+$0x10] =	vst v0;
	v0 =	vmul.f32 $8.000000000e+00, v2;
	v2 =	vld [tilespmem:s30+$0x80]  }
0x151: {  	[tilespmem:s30+$0x20] =	vst v1;
	v1 =	vmul.f32 $8.000000000e+00, v3;
	v3 =	vld [tilespmem:s30+$0x90]  }
0x152: {  	s29 =	sadd.s32 $0x8, s29;
	[tilespmem:s30+$0x30] =	vst v0;
	v0 =	vmul.f32 $8.000000000e+00, v6;
	v6 =	vld [tilespmem:s30+$0xA0]  }
0x153: {  	p1 =	slt.u32 s29, $0xC0;
	[tilespmem:s30+$0x40] =	vst v1;
	v1 =	vmul.f32 $8.000000000e+00, v5;
	v7 =	vld [tilespmem:s30+$0xB0]  }
.Ltmp5:
0x154: {  	[tilespmem:s30+$0x50] =	vst v0;
	v4 =	vmul.f32 $8.000000000e+00, v4;
	v0 =	vld [tilespmem:s30+$0xC0];
	(pc) =	sbr.rel @p1 .LBB2_9-.Ltmp5, $4  }
0x155: {  	[tilespmem:s30+$0x60] =	vst v1;
	v5 =	vmul.f32 $8.000000000e+00, v2;
	v1 =	vld [tilespmem:s30+$0xD0]  }
0x156: {  	[tilespmem:s30+$0x70] =	vst v4;
	v8 =	vmul.f32 $8.000000000e+00, v3;
	v2 =	vld [tilespmem:s30+$0xE0]  }
0x157: {  	[tilespmem:s30+$0x80] =	vst v5;
	v5 =	vmul.f32 $8.000000000e+00, v6;
	v3 =	vld [tilespmem:s30+$0xF0]  }
0x158: {  	s30 =	sadd.s32 $0x200, s30;
	v4 =	vld [tilespmem:s26+$0xFFFFFFF0];
	[tilespmem:s26+$0x90] =	vst v8;
	v6 =	vmul.f32 $8.000000000e+00, v7  }
0x159: {  	[tilespmem:s26+$0xA0] =	vst v5;
	v0 =	vmul.f32 $8.000000000e+00, v0  }
0x15a: {  	[tilespmem:s26+$0xB0] =	vst v6;
	v1 =	vmul.f32 $8.000000000e+00, v1  }
0x15b: {  	[tilespmem:s26+$0xC0] =	vst v0;
	v61 =	vmul.f32 $8.000000000e+00, v2  }
.Ltmp6:
0x15c: {  	[tilespmem:s26+$0xD0] =	vst v1;
	v62 =	vmul.f32 $8.000000000e+00, v3;
	(pc) =	sbr.rel @p0 .LBB2_12-.Ltmp6, $4  }
0x15d: {  	v63 =	vmul.f32 $8.000000000e+00, v4;
	[tilespmem:s26+$0xE0] =	vst v61  }
0x15e: {  	[tilespmem:s26+$0xF0] =	vst v62  }
0x15f: {  	s31 =	sadd.s32 $0x12C0, s28;
	[tilespmem:s26+$0xFFFFFFF0] =	vst v63  }
0x160: {  	[hbm4b:s31+s4] =	stream.linear.scatter [tilespmem:s15], [sflag:$0x8], $0x3200, $0x38;
	[tilespmem:$0x12C00] =	vst v63  }
0x161: {  	s26 =	smul.u32 $0xC80, s25  }
.Ltmp7:
0x162: {  	_ = 	snop;
	(pc) =	sbr.rel .LBB2_2-.Ltmp7, $4  }
0x163: {  	_ =	swait.ge [sflag:s23], $0x3200  }
0x164: {  	[sflag:s23] =	ssyncset.done $0x0;
	s26 =	sshra.s32 s26, $0x2  }
0x165: {  	s25 =	sadd.s32 $0x1, s25;
	[sflag:s23] =	ssyncadd.s32 $0xFFFFCE00;
	s26 =	sadd.s32 $0x578, s26  }
0x166: {  	[tilespmem:s15], [sflag:$0x4] =	stream.indirect.gather [hbm4b:s5+s9], $0x40, s26, s9, $0xb8;
	[tilespmem:$0x12C00] =	vst v63  }
.LBB2_13:
0x167: {  	_ =	sfence.sel $0x180000  }
0x168: {  	[bflag:$0x0] =	sbarrier.arrive $0xFFFF  }
0x169: {  	p0 =	sne.s32 s0, $0x0;
	_ =	strace $0x90000047  }
0x16a: {  	s0 =	sadd.s32 @!p0 $0x100000, s1;
	[bflag:$0x2] =	sbarrier.arrive $0xFFFF  }
0x16b: {  	[sflag:s0] =	ssyncadd.tile.s32 @!p0 $0x1;
	_ =	shalt  }
.Lfunc_end2:
_tile_overlayer_lowered:
.L_overlay_start_2:
0x16c: {  	(tag) =	ssettag $0x2  }
0x16d: {  	s0 =	rddreg [dreg:$0x0];
	s2 =	stileid.u32  }
0x16e: {  	s1 =	rddreg [dreg:$0x1];
	p0 =	sne.s32 s2, $0x0  }
0x16f: {  	s3 =	rddreg [dreg:$0x2];
	[bflag:$0x3] =	sbarrier.arrive $0xFFFF;
	s2 =	simm.s32 @!p0 $0x1C09  }
0x170: {  	[timem:s3], [sflag:s2] =	dma.local @!p0 [hbm:s0], s1  }
0x171: {  	s0 =	simm.s32 @!p0 $0x9  }
0x172: {  	_ =	swait.ge @!p0 [sflag:s0], s1  }
0x173: {  	s1 =	ssub.s32 @!p0 $0x0, s1;
	[sflag:s0] =	ssyncset.done @!p0 $0x0  }
0x174: {  	[sflag:s0] =	ssyncadd.s32 @!p0 s1  }
0x175: {  	[bflag:$0x3] =	sbarrier.arrive $0xFFFF  }
0x176: {  	_ =	shalt  }

// kernel: sparse-core-data-format-call.cloned.1.call-start
scs
called_computation_lowered:
.L_overlay_start_0:
0x0: {  	s2 =	sld [smem:$0x3FD9]  }
0x1: {  	s3 =	sld [smem:$0x3FFE];
	_ =	sdelay $0x1  }
0x2: {  	s1 =	srdreg.scid  }
0x3: {  	s0 =	sand.u32 $0x1, s1  }
0x4: {  	s18 =	sshll.u32 s0, $0xA;
	s2 =	sadd.s32 s3, s2  }
0x5: {  	s2 =	sadd.s32 s2, s18  }
0x6: {  	[smem:$0x3FC6] =	sst s2  }
0x7: {  	_ = 	snop  }
0x8: {  	s2 =	sld [smem:$0x3FD0];
	(tm) =	ssettm $0x1  }
0x9: {  	s19 =	sld [smem:$0x3FFB];
	_ =	sdelay $0x3  }
0xa: {  	_ =	strace s19  }
0xb: {  	s3 =	sld [smem:$0x3FFC];
	_ =	sdelay $0x3  }
0xc: {  	_ =	strace s3  }
0xd: {  	s3 =	sld [smem:$0x3FFD];
	_ =	sdelay $0x3  }
0xe: {  	_ =	strace s3  }
0xf: {  	_ =	strace $0x8FFFFFFF  }
0x10: {  	s20 =	sld [smem:$0x3FDB];
	_ =	sdelay $0x1  }
0x11: {  	s4 =	simm.s32 $_scs_section_size  }
0x12: {  	s5 =	simm.s32 $_size__tile_overlayer_lowered;
	s6 =	simm.s32 $_tile_overlayer_lowered  }
0x13: {  	s23 =	simm.s32 $0x1BFF;
	s22 =	sshll.u32 s6, $0x1;
	s3 =	sadd.s32 s4, s20  }
0x14: {  	s7 =	simm.s32 $0x0;
	s21 =	sshll.u32 s5, $0x1;
	s5 =	sadd.s32 s22, s3  }
0x15: {  	[timem:s7], [sflag:s23] =	dma.local [hbm:s5], s21  }
0x16: {  	_ =	swait.ge [sflag:s23], s21  }
0x17: {  	s4 =	ssub.s32 $0x0, s21;
	[sflag:s23] =	ssyncset.done $0x0  }
0x18: {  	[sflag:s23] =	ssyncadd.s32 s4;
	_ =	sdelay $0x1  }
0x19: {  	s24 =	simm.s32 $0x1B8B  }
0x1a: {  	_ =	swait.ge [sflag:s24], $0x1  }
0x1b: {  	[sflag:s24] =	ssyncset.done $0x0  }
0x1c: {  	s26 =	simm.s32 $0x1B8E;
	s25 =	sld [smem:$0x3FFE];
	[sflag:s24] =	ssyncadd.s32 $0xFFFFFFFF  }
0x1d: {  	s27 =	simm.s32 $execute0_lowered;
	[smem:$0x3FD2] =	sst s26  }
0x1e: {  	s5 =	sshll.u32 s27, $0x1;
	_ =	strace $0x80000049;
	[dreg:$0x1] =	wrdreg $0xFFFFFFFF  }
0x1f: {  	s28 =	simm.s32 $_size_execute0_lowered;
	s3 =	sadd.s32 s3, s5;
	[dreg:$0x0] =	wrdreg $0x0  }
0x20: {  	s5 =	sshll.u32 s28, $0x1;
	[dreg:$0x2] =	wrdreg s3  }
0x21: {  	[dreg:$0x3] =	wrdreg s5  }
0x22: {  	[dreg:$0x4] =	wrdreg $0xC0  }
0x23: {  	_ =	task [dreg:s7], $0x5FFFF  }
0x24: {  	[dreg:$0x1] =	wrdreg $0xFFFFFFFF  }
0x25: {  	[dreg:$0x0] =	wrdreg $0x60  }
0x26: {  	[dreg:$0x2] =	wrdreg s25  }
0x27: {  	[dreg:$0x3] =	wrdreg s2  }
0x28: {  	[dreg:$0x4] =	wrdreg $0x9  }
0x29: {  	_ =	task.clear_ibuf [dreg:s7], $0x5FFFF;
	_ =	strace $0x90000049  }
0x2a: {  	s29 =	simm.s32 $0x9;
	_ =	strace $0x8000004B  }
0x2b: {  	_ =	swait.ge [sflag:s29], $0x1  }
0x2c: {  	[sflag:s29] =	ssyncadd.s32 $0xFFFFFFFF  }
0x2d: {  	_ =	strace $0x9000004B  }
0x2e: {  	_ =	sfence  }
0x2f: {  	s30 =	sld [smem:$0x0];
	_ =	sdelay $0x2  }
0x30: {  	s31 =	sshll.u32 s1, $0xD;
	s1 =	sshrl.u32 s1, $0x2  }
0x31: {  	s3 =	sand.u32 $0x4000, s31;
	s1 =	sadd.s32 s1, s30  }
0x32: {  	s0 =	sor.u32 s3, s0;
	s1 =	sshll.u32 s1, $0x11  }
0x33: {  	s0 =	sor.u32 s1, s0  }
0x34: {  	s0 =	sadd.s32 $0x8F2B, s0  }
0x35: {  	[sflag:s0] =	ssyncadd.remote.s32 $0x1  }
0x36: {  	_ =	sfence.sel $0xFFFF  }
0x37: {  	[dreg:$0x0] =	wrdreg $0xFFFFFFFF;
	(pc) =	sbr.abs _section_cstart, $3  }
0x38: {  	[dreg:$0x1] =	wrdreg $0xFFFFFFFF  }
0x39: {  	_ =	task.clear_ibuf [dreg:s7], $0x2FFFF;
	_ =	strace $0x9FFFFFFF  }
0x3a: {  	(tm) =	ssettm $0x7FFFFFFF  }
0x3b: {  	_ =	shalt  }
tec
execute0_lowered:
.L_overlay_start_1:
0x0: {  	(tag) =	ssettag $0x1  }
0x1: {  	s0 =	srdreg.scid  }
0x2: {  	s1 =	sshll.u32 s0, $0x4  }
0x3: {  	s0 =	stileid.u32;
	s1 =	sand.u32 $0x10, s1  }
0x4: {  	s1 =	sor.u32 s0, s1  }
0x5: {  	s6 =	rddreg [dreg:$0x0];
	s4 =	simm.s32 $0x1;
	s2 =	sshll.u32 s1, $0x7  }
0x6: {  	s7 =	simm.s32 $0x2;
	s12 =	simm.s32 $0x0;
	s1 =	ssub.s32 $0x1000, s2  }
0x7: {  	s8 =	simm.s32 $0x8000;
	s13 =	simm.s32 $0x0;
	s3 =	sand.u32 $0xF80, s1  }
0x8: {  	s9 =	simm.s32 $0x0;
	s5 =	sshrl.u32 s1, $0xC;
	p0 =	sne.s32 s3, $0x0  }
.Ltmp0:
0x9: {  	s1 =	rddreg [dreg:$0x2];
	s4 =	simm.s32 @!p0 $0x0;
	(pc) =	sbr.rel .LBB1_1-.Ltmp0, $4  }
0xa: {  	s11 =	simm.s32 $0x0;
	s3 =	rddreg [dreg:$0x1];
	s5 =	sadd.s32 s4, s5  }
0xb: {  	_ =	strace $0x8000004A;
	s4 =	simm.s32 $0x1;
	s5 =	smul.u32 $0xC8, s5  }
0xc: {  	s6 =	sadd.s32 $0xA00, s6;
	s10 =	smov.u32 s2;
	[sflag:s4] =	ssyncpa.u1 $0x0  }
0xd: {  	p0 =	por $0x0, $0x0;
	[sflag:s7] =	ssyncpa.u1 $0x0;
	s7 =	sor.u32 $0x1, s5  }
.LBB1_4:
0xe: {  	s16 =	sshll.u32 s13, $0x3;
	s17 =	sand.u32 $0x78, s13  }
0xf: {  	s30 =	sand.u32 $0x7E00, s13;
	s12 =	sshll.u32 s12, $0xF;
	s16 =	sand.u32 $0xC00, s16  }
0x10: {  	[tilespmem:s15+$0x810 ss:$0x81] =	vst.msk $0xffff, v2;
	s31 =	sand.u32 $0x7, s13;
	s16 =	sor.u32 s17, s16;
	s17 =	sadd.s32 s3, s30  }
0x11: {  	[tilespmem:s15+$0x1020 ss:$0x81] =	vst.msk $0xffff, v0;
	s13 =	sshll.u32 s31, $0x12;
	s12 =	sadd.s32 s12, s17;
	s16 =	sshrl.u32 s16, $0x3  }
0x12: {  	[tilespmem:s15+$0x0 ss:$0x81] =	vst.msk $0xffff, v1;
	s13 =	sor.u32 $0x400, s13;
	s12 =	sadd.s32 s16, s12  }
0x13: {  	[hbm4b:s12+s13] =	stream.strided.scatter [tilespmem:s14], [sflag:$0x2], $0x2000, s8, s13, $0x20;
	[tilespmem:$0x8080] =	vst v63  }
.LBB1_5:
0x14: {  	s14 =	sadd.s32 $0x1, s9  }
0x15: {  	s12 =	sadd.s32 $0x1000, s10;
	s16 =	smov.u32 s10;
	p2 =	sgt.s32 s14, $0xC7  }
0x16: {  	s16 =	smov.u32 @p2 s12  }
0x17: {  	s14 =	simm.s32 @p2 $0x0;
	p2 =	sgt.s32 s16, $0xFFF  }
0x18: {  	s16 =	smov.u32 @p2 s2;
	p2 =	sne.s32 s11, s7  }
.Ltmp1:
0x19: {  	p1 =	slt.u32 s11, $0x2;
	(pc) =	sbr.rel @!p2 .LBB1_6-.Ltmp1, $4  }
0x1a: {  	s15 =	simm.s32 @!p1 $0x2  }
0x1b: {  	s13 =	smov.u32 s10;
	p0 =	por !p0, !p0;
	_ =	swait.ge @!p1 [sflag:s15], $0x2000  }
0x1c: {  	s12 =	smov.u32 s9;
	[sflag:s15] =	ssyncset.done @!p1 $0x0;
	s9 =	smov.u32 s14  }
0x1d: {  	s11 =	sadd.s32 $0x1, s11;
	[sflag:s15] =	ssyncadd.s32 @!p1 $0xFFFFE000;
	s10 =	smov.u32 s16  }
.LBB1_1:
0x1e: {  	p1 =	sge.u32 s11, s5  }
0x1f: {  	s14 =	sand.u32 @!p1 $0x1FFFFFF, s9  }
0x20: {  	s15 =	smulhi.u32 @!p1 $0x147AE15, s14;
	_ =	sdelay $0x1  }
0x21: {  	s15 =	smul.u32 @!p1 $0xC8, s15  }
0x22: {  	s16 =	sxor.u32 @!p1 $0xFFFFFFFF, s11;
	s17 =	smul.u32 @!p1 $0xC80, s10  }
0x23: {  	s31 =	sadd.s32 $0xFFFFFFFF, s11;
	s16 =	sshll.u32 @!p1 s16, $0xD;
	s14 =	ssub.s32 @!p1 s14, s15  }
0x24: {  	s15 =	sand.u32 @!p1 $0x2000, s16;
	s16 =	sadd.s32 @!p1 s6, s17;
	s14 =	sshll.u32 @!p1 s14, $0x4  }
0x25: {  	s17 =	simm.s32 @!p1 $0x6400;
	s14 =	sadd.s32 @!p1 s14, s16;
	s16 =	simm.s32 @!p1 $0x40  }
0x26: {  	[tilespmem:s15], [sflag:$0x1] =	stream.strided.gather @!p1 [hbm4b:s14+s16], $0x2000, s17, s16, $0x38;
	[tilespmem:$0x8080] =	vst v63  }
0x27: {  	p1 =	sge.u32 s31, s5  }
.Ltmp2:
0x28: {  	_ = 	snop;
	(pc) =	sbr.rel @p1 .LBB1_5-.Ltmp2, $1  }
0x29: {  	_ =	sdelay $0x3  }
0x2a: {  	s14 =	simm.s32 $0x1  }
0x2b: {  	_ =	swait.ge [sflag:s4], $0x2000;
	s14 =	simm.s32 @!p0 $0x0  }
0x2c: {  	[sflag:s4] =	ssyncset.done $0x0;
	s15 =	sshll.u32 s14, $0xD  }
0x2d: {  	[sflag:s4] =	ssyncadd.s32 $0xFFFFE000;
	s18 =	sor.u32 $0x20, s15  }
0x2e: {  	s14 =	smul.u32 $0x8100, s14;
	v3 =	vld [tilespmem:s18+$0x10]  }
0x2f: {  	s30 =	sand.u32 $0x1, s11;
	v2 =	vld [tilespmem:s18+$0xFFFFFFF0]  }
0x30: {  	s15 =	smul.u32 $0x8100, s30;
	s14 =	sshrl.u32 s14, $0x2;
	v0 =	vld [tilespmem:s18+$0x0]  }
0x31: {  	v1 =	vld [tilespmem:s18+$0xFFFFFFE0];
	s16 =	sor.u32 $0x4000, s14  }
0x32: {  	s31 =	sshrl.u32 s15, $0x2;
	s15 =	sadd.s32 $0x0, s16  }
0x33: {  	s17 =	simm.s32 $0x4;
	s18 =	sadd.s32 $0x40, s18;
	s14 =	sor.u32 $0x4000, s31;
	[tilespmem:s15+$0x1830 ss:$0x81] =	vst.msk $0xffff, v3  }
.LBB1_3:
0x34: {  	v3 =	vld [tilespmem:s18+$0x10];
	p1 =	sne.s32 s17, $0x1FC;
	[tilespmem:s15+$0x810 ss:$0x81] =	vst.msk $0xffff, v2;
	s19 =	smov.u32 s17;
	s17 =	sadd.s32 $0x4, s17  }
.Ltmp3:
0x35: {  	v2 =	vld [tilespmem:s18+$0xFFFFFFF0];
	[tilespmem:s15+$0x1020 ss:$0x81] =	vst.msk $0xffff, v0;
	(pc) =	sbr.rel @p1 .LBB1_3-.Ltmp3, $4  }
0x36: {  	v0 =	vld [tilespmem:s18+$0x0];
	[tilespmem:s15+$0x0 ss:$0x81] =	vst.msk $0xffff, v1  }
0x37: {  	s15 =	sshra.s32 s19, $0x2;
	v1 =	vld [tilespmem:s18+$0xFFFFFFE0]  }
0x38: {  	s15 =	sadd.s32 s15, s16  }
0x39: {  	s18 =	sadd.s32 $0x40, s18;
	[tilespmem:s15+$0x1830 ss:$0x81] =	vst.msk $0xffff, v3  }
.Ltmp4:
0x3a: {  	_ = 	snop;
	(pc) =	sbr.rel .LBB1_4-.Ltmp4, $1  }
0x3b: {  	_ =	sdelay $0x3  }
.LBB1_6:
0x3c: {  	_ =	sfence.sel $0x180000  }
0x3d: {  	s2 =	simm.s32 $0x1;
	[bflag:$0x0] =	sbarrier.arrive $0xFFFF  }
0x3e: {  	s31 =	simm.s32 $0x2;
	[sflag:s2] =	ssyncpa.u1 $0x1  }
0x3f: {  	[sflag:s31] =	ssyncpa.u1 $0x1  }
0x40: {  	p0 =	sne.s32 s0, $0x0;
	_ =	strace $0x9000004A  }
0x41: {  	s0 =	sadd.s32 @!p0 $0x100000, s1;
	[bflag:$0x2] =	sbarrier.arrive $0xFFFF  }
0x42: {  	[sflag:s0] =	ssyncadd.tile.s32 @!p0 $0x1;
	_ =	shalt  }
.Lfunc_end1:
_tile_overlayer_lowered:
.L_overlay_start_2:
0x43: {  	(tag) =	ssettag $0x2  }
0x44: {  	s0 =	rddreg [dreg:$0x0];
	s2 =	stileid.u32  }
0x45: {  	s1 =	rddreg [dreg:$0x1];
	p0 =	sne.s32 s2, $0x0  }
0x46: {  	s3 =	rddreg [dreg:$0x2];
	[bflag:$0x3] =	sbarrier.arrive $0xFFFF;
	s2 =	simm.s32 @!p0 $0x1C01  }
0x47: {  	[timem:s3], [sflag:s2] =	dma.local @!p0 [hbm:s0], s1  }
0x48: {  	s0 =	simm.s32 @!p0 $0x1  }
0x49: {  	_ =	swait.ge @!p0 [sflag:s0], s1  }
0x4a: {  	s1 =	ssub.s32 @!p0 $0x0, s1;
	[sflag:s0] =	ssyncset.done @!p0 $0x0  }
0x4b: {  	[sflag:s0] =	ssyncadd.s32 @!p0 s1  }
0x4c: {  	[bflag:$0x3] =	sbarrier.arrive $0xFFFF  }
0x4d: {  	_ =	shalt  }

</sc_bundles>
